<compile_context>
chip_gen: v7x
topology: tpu7x:2x2x1
jax: 0.10.2.dev20260603
libtpu: 0.0.44.dev20260713+nightly
codegen_flags: <defaults>
</compile_context>

<pallas_src>
import functools

import jax
import jax.numpy as jnp
from jax import lax
from jax.experimental import pallas as pl
from jax.experimental.pallas import tpu as pltpu
from jax.experimental.pallas import tpu_sc as plsc

N = 10000
E = 320000
D = 128
H = 128
C = 40
HH = 64

NC = 2
NS = 16
NW = NC * NS
MB = 128
K = E // (NW * MB) + 1
KA = {128: 112, 64: 106}
KAMAX = max(KA.values())
KT = NS * 2 * K
ACCROWS = ((N + 1 + MB - 1) // MB) * MB
EPAD = KT * MB
RPT = 624
RPT_LAST = N - (NS - 1) * RPT
DEGW = 16


@functools.lru_cache(maxsize=None)
def _mesh():
    return plsc.VectorSubcoreMesh(core_axis_name="c", subcore_axis_name="s")


def _fill(ref, rows, cols, value):
    v16 = jnp.full((16,), value, jnp.float32)

    def row(i, _):
        def col(l, __):
            ref[i, pl.ds(l * 16, 16)] = v16
            return 0
        return lax.fori_loop(0, cols // 16, col, 0)

    lax.fori_loop(0, rows, row, 0)


def _zero_acc(zref, acc, sid):
    nchunks = ACCROWS // MB

    def step(t, _):
        cid = t * NS + sid

        @pl.when(cid < nchunks)
        def _():
            pltpu.sync_copy(zref, acc.at[pl.ds(cid * MB, MB)])
        return 0

    lax.fori_loop(0, (nchunks + NS - 1) // NS, step, 0)


def _copy_out(acc, out, cid, sid):

    @pl.when(sid < NS - 1)
    def _():
        pltpu.sync_copy(acc.at[pl.ds(sid * RPT, RPT)],
                        out.at[pl.ds(cid * N + sid * RPT, RPT)])

    @pl.when(sid == NS - 1)
    def _():
        pltpu.sync_copy(acc.at[pl.ds((NS - 1) * RPT, RPT_LAST)],
                        out.at[pl.ds(cid * N + (NS - 1) * RPT, RPT_LAST)])


def _agg_phase(h, out, srcb, dstb, src_v, dst_v, rows_v, acc, sem0,
               cid, sid, hp):
    ka = KA[hp]
    kb = 2 * K - ka
    plsc.subcore_barrier()
    _fill(rows_v, MB, hp, 0.0)
    _zero_acc(rows_v, acc, sid)
    plsc.subcore_barrier()

    def work(kc, start):
        pltpu.sync_copy(srcb.at[pl.ds(start, kc)], src_v.at[pl.ds(0, kc)])
        pltpu.sync_copy(dstb.at[pl.ds(start, kc)], dst_v.at[pl.ds(0, kc)])

        def step(g, _):
            pltpu.async_copy(h.at[src_v.at[g]], rows_v, sem0).wait()
            pltpu.sync_copy(rows_v, acc.at[dst_v.at[g]], add=True)
            return 0

        lax.fori_loop(0, kc, step, 0)

    @pl.when(cid == 0)
    def _():
        work(ka, sid * ka)

    @pl.when(cid == 1)
    def _():
        work(kb, NS * ka + sid * kb)

    plsc.subcore_barrier()
    _copy_out(acc, out, cid, sid)


@functools.lru_cache(maxsize=None)
def _make_deg_kernel():
    @functools.partial(
        pl.kernel,
        out_type=jax.ShapeDtypeStruct((2 * N, DEGW), jnp.float32),
        mesh=_mesh(),
        compiler_params=pltpu.CompilerParams(use_tc_tiling_on_sc=False),
        scratch_types=[
            pltpu.VMEM((K, MB), jnp.int32),
            pltpu.VMEM((MB, DEGW), jnp.float32),
            pltpu.VMEM((MB, DEGW), jnp.float32),
            pltpu.VMEM_SHARED((ACCROWS, DEGW), jnp.float32),
        ],
    )
    def deg_kernel(dstb, out, idx_v, ones_v, zero_v, acc):
        cid = lax.axis_index("c")
        sid = lax.axis_index("s")
        w = cid * NS + sid
        _fill(ones_v, MB, DEGW, 1.0)
        _fill(zero_v, MB, DEGW, 0.0)
        _zero_acc(zero_v, acc, sid)
        pltpu.sync_copy(dstb.at[pl.ds(w * K, K)], idx_v)
        plsc.subcore_barrier()

        def step(j, _):
            pltpu.sync_copy(ones_v, acc.at[idx_v.at[j]], add=True)
            return 0

        lax.fori_loop(0, K, step, 0)
        plsc.subcore_barrier()
        _copy_out(acc, out, cid, sid)

    return deg_kernel


@functools.lru_cache(maxsize=None)
def _make_agg_kernel(hp):
    @functools.partial(
        pl.kernel,
        out_type=jax.ShapeDtypeStruct((2 * N, hp), jnp.float32),
        mesh=_mesh(),
        compiler_params=pltpu.CompilerParams(use_tc_tiling_on_sc=False),
        scratch_types=[
            pltpu.VMEM((max(KA[hp], 2 * K - KA[hp]), MB), jnp.int32),
            pltpu.VMEM((max(KA[hp], 2 * K - KA[hp]), MB), jnp.int32),
            pltpu.VMEM((MB, hp), jnp.float32),
            pltpu.VMEM_SHARED((ACCROWS, hp), jnp.float32),
            pltpu.SemaphoreType.DMA,
        ],
    )
    def agg_kernel(h, srcb, dstb, out, src_v, dst_v, rows_v, acc, sem0):
        cid = lax.axis_index("c")
        sid = lax.axis_index("s")
        _agg_phase(h, out, srcb, dstb, src_v, dst_v, rows_v, acc, sem0,
                   cid, sid, hp)

    return agg_kernel


def _dinv_from(degp_ref):
    degc = degp_ref[0:N, 0:1] + degp_ref[N:2 * N, 0:1] + 1.0
    return lax.rsqrt(degc)


def _combine(p_ref, h_ref):
    return p_ref[0:N] + p_ref[N:2 * N] + h_ref[...]


def _t1_body(x_ref, w_ref, degp_ref, o_ref):
    dinv = _dinv_from(degp_ref)
    o_ref[...] = jnp.dot(x_ref[...], w_ref[...],
                         preferred_element_type=jnp.float32) * dinv


def _tmid_body(p_ref, hs_ref, degp_ref, b_ref, g_ref, be_ref, w_ref, o_ref):
    dinv = _dinv_from(degp_ref)
    a = _combine(p_ref, hs_ref) * dinv + b_ref[...]
    mean = jnp.mean(a, axis=0, keepdims=True)
    var = jnp.mean((a - mean) ** 2, axis=0, keepdims=True)
    y = (a - mean) * lax.rsqrt(var + 1e-5) * g_ref[...] + be_ref[...]
    y = jnp.maximum(y, 0.0)
    o_ref[...] = jnp.dot(y, w_ref[...],
                         preferred_element_type=jnp.float32) * dinv


def _t4_body(p_ref, hs_ref, degp_ref, b_ref, o_ref):
    dinv = _dinv_from(degp_ref)
    a = _combine(p_ref, hs_ref) * dinv + b_ref[...]
    o_ref[...] = a[:, 0:C]


def kernel(x, edge_index, W1, b1, g1, be1, W2, b2, g2, be2, W3, b3):
    pad = EPAD - E
    src = jnp.concatenate([edge_index[0], jnp.zeros((pad,), jnp.int32)])
    dst = jnp.concatenate([edge_index[1], jnp.full((pad,), N, jnp.int32)])
    srcb = src.reshape(KT, MB)
    dstb = dst.reshape(KT, MB)
    W3p = jnp.pad(W3, ((0, 0), (0, HH - C)))
    b3p = jnp.pad(b3, (0, HH - C)).reshape(1, HH)

    degp = _make_deg_kernel()(dstb)
    agg_h = _make_agg_kernel(H)
    agg_c = _make_agg_kernel(HH)
    tc_params = pltpu.CompilerParams(vmem_limit_bytes=100 * 1024 * 1024)

    t1 = pl.pallas_call(
        _t1_body, compiler_params=tc_params,
        out_shape=jax.ShapeDtypeStruct((N, H), jnp.float32))
    h1 = t1(x, W1, degp)
    p1 = agg_h(h1, srcb, dstb)

    tmid = pl.pallas_call(
        _tmid_body, compiler_params=tc_params,
        out_shape=jax.ShapeDtypeStruct((N, H), jnp.float32))
    h2 = tmid(p1, h1, degp, b1.reshape(1, H), g1.reshape(1, H),
              be1.reshape(1, H), W2)
    p2 = agg_h(h2, srcb, dstb)

    t3 = pl.pallas_call(
        _tmid_body, compiler_params=tc_params,
        out_shape=jax.ShapeDtypeStruct((N, HH), jnp.float32))
    h3 = t3(p2, h2, degp, b2.reshape(1, H), g2.reshape(1, H),
            be2.reshape(1, H), W3p)
    p3 = agg_c(h3, srcb, dstb)

    t4 = pl.pallas_call(
        _t4_body, compiler_params=tc_params,
        out_shape=jax.ShapeDtypeStruct((N, C), jnp.float32))
    return t4(p3, h3, degp, b3p)

# --- scband reference (transcript-rebuilt; emitter-appended) ---
"""Pipeline reference for scband-node-classifier-14912126451785 (READ-ONLY COPY).

The authoritative reference and input builder live on the scoring server;
editing this copy changes nothing except your own understanding.
"""

import jax, jax.numpy as jnp
import numpy as np

N = 10000
E = 320000
D = 128
H = 128
C = 40


def gcn_conv(x, edge_index, W, b):
    # PyG-style GCNConv: linear transform, add self-loops, sym-normalized aggregation, bias
    h = x @ W
    src = edge_index[0]
    dst = edge_index[1]
    loops = jnp.arange(N, dtype=src.dtype)
    src = jnp.concatenate([src, loops])
    dst = jnp.concatenate([dst, loops])
    deg = jax.ops.segment_sum(jnp.ones(src.shape[0], dtype=h.dtype), dst, num_segments=N)
    dinv = jax.lax.rsqrt(jnp.maximum(deg, 1e-12))
    norm = dinv[src] * dinv[dst]
    msgs = h[src] * norm[:, None]
    out = jax.ops.segment_sum(msgs, dst, num_segments=N)
    return out + b


def batch_norm(x, gamma, beta, eps=1e-5):
    # nn.BatchNorm1d in training mode (batch statistics, biased variance)
    mean = jnp.mean(x, axis=0)
    var = jnp.mean((x - mean) ** 2, axis=0)
    return (x - mean) * jax.lax.rsqrt(var + eps) * gamma + beta


def setup_inputs(seed: int = 0):
    key = jax.random.key(seed)
    ks = jax.random.split(key, 12)
    x = jax.random.normal(ks[0], (N, D), dtype=jnp.float32)
    edge_index = jax.random.randint(ks[1], (2, E), 0, N, dtype=jnp.int32)
    W1 = jax.random.normal(ks[2], (D, H), dtype=jnp.float32) / np.sqrt(D)
    b1 = jnp.zeros((H,), dtype=jnp.float32)
    g1 = jnp.ones((H,), dtype=jnp.float32)
    be1 = jnp.zeros((H,), dtype=jnp.float32)
    W2 = jax.random.normal(ks[3], (H, H), dtype=jnp.float32) / np.sqrt(H)
    b2 = jnp.zeros((H,), dtype=jnp.float32)
    g2 = jnp.ones((H,), dtype=jnp.float32)
    be2 = jnp.zeros((H,), dtype=jnp.float32)
    W3 = jax.random.normal(ks[4], (H, C), dtype=jnp.float32) / np.sqrt(H)
    b3 = jnp.zeros((C,), dtype=jnp.float32)
    return {"x": x, "edge_index": edge_index, "W1": W1, "b1": b1, "g1": g1, "be1": be1,
            "W2": W2, "b2": b2, "g2": g2, "be2": be2, "W3": W3, "b3": b3}


def reference(x, edge_index, W1, b1, g1, be1, W2, b2, g2, be2, W3, b3):
    # dropout p=0.0 -> no-op
    h = gcn_conv(x, edge_index, W1, b1)
    h = batch_norm(h, g1, be1)
    h = jax.nn.relu(h)
    h = gcn_conv(h, edge_index, W2, b2)
    h = batch_norm(h, g2, be2)
    h = jax.nn.relu(h)
    out = gcn_conv(h, edge_index, W3, b3)
    return out

if __name__ == "__main__":
    import jax
    _d = setup_inputs()
    print(jax.jit(kernel)(*tuple(_d.values())))

</pallas_src>

<mosaic_0001>
#map = affine_map<(d0, d1) -> (0, 0)>
module attributes {stable_mosaic.version = 14 : i64} {
  func.func @agg_kernel(%arg0: i32, %arg1: i32, %arg2: memref<10000x64xf32, #tpu.memory_space<hbm>>, %arg3: memref<2528x128xi32, #tpu.memory_space<hbm>>, %arg4: memref<2528x128xi32, #tpu.memory_space<hbm>>, %arg5: memref<20000x64xf32, #tpu.memory_space<hbm>>, %arg6: memref<106x128xi32, #tpu.memory_space<vmem>>, %arg7: memref<106x128xi32, #tpu.memory_space<vmem>>, %arg8: memref<128x64xf32, #tpu.memory_space<vmem>>, %arg9: memref<10112x64xf32, #tpu.memory_space<vmem_shared>>, %arg10: memref<!tpu.dma_semaphore, #tpu.memory_space<semaphore_mem>>) attributes {dimension_semantics = [#tpu.dimension_semantics<core_parallel>, #tpu.dimension_semantics<subcore_parallel>], iteration_bounds = array<i64: 2, 16>, scalar_prefetch = 0 : i64, scratch_operands = 5 : i64, tpu.core_type = #tpu.core_type<sc_vector_subcore>, window_params = [{transform_indices = #map}, {transform_indices = #map}, {transform_indices = #map}, {transform_indices = #map}]} {
    %barrier3A = arith.constant 0 : index
    tpu.barrier barrier_id(%barrier3A)
    %broadcast_in_dim3A = arith.constant 0.000000e+00 : f32
    %broadcast_in_dim3A_0 = vector.broadcast %broadcast_in_dim3A : f32 to vector<16xf32>
    %scan3A = arith.constant 0 : i32
    %scan3A_1 = arith.constant 0 : i32
    %scan3A_2 = arith.constant 128 : i32
    %scan3A_3 = arith.addi %scan3A_1, %scan3A_2 : i32
    %scan3A_4 = arith.constant 1 : i32
    %scan3A_5 = scf.for %scan3A_32 = %scan3A_1 to %scan3A_3 step %scan3A_4 iter_args(%scan3A_33 = %scan3A) -> (i32)  : i32 {
      %scan3A_34 = arith.constant 0 : i32
      %scan3A_35 = arith.constant 0 : i32
      %scan3A_36 = arith.constant 4 : i32
      %scan3A_37 = arith.addi %scan3A_35, %scan3A_36 : i32
      %scan3A_38 = arith.constant 1 : i32
      %scan3A_39 = scf.for %scan3A_41 = %scan3A_35 to %scan3A_37 step %scan3A_38 iter_args(%scan3A_42 = %scan3A_34) -> (i32)  : i32 {
        %mul3A = arith.constant 16 : i32
        %mul3A_43 = arith.muli %scan3A_41, %mul3A : i32
        %swap3A = arith.index_cast %scan3A_32 : i32 to index
        %swap3A_44 = arith.index_cast %mul3A_43 : i32 to index
        %swap3A_45 = tpu.vector_load %arg8[%swap3A, %swap3A_44] {strides = array<i32>} : memref<128x64xf32, #tpu.memory_space<vmem>>, vector<1x16xf32>,
        %swap3A_46 = vector.shape_cast %swap3A_45 : vector<1x16xf32> to vector<16xf32>
        %swap3A_47 = vector.shape_cast %broadcast_in_dim3A_0 : vector<16xf32> to vector<1x16xf32>
        tpu.vector_store %arg8[%swap3A, %swap3A_44], %swap3A_47 {strides = array<i32>} : memref<128x64xf32, #tpu.memory_space<vmem>>, vector<1x16xf32>,
        %scan3A_48 = arith.constant 0 : i32
        scf.yield %scan3A_48 : i32
      }
      %scan3A_40 = arith.constant 4 : i32
      scf.yield %scan3A_39 : i32
    }
    %scan3A_6 = arith.constant 128 : i32
    %scan3A_7 = arith.constant 0 : i32
    %scan3A_8 = arith.constant 0 : i32
    %scan3A_9 = arith.constant 5 : i32
    %scan3A_10 = arith.addi %scan3A_8, %scan3A_9 : i32
    %scan3A_11 = arith.constant 1 : i32
    %scan3A_12 = scf.for %scan3A_32 = %scan3A_8 to %scan3A_10 step %scan3A_11 iter_args(%scan3A_33 = %scan3A_7) -> (i32)  : i32 {
      %mul3A = arith.constant 16 : i32
      %mul3A_34 = arith.muli %scan3A_32, %mul3A : i32
      %add3A = arith.addi %mul3A_34, %arg1 : i32
      %lt3A_35 = arith.constant 79 : i32
      %lt3A_36 = arith.cmpi slt, %add3A, %lt3A_35 : i32
      %convert_element_type3A_37 = arith.extui %lt3A_36 : i1 to i32
      %cond3A_38 = arith.constant 0 : i32
      %cond3A_39 = arith.cmpi ne, %convert_element_type3A_37, %cond3A_38 : i32
      scf.if %cond3A_39 {
        %mul3A_41 = arith.constant 128 : i32
        %mul3A_42 = arith.muli %add3A, %mul3A_41 : i32
        "tpu.region"() ({
          %run_scoped3A = tpu.sem_alloc : memref<!tpu.dma_semaphore, #tpu.memory_space<semaphore_mem>>
          %dma_start3A = arith.constant 0 : i32
          %dma_start3A_43 = tpu.memref_slice %arg9[%mul3A_42, %dma_start3A] : memref<10112x64xf32, #tpu.memory_space<vmem_shared>> -> memref<128x64xf32, #tpu.memory_space<vmem_shared>>
          %dma_start3A_44 = arith.constant 0 : i32
          %dma_start3A_45 = tpu.memref_slice %arg9[%mul3A_42, %dma_start3A_44] : memref<10112x64xf32, #tpu.memory_space<vmem_shared>> -> memref<128x64xf32, #tpu.memory_space<vmem_shared>>
          tpu.enqueue_dma source(%arg8 : memref<128x64xf32, #tpu.memory_space<vmem>>) target(%dma_start3A_45 : memref<128x64xf32, #tpu.memory_space<vmem_shared>>) target_semaphore(%run_scoped3A : memref<!tpu.dma_semaphore, #tpu.memory_space<semaphore_mem>>)
          %dma_wait3A = arith.constant 0 : i32
          %dma_wait3A_46 = tpu.memref_slice %arg9[%mul3A_42, %dma_wait3A] : memref<10112x64xf32, #tpu.memory_space<vmem_shared>> -> memref<128x64xf32, #tpu.memory_space<vmem_shared>>
          %dma_wait3A_47 = arith.constant 0 : i32
          %dma_wait3A_48 = tpu.memref_slice %arg9[%mul3A_42, %dma_wait3A_47] : memref<10112x64xf32, #tpu.memory_space<vmem_shared>> -> memref<128x64xf32, #tpu.memory_space<vmem_shared>>
          tpu.wait_dma2 semaphore(%run_scoped3A : memref<!tpu.dma_semaphore, #tpu.memory_space<semaphore_mem>>) src(%arg8 : memref<128x64xf32, #tpu.memory_space<vmem>>) dst(%dma_wait3A_48 : memref<128x64xf32, #tpu.memory_space<vmem_shared>>)
          tpu.yield
        }) : () -> ()
      } else {
      }
      %scan3A_40 = arith.constant 0 : i32
      scf.yield %scan3A_40 : i32
    }
    %scan3A_13 = arith.constant 5 : i32
    %barrier3A_14 = arith.constant 0 : index
    tpu.barrier barrier_id(%barrier3A_14)
    %eq3A = arith.constant 0 : i32
    %eq3A_15 = arith.cmpi eq, %arg0, %eq3A : i32
    %convert_element_type3A = arith.extui %eq3A_15 : i1 to i32
    %cond3A = arith.constant 0 : i32
    %cond3A_16 = arith.cmpi ne, %convert_element_type3A, %cond3A : i32
    scf.if %cond3A_16 {
      %mul3A = arith.constant 106 : i32
      %mul3A_32 = arith.muli %arg1, %mul3A : i32
      "tpu.region"() ({
        %run_scoped3A = tpu.sem_alloc : memref<!tpu.dma_semaphore, #tpu.memory_space<semaphore_mem>>
        %dma_start3A = arith.constant 0 : i32
        %dma_start3A_40 = arith.constant 0 : i32
        %dma_start3A_41 = tpu.memref_slice %arg6[%dma_start3A, %dma_start3A_40] : memref<106x128xi32, #tpu.memory_space<vmem>> -> memref<106x128xi32, #tpu.memory_space<vmem>>
        %dma_start3A_42 = arith.constant 0 : i32
        %dma_start3A_43 = tpu.memref_slice %arg3[%mul3A_32, %dma_start3A_42] : memref<2528x128xi32, #tpu.memory_space<hbm>> -> memref<106x128xi32, #tpu.memory_space<hbm>>
        %dma_start3A_44 = arith.constant 0 : i32
        %dma_start3A_45 = arith.constant 0 : i32
        %dma_start3A_46 = tpu.memref_slice %arg6[%dma_start3A_44, %dma_start3A_45] : memref<106x128xi32, #tpu.memory_space<vmem>> -> memref<106x128xi32, #tpu.memory_space<vmem>>
        %dma_start3A_47 = arith.constant 0 : i32
        %dma_start3A_48 = tpu.memref_slice %arg3[%mul3A_32, %dma_start3A_47] : memref<2528x128xi32, #tpu.memory_space<hbm>> -> memref<106x128xi32, #tpu.memory_space<hbm>>
        tpu.enqueue_dma source(%dma_start3A_48 : memref<106x128xi32, #tpu.memory_space<hbm>>) target(%dma_start3A_46 : memref<106x128xi32, #tpu.memory_space<vmem>>) target_semaphore(%run_scoped3A : memref<!tpu.dma_semaphore, #tpu.memory_space<semaphore_mem>>)
        %dma_wait3A = arith.constant 0 : i32
        %dma_wait3A_49 = arith.constant 0 : i32
        %dma_wait3A_50 = tpu.memref_slice %arg6[%dma_wait3A, %dma_wait3A_49] : memref<106x128xi32, #tpu.memory_space<vmem>> -> memref<106x128xi32, #tpu.memory_space<vmem>>
        %dma_wait3A_51 = arith.constant 0 : i32
        %dma_wait3A_52 = tpu.memref_slice %arg3[%mul3A_32, %dma_wait3A_51] : memref<2528x128xi32, #tpu.memory_space<hbm>> -> memref<106x128xi32, #tpu.memory_space<hbm>>
        %dma_wait3A_53 = arith.constant 0 : i32
        %dma_wait3A_54 = arith.constant 0 : i32
        %dma_wait3A_55 = tpu.memref_slice %arg6[%dma_wait3A_53, %dma_wait3A_54] : memref<106x128xi32, #tpu.memory_space<vmem>> -> memref<106x128xi32, #tpu.memory_space<vmem>>
        %dma_wait3A_56 = arith.constant 0 : i32
        %dma_wait3A_57 = tpu.memref_slice %arg3[%mul3A_32, %dma_wait3A_56] : memref<2528x128xi32, #tpu.memory_space<hbm>> -> memref<106x128xi32, #tpu.memory_space<hbm>>
        tpu.wait_dma2 semaphore(%run_scoped3A : memref<!tpu.dma_semaphore, #tpu.memory_space<semaphore_mem>>) src(%dma_wait3A_57 : memref<106x128xi32, #tpu.memory_space<hbm>>) dst(%dma_wait3A_55 : memref<106x128xi32, #tpu.memory_space<vmem>>)
        tpu.yield
      }) : () -> ()
      "tpu.region"() ({
        %run_scoped3A = tpu.sem_alloc : memref<!tpu.dma_semaphore, #tpu.memory_space<semaphore_mem>>
        %dma_start3A = arith.constant 0 : i32
        %dma_start3A_40 = arith.constant 0 : i32
        %dma_start3A_41 = tpu.memref_slice %arg7[%dma_start3A, %dma_start3A_40] : memref<106x128xi32, #tpu.memory_space<vmem>> -> memref<106x128xi32, #tpu.memory_space<vmem>>
        %dma_start3A_42 = arith.constant 0 : i32
        %dma_start3A_43 = tpu.memref_slice %arg4[%mul3A_32, %dma_start3A_42] : memref<2528x128xi32, #tpu.memory_space<hbm>> -> memref<106x128xi32, #tpu.memory_space<hbm>>
        %dma_start3A_44 = arith.constant 0 : i32
        %dma_start3A_45 = arith.constant 0 : i32
        %dma_start3A_46 = tpu.memref_slice %arg7[%dma_start3A_44, %dma_start3A_45] : memref<106x128xi32, #tpu.memory_space<vmem>> -> memref<106x128xi32, #tpu.memory_space<vmem>>
        %dma_start3A_47 = arith.constant 0 : i32
        %dma_start3A_48 = tpu.memref_slice %arg4[%mul3A_32, %dma_start3A_47] : memref<2528x128xi32, #tpu.memory_space<hbm>> -> memref<106x128xi32, #tpu.memory_space<hbm>>
        tpu.enqueue_dma source(%dma_start3A_48 : memref<106x128xi32, #tpu.memory_space<hbm>>) target(%dma_start3A_46 : memref<106x128xi32, #tpu.memory_space<vmem>>) target_semaphore(%run_scoped3A : memref<!tpu.dma_semaphore, #tpu.memory_space<semaphore_mem>>)
        %dma_wait3A = arith.constant 0 : i32
        %dma_wait3A_49 = arith.constant 0 : i32
        %dma_wait3A_50 = tpu.memref_slice %arg7[%dma_wait3A, %dma_wait3A_49] : memref<106x128xi32, #tpu.memory_space<vmem>> -> memref<106x128xi32, #tpu.memory_space<vmem>>
        %dma_wait3A_51 = arith.constant 0 : i32
        %dma_wait3A_52 = tpu.memref_slice %arg4[%mul3A_32, %dma_wait3A_51] : memref<2528x128xi32, #tpu.memory_space<hbm>> -> memref<106x128xi32, #tpu.memory_space<hbm>>
        %dma_wait3A_53 = arith.constant 0 : i32
        %dma_wait3A_54 = arith.constant 0 : i32
        %dma_wait3A_55 = tpu.memref_slice %arg7[%dma_wait3A_53, %dma_wait3A_54] : memref<106x128xi32, #tpu.memory_space<vmem>> -> memref<106x128xi32, #tpu.memory_space<vmem>>
        %dma_wait3A_56 = arith.constant 0 : i32
        %dma_wait3A_57 = tpu.memref_slice %arg4[%mul3A_32, %dma_wait3A_56] : memref<2528x128xi32, #tpu.memory_space<hbm>> -> memref<106x128xi32, #tpu.memory_space<hbm>>
        tpu.wait_dma2 semaphore(%run_scoped3A : memref<!tpu.dma_semaphore, #tpu.memory_space<semaphore_mem>>) src(%dma_wait3A_57 : memref<106x128xi32, #tpu.memory_space<hbm>>) dst(%dma_wait3A_55 : memref<106x128xi32, #tpu.memory_space<vmem>>)
        tpu.yield
      }) : () -> ()
      %scan3A_33 = arith.constant 0 : i32
      %scan3A_34 = arith.constant 0 : i32
      %scan3A_35 = arith.constant 106 : i32
      %scan3A_36 = arith.addi %scan3A_34, %scan3A_35 : i32
      %scan3A_37 = arith.constant 1 : i32
      %scan3A_38 = scf.for %scan3A_40 = %scan3A_34 to %scan3A_36 step %scan3A_37 iter_args(%scan3A_41 = %scan3A_33) -> (i32)  : i32 {
        %dma_start3A = arith.constant 0 : i32
        %dma_start3A_42 = tpu.memref_slice %arg6[%scan3A_40, %dma_start3A] : memref<106x128xi32, #tpu.memory_space<vmem>> -> memref<1x128xi32, #tpu.memory_space<vmem>>
        %dma_start3A_43 = tpu.memref_squeeze %dma_start3A_42 : memref<1x128xi32, #tpu.memory_space<vmem>> -> memref<128xi32, #tpu.memory_space<vmem>>
        %dma_start3A_44 = arith.constant 0 : i32
        %dma_start3A_45 = arith.constant 0 : i32
        %dma_start3A_46 = tpu.memref_slice %arg2[%dma_start3A_44, %dma_start3A_45] : memref<10000x64xf32, #tpu.memory_space<hbm>> -> memref<10000x64xf32, #tpu.memory_space<hbm>>
        tpu.enqueue_indirect_dma source(%dma_start3A_46 : memref<10000x64xf32, #tpu.memory_space<hbm>>) target(%arg8 : memref<128x64xf32, #tpu.memory_space<vmem>>) offsets(%dma_start3A_43 : memref<128xi32, #tpu.memory_space<vmem>>) semaphore(%arg10 : memref<!tpu.dma_semaphore, #tpu.memory_space<semaphore_mem>>)
        %dma_wait3A = arith.constant 0 : i32
        %dma_wait3A_47 = tpu.memref_slice %arg6[%scan3A_40, %dma_wait3A] : memref<106x128xi32, #tpu.memory_space<vmem>> -> memref<1x128xi32, #tpu.memory_space<vmem>>
        %dma_wait3A_48 = tpu.memref_squeeze %dma_wait3A_47 : memref<1x128xi32, #tpu.memory_space<vmem>> -> memref<128xi32, #tpu.memory_space<vmem>>
        %dma_wait3A_49 = arith.constant 0 : i32
        %dma_wait3A_50 = arith.constant 0 : i32
        %dma_wait3A_51 = tpu.memref_slice %arg2[%dma_wait3A_49, %dma_wait3A_50] : memref<10000x64xf32, #tpu.memory_space<hbm>> -> memref<10000x64xf32, #tpu.memory_space<hbm>>
        tpu.wait_indirect_dma semaphore(%arg10 : memref<!tpu.dma_semaphore, #tpu.memory_space<semaphore_mem>>) src(%dma_wait3A_51 : memref<10000x64xf32, #tpu.memory_space<hbm>>) dst(%arg8 : memref<128x64xf32, #tpu.memory_space<vmem>>)
        "tpu.region"() ({
          %run_scoped3A = tpu.sem_alloc : memref<!tpu.dma_semaphore, #tpu.memory_space<semaphore_mem>>
          %dma_start3A_53 = arith.constant 0 : i32
          %dma_start3A_54 = tpu.memref_slice %arg7[%scan3A_40, %dma_start3A_53] : memref<106x128xi32, #tpu.memory_space<vmem>> -> memref<1x128xi32, #tpu.memory_space<vmem>>
          %dma_start3A_55 = tpu.memref_squeeze %dma_start3A_54 : memref<1x128xi32, #tpu.memory_space<vmem>> -> memref<128xi32, #tpu.memory_space<vmem>>
          %dma_start3A_56 = arith.constant 0 : i32
          %dma_start3A_57 = arith.constant 0 : i32
          %dma_start3A_58 = tpu.memref_slice %arg9[%dma_start3A_56, %dma_start3A_57] : memref<10112x64xf32, #tpu.memory_space<vmem_shared>> -> memref<10112x64xf32, #tpu.memory_space<vmem_shared>>
          tpu.enqueue_indirect_dma source(%arg8 : memref<128x64xf32, #tpu.memory_space<vmem>>) target(%dma_start3A_58 : memref<10112x64xf32, #tpu.memory_space<vmem_shared>>) offsets(%dma_start3A_55 : memref<128xi32, #tpu.memory_space<vmem>>) semaphore(%run_scoped3A : memref<!tpu.dma_semaphore, #tpu.memory_space<semaphore_mem>>) {add = true}
          %dma_wait3A_59 = arith.constant 0 : i32
          %dma_wait3A_60 = tpu.memref_slice %arg7[%scan3A_40, %dma_wait3A_59] : memref<106x128xi32, #tpu.memory_space<vmem>> -> memref<1x128xi32, #tpu.memory_space<vmem>>
          %dma_wait3A_61 = tpu.memref_squeeze %dma_wait3A_60 : memref<1x128xi32, #tpu.memory_space<vmem>> -> memref<128xi32, #tpu.memory_space<vmem>>
          %dma_wait3A_62 = arith.constant 0 : i32
          %dma_wait3A_63 = arith.constant 0 : i32
          %dma_wait3A_64 = tpu.memref_slice %arg9[%dma_wait3A_62, %dma_wait3A_63] : memref<10112x64xf32, #tpu.memory_space<vmem_shared>> -> memref<10112x64xf32, #tpu.memory_space<vmem_shared>>
          tpu.wait_indirect_dma semaphore(%run_scoped3A : memref<!tpu.dma_semaphore, #tpu.memory_space<semaphore_mem>>) src(%arg8 : memref<128x64xf32, #tpu.memory_space<vmem>>) dst(%dma_wait3A_64 : memref<10112x64xf32, #tpu.memory_space<vmem_shared>>)
          tpu.yield
        }) : () -> ()
        %scan3A_52 = arith.constant 0 : i32
        scf.yield %scan3A_52 : i32
      }
      %scan3A_39 = arith.constant 106 : i32
    } else {
    }
    %eq3A_17 = arith.constant 1 : i32
    %eq3A_18 = arith.cmpi eq, %arg0, %eq3A_17 : i32
    %convert_element_type3A_19 = arith.extui %eq3A_18 : i1 to i32
    %cond3A_20 = arith.constant 0 : i32
    %cond3A_21 = arith.cmpi ne, %convert_element_type3A_19, %cond3A_20 : i32
    scf.if %cond3A_21 {
      %mul3A = arith.constant 52 : i32
      %mul3A_32 = arith.muli %arg1, %mul3A : i32
      %add3A = arith.constant 1696 : i32
      %add3A_33 = arith.addi %add3A, %mul3A_32 : i32
      "tpu.region"() ({
        %run_scoped3A = tpu.sem_alloc : memref<!tpu.dma_semaphore, #tpu.memory_space<semaphore_mem>>
        %dma_start3A = arith.constant 0 : i32
        %dma_start3A_41 = arith.constant 0 : i32
        %dma_start3A_42 = tpu.memref_slice %arg6[%dma_start3A, %dma_start3A_41] : memref<106x128xi32, #tpu.memory_space<vmem>> -> memref<52x128xi32, #tpu.memory_space<vmem>>
        %dma_start3A_43 = arith.constant 0 : i32
        %dma_start3A_44 = tpu.memref_slice %arg3[%add3A_33, %dma_start3A_43] : memref<2528x128xi32, #tpu.memory_space<hbm>> -> memref<52x128xi32, #tpu.memory_space<hbm>>
        %dma_start3A_45 = arith.constant 0 : i32
        %dma_start3A_46 = arith.constant 0 : i32
        %dma_start3A_47 = tpu.memref_slice %arg6[%dma_start3A_45, %dma_start3A_46] : memref<106x128xi32, #tpu.memory_space<vmem>> -> memref<52x128xi32, #tpu.memory_space<vmem>>
        %dma_start3A_48 = arith.constant 0 : i32
        %dma_start3A_49 = tpu.memref_slice %arg3[%add3A_33, %dma_start3A_48] : memref<2528x128xi32, #tpu.memory_space<hbm>> -> memref<52x128xi32, #tpu.memory_space<hbm>>
        tpu.enqueue_dma source(%dma_start3A_49 : memref<52x128xi32, #tpu.memory_space<hbm>>) target(%dma_start3A_47 : memref<52x128xi32, #tpu.memory_space<vmem>>) target_semaphore(%run_scoped3A : memref<!tpu.dma_semaphore, #tpu.memory_space<semaphore_mem>>)
        %dma_wait3A = arith.constant 0 : i32
        %dma_wait3A_50 = arith.constant 0 : i32
        %dma_wait3A_51 = tpu.memref_slice %arg6[%dma_wait3A, %dma_wait3A_50] : memref<106x128xi32, #tpu.memory_space<vmem>> -> memref<52x128xi32, #tpu.memory_space<vmem>>
        %dma_wait3A_52 = arith.constant 0 : i32
        %dma_wait3A_53 = tpu.memref_slice %arg3[%add3A_33, %dma_wait3A_52] : memref<2528x128xi32, #tpu.memory_space<hbm>> -> memref<52x128xi32, #tpu.memory_space<hbm>>
        %dma_wait3A_54 = arith.constant 0 : i32
        %dma_wait3A_55 = arith.constant 0 : i32
        %dma_wait3A_56 = tpu.memref_slice %arg6[%dma_wait3A_54, %dma_wait3A_55] : memref<106x128xi32, #tpu.memory_space<vmem>> -> memref<52x128xi32, #tpu.memory_space<vmem>>
        %dma_wait3A_57 = arith.constant 0 : i32
        %dma_wait3A_58 = tpu.memref_slice %arg3[%add3A_33, %dma_wait3A_57] : memref<2528x128xi32, #tpu.memory_space<hbm>> -> memref<52x128xi32, #tpu.memory_space<hbm>>
        tpu.wait_dma2 semaphore(%run_scoped3A : memref<!tpu.dma_semaphore, #tpu.memory_space<semaphore_mem>>) src(%dma_wait3A_58 : memref<52x128xi32, #tpu.memory_space<hbm>>) dst(%dma_wait3A_56 : memref<52x128xi32, #tpu.memory_space<vmem>>)
        tpu.yield
      }) : () -> ()
      "tpu.region"() ({
        %run_scoped3A = tpu.sem_alloc : memref<!tpu.dma_semaphore, #tpu.memory_space<semaphore_mem>>
        %dma_start3A = arith.constant 0 : i32
        %dma_start3A_41 = arith.constant 0 : i32
        %dma_start3A_42 = tpu.memref_slice %arg7[%dma_start3A, %dma_start3A_41] : memref<106x128xi32, #tpu.memory_space<vmem>> -> memref<52x128xi32, #tpu.memory_space<vmem>>
        %dma_start3A_43 = arith.constant 0 : i32
        %dma_start3A_44 = tpu.memref_slice %arg4[%add3A_33, %dma_start3A_43] : memref<2528x128xi32, #tpu.memory_space<hbm>> -> memref<52x128xi32, #tpu.memory_space<hbm>>
        %dma_start3A_45 = arith.constant 0 : i32
        %dma_start3A_46 = arith.constant 0 : i32
        %dma_start3A_47 = tpu.memref_slice %arg7[%dma_start3A_45, %dma_start3A_46] : memref<106x128xi32, #tpu.memory_space<vmem>> -> memref<52x128xi32, #tpu.memory_space<vmem>>
        %dma_start3A_48 = arith.constant 0 : i32
        %dma_start3A_49 = tpu.memref_slice %arg4[%add3A_33, %dma_start3A_48] : memref<2528x128xi32, #tpu.memory_space<hbm>> -> memref<52x128xi32, #tpu.memory_space<hbm>>
        tpu.enqueue_dma source(%dma_start3A_49 : memref<52x128xi32, #tpu.memory_space<hbm>>) target(%dma_start3A_47 : memref<52x128xi32, #tpu.memory_space<vmem>>) target_semaphore(%run_scoped3A : memref<!tpu.dma_semaphore, #tpu.memory_space<semaphore_mem>>)
        %dma_wait3A = arith.constant 0 : i32
        %dma_wait3A_50 = arith.constant 0 : i32
        %dma_wait3A_51 = tpu.memref_slice %arg7[%dma_wait3A, %dma_wait3A_50] : memref<106x128xi32, #tpu.memory_space<vmem>> -> memref<52x128xi32, #tpu.memory_space<vmem>>
        %dma_wait3A_52 = arith.constant 0 : i32
        %dma_wait3A_53 = tpu.memref_slice %arg4[%add3A_33, %dma_wait3A_52] : memref<2528x128xi32, #tpu.memory_space<hbm>> -> memref<52x128xi32, #tpu.memory_space<hbm>>
        %dma_wait3A_54 = arith.constant 0 : i32
        %dma_wait3A_55 = arith.constant 0 : i32
        %dma_wait3A_56 = tpu.memref_slice %arg7[%dma_wait3A_54, %dma_wait3A_55] : memref<106x128xi32, #tpu.memory_space<vmem>> -> memref<52x128xi32, #tpu.memory_space<vmem>>
        %dma_wait3A_57 = arith.constant 0 : i32
        %dma_wait3A_58 = tpu.memref_slice %arg4[%add3A_33, %dma_wait3A_57] : memref<2528x128xi32, #tpu.memory_space<hbm>> -> memref<52x128xi32, #tpu.memory_space<hbm>>
        tpu.wait_dma2 semaphore(%run_scoped3A : memref<!tpu.dma_semaphore, #tpu.memory_space<semaphore_mem>>) src(%dma_wait3A_58 : memref<52x128xi32, #tpu.memory_space<hbm>>) dst(%dma_wait3A_56 : memref<52x128xi32, #tpu.memory_space<vmem>>)
        tpu.yield
      }) : () -> ()
      %scan3A_34 = arith.constant 0 : i32
      %scan3A_35 = arith.constant 0 : i32
      %scan3A_36 = arith.constant 52 : i32
      %scan3A_37 = arith.addi %scan3A_35, %scan3A_36 : i32
      %scan3A_38 = arith.constant 1 : i32
      %scan3A_39 = scf.for %scan3A_41 = %scan3A_35 to %scan3A_37 step %scan3A_38 iter_args(%scan3A_42 = %scan3A_34) -> (i32)  : i32 {
        %dma_start3A = arith.constant 0 : i32
        %dma_start3A_43 = tpu.memref_slice %arg6[%scan3A_41, %dma_start3A] : memref<106x128xi32, #tpu.memory_space<vmem>> -> memref<1x128xi32, #tpu.memory_space<vmem>>
        %dma_start3A_44 = tpu.memref_squeeze %dma_start3A_43 : memref<1x128xi32, #tpu.memory_space<vmem>> -> memref<128xi32, #tpu.memory_space<vmem>>
        %dma_start3A_45 = arith.constant 0 : i32
        %dma_start3A_46 = arith.constant 0 : i32
        %dma_start3A_47 = tpu.memref_slice %arg2[%dma_start3A_45, %dma_start3A_46] : memref<10000x64xf32, #tpu.memory_space<hbm>> -> memref<10000x64xf32, #tpu.memory_space<hbm>>
        tpu.enqueue_indirect_dma source(%dma_start3A_47 : memref<10000x64xf32, #tpu.memory_space<hbm>>) target(%arg8 : memref<128x64xf32, #tpu.memory_space<vmem>>) offsets(%dma_start3A_44 : memref<128xi32, #tpu.memory_space<vmem>>) semaphore(%arg10 : memref<!tpu.dma_semaphore, #tpu.memory_space<semaphore_mem>>)
        %dma_wait3A = arith.constant 0 : i32
        %dma_wait3A_48 = tpu.memref_slice %arg6[%scan3A_41, %dma_wait3A] : memref<106x128xi32, #tpu.memory_space<vmem>> -> memref<1x128xi32, #tpu.memory_space<vmem>>
        %dma_wait3A_49 = tpu.memref_squeeze %dma_wait3A_48 : memref<1x128xi32, #tpu.memory_space<vmem>> -> memref<128xi32, #tpu.memory_space<vmem>>
        %dma_wait3A_50 = arith.constant 0 : i32
        %dma_wait3A_51 = arith.constant 0 : i32
        %dma_wait3A_52 = tpu.memref_slice %arg2[%dma_wait3A_50, %dma_wait3A_51] : memref<10000x64xf32, #tpu.memory_space<hbm>> -> memref<10000x64xf32, #tpu.memory_space<hbm>>
        tpu.wait_indirect_dma semaphore(%arg10 : memref<!tpu.dma_semaphore, #tpu.memory_space<semaphore_mem>>) src(%dma_wait3A_52 : memref<10000x64xf32, #tpu.memory_space<hbm>>) dst(%arg8 : memref<128x64xf32, #tpu.memory_space<vmem>>)
        "tpu.region"() ({
          %run_scoped3A = tpu.sem_alloc : memref<!tpu.dma_semaphore, #tpu.memory_space<semaphore_mem>>
          %dma_start3A_54 = arith.constant 0 : i32
          %dma_start3A_55 = tpu.memref_slice %arg7[%scan3A_41, %dma_start3A_54] : memref<106x128xi32, #tpu.memory_space<vmem>> -> memref<1x128xi32, #tpu.memory_space<vmem>>
          %dma_start3A_56 = tpu.memref_squeeze %dma_start3A_55 : memref<1x128xi32, #tpu.memory_space<vmem>> -> memref<128xi32, #tpu.memory_space<vmem>>
          %dma_start3A_57 = arith.constant 0 : i32
          %dma_start3A_58 = arith.constant 0 : i32
          %dma_start3A_59 = tpu.memref_slice %arg9[%dma_start3A_57, %dma_start3A_58] : memref<10112x64xf32, #tpu.memory_space<vmem_shared>> -> memref<10112x64xf32, #tpu.memory_space<vmem_shared>>
          tpu.enqueue_indirect_dma source(%arg8 : memref<128x64xf32, #tpu.memory_space<vmem>>) target(%dma_start3A_59 : memref<10112x64xf32, #tpu.memory_space<vmem_shared>>) offsets(%dma_start3A_56 : memref<128xi32, #tpu.memory_space<vmem>>) semaphore(%run_scoped3A : memref<!tpu.dma_semaphore, #tpu.memory_space<semaphore_mem>>) {add = true}
          %dma_wait3A_60 = arith.constant 0 : i32
          %dma_wait3A_61 = tpu.memref_slice %arg7[%scan3A_41, %dma_wait3A_60] : memref<106x128xi32, #tpu.memory_space<vmem>> -> memref<1x128xi32, #tpu.memory_space<vmem>>
          %dma_wait3A_62 = tpu.memref_squeeze %dma_wait3A_61 : memref<1x128xi32, #tpu.memory_space<vmem>> -> memref<128xi32, #tpu.memory_space<vmem>>
          %dma_wait3A_63 = arith.constant 0 : i32
          %dma_wait3A_64 = arith.constant 0 : i32
          %dma_wait3A_65 = tpu.memref_slice %arg9[%dma_wait3A_63, %dma_wait3A_64] : memref<10112x64xf32, #tpu.memory_space<vmem_shared>> -> memref<10112x64xf32, #tpu.memory_space<vmem_shared>>
          tpu.wait_indirect_dma semaphore(%run_scoped3A : memref<!tpu.dma_semaphore, #tpu.memory_space<semaphore_mem>>) src(%arg8 : memref<128x64xf32, #tpu.memory_space<vmem>>) dst(%dma_wait3A_65 : memref<10112x64xf32, #tpu.memory_space<vmem_shared>>)
          tpu.yield
        }) : () -> ()
        %scan3A_53 = arith.constant 0 : i32
        scf.yield %scan3A_53 : i32
      }
      %scan3A_40 = arith.constant 52 : i32
    } else {
    }
    %barrier3A_22 = arith.constant 0 : index
    tpu.barrier barrier_id(%barrier3A_22)
    %lt3A = arith.constant 15 : i32
    %lt3A_23 = arith.cmpi slt, %arg1, %lt3A : i32
    %convert_element_type3A_24 = arith.extui %lt3A_23 : i1 to i32
    %cond3A_25 = arith.constant 0 : i32
    %cond3A_26 = arith.cmpi ne, %convert_element_type3A_24, %cond3A_25 : i32
    scf.if %cond3A_26 {
      %mul3A = arith.constant 624 : i32
      %mul3A_32 = arith.muli %arg1, %mul3A : i32
      %mul3A_33 = arith.constant 10000 : i32
      %mul3A_34 = arith.muli %arg0, %mul3A_33 : i32
      %mul3A_35 = arith.constant 624 : i32
      %mul3A_36 = arith.muli %arg1, %mul3A_35 : i32
      %add3A = arith.addi %mul3A_34, %mul3A_36 : i32
      "tpu.region"() ({
        %run_scoped3A = tpu.sem_alloc : memref<!tpu.dma_semaphore, #tpu.memory_space<semaphore_mem>>
        %dma_start3A = arith.constant 0 : i32
        %dma_start3A_37 = tpu.memref_slice %arg5[%add3A, %dma_start3A] : memref<20000x64xf32, #tpu.memory_space<hbm>> -> memref<624x64xf32, #tpu.memory_space<hbm>>
        %dma_start3A_38 = arith.constant 0 : i32
        %dma_start3A_39 = tpu.memref_slice %arg9[%mul3A_32, %dma_start3A_38] : memref<10112x64xf32, #tpu.memory_space<vmem_shared>> -> memref<624x64xf32, #tpu.memory_space<vmem_shared>>
        tpu.enqueue_dma source(%dma_start3A_39 : memref<624x64xf32, #tpu.memory_space<vmem_shared>>) target(%dma_start3A_37 : memref<624x64xf32, #tpu.memory_space<hbm>>) target_semaphore(%run_scoped3A : memref<!tpu.dma_semaphore, #tpu.memory_space<semaphore_mem>>)
        %dma_wait3A = arith.constant 0 : i32
        %dma_wait3A_40 = tpu.memref_slice %arg5[%add3A, %dma_wait3A] : memref<20000x64xf32, #tpu.memory_space<hbm>> -> memref<624x64xf32, #tpu.memory_space<hbm>>
        %dma_wait3A_41 = arith.constant 0 : i32
        %dma_wait3A_42 = tpu.memref_slice %arg9[%mul3A_32, %dma_wait3A_41] : memref<10112x64xf32, #tpu.memory_space<vmem_shared>> -> memref<624x64xf32, #tpu.memory_space<vmem_shared>>
        tpu.wait_dma2 semaphore(%run_scoped3A : memref<!tpu.dma_semaphore, #tpu.memory_space<semaphore_mem>>) src(%dma_wait3A_42 : memref<624x64xf32, #tpu.memory_space<vmem_shared>>) dst(%dma_wait3A_40 : memref<624x64xf32, #tpu.memory_space<hbm>>)
        tpu.yield
      }) : () -> ()
    } else {
    }
    %eq3A_27 = arith.constant 15 : i32
    %eq3A_28 = arith.cmpi eq, %arg1, %eq3A_27 : i32
    %convert_element_type3A_29 = arith.extui %eq3A_28 : i1 to i32
    %cond3A_30 = arith.constant 0 : i32
    %cond3A_31 = arith.cmpi ne, %convert_element_type3A_29, %cond3A_30 : i32
    scf.if %cond3A_31 {
      %mul3A = arith.constant 10000 : i32
      %mul3A_32 = arith.muli %arg0, %mul3A : i32
      %add3A = arith.constant 9360 : i32
      %add3A_33 = arith.addi %mul3A_32, %add3A : i32
      "tpu.region"() ({
        %run_scoped3A = tpu.sem_alloc : memref<!tpu.dma_semaphore, #tpu.memory_space<semaphore_mem>>
        %dma_start3A = arith.constant 0 : i32
        %dma_start3A_34 = tpu.memref_slice %arg5[%add3A_33, %dma_start3A] : memref<20000x64xf32, #tpu.memory_space<hbm>> -> memref<640x64xf32, #tpu.memory_space<hbm>>
        %dma_start3A_35 = arith.constant 9360 : i32
        %dma_start3A_36 = arith.constant 0 : i32
        %dma_start3A_37 = tpu.memref_slice %arg9[%dma_start3A_35, %dma_start3A_36] : memref<10112x64xf32, #tpu.memory_space<vmem_shared>> -> memref<640x64xf32, #tpu.memory_space<vmem_shared>>
        tpu.enqueue_dma source(%dma_start3A_37 : memref<640x64xf32, #tpu.memory_space<vmem_shared>>) target(%dma_start3A_34 : memref<640x64xf32, #tpu.memory_space<hbm>>) target_semaphore(%run_scoped3A : memref<!tpu.dma_semaphore, #tpu.memory_space<semaphore_mem>>)
        %dma_wait3A = arith.constant 0 : i32
        %dma_wait3A_38 = tpu.memref_slice %arg5[%add3A_33, %dma_wait3A] : memref<20000x64xf32, #tpu.memory_space<hbm>> -> memref<640x64xf32, #tpu.memory_space<hbm>>
        %dma_wait3A_39 = arith.constant 9360 : i32
        %dma_wait3A_40 = arith.constant 0 : i32
        %dma_wait3A_41 = tpu.memref_slice %arg9[%dma_wait3A_39, %dma_wait3A_40] : memref<10112x64xf32, #tpu.memory_space<vmem_shared>> -> memref<640x64xf32, #tpu.memory_space<vmem_shared>>
        tpu.wait_dma2 semaphore(%run_scoped3A : memref<!tpu.dma_semaphore, #tpu.memory_space<semaphore_mem>>) src(%dma_wait3A_41 : memref<640x64xf32, #tpu.memory_space<vmem_shared>>) dst(%dma_wait3A_38 : memref<640x64xf32, #tpu.memory_space<hbm>>)
        tpu.yield
      }) : () -> ()
    } else {
    }
    return
  }
}

#map = affine_map<(d0, d1) -> (0, 0)>
module attributes {stable_mosaic.version = 14 : i64} {
  func.func @deg_kernel(%arg0: i32, %arg1: i32, %arg2: memref<2528x128xi32, #tpu.memory_space<hbm>>, %arg3: memref<20000x16xf32, #tpu.memory_space<hbm>>, %arg4: memref<79x128xi32, #tpu.memory_space<vmem>>, %arg5: memref<128x16xf32, #tpu.memory_space<vmem>>, %arg6: memref<128x16xf32, #tpu.memory_space<vmem>>, %arg7: memref<10112x16xf32, #tpu.memory_space<vmem_shared>>) attributes {dimension_semantics = [#tpu.dimension_semantics<core_parallel>, #tpu.dimension_semantics<subcore_parallel>], iteration_bounds = array<i64: 2, 16>, scalar_prefetch = 0 : i64, scratch_operands = 4 : i64, tpu.core_type = #tpu.core_type<sc_vector_subcore>, window_params = [{transform_indices = #map}, {transform_indices = #map}]} {
    %mul3A = arith.constant 16 : i32
    %mul3A_0 = arith.muli %arg0, %mul3A : i32
    %add3A = arith.addi %mul3A_0, %arg1 : i32
    %broadcast_in_dim3A = arith.constant 1.000000e+00 : f32
    %broadcast_in_dim3A_1 = vector.broadcast %broadcast_in_dim3A : f32 to vector<16xf32>
    %scan3A = arith.constant 0 : i32
    %scan3A_2 = arith.constant 0 : i32
    %scan3A_3 = arith.constant 128 : i32
    %scan3A_4 = arith.addi %scan3A_2, %scan3A_3 : i32
    %scan3A_5 = arith.constant 1 : i32
    %scan3A_6 = scf.for %scan3A_40 = %scan3A_2 to %scan3A_4 step %scan3A_5 iter_args(%scan3A_41 = %scan3A) -> (i32)  : i32 {
      %scan3A_42 = arith.constant 0 : i32
      %scan3A_43 = arith.constant 0 : i32
      %mul3A_44 = arith.constant 16 : i32
      %mul3A_45 = arith.muli %scan3A_43, %mul3A_44 : i32
      %swap3A = arith.index_cast %scan3A_40 : i32 to index
      %swap3A_46 = arith.index_cast %mul3A_45 : i32 to index
      %swap3A_47 = tpu.vector_load %arg5[%swap3A, %swap3A_46] {strides = array<i32>} : memref<128x16xf32, #tpu.memory_space<vmem>>, vector<1x16xf32>,
      %swap3A_48 = vector.shape_cast %swap3A_47 : vector<1x16xf32> to vector<16xf32>
      %swap3A_49 = vector.shape_cast %broadcast_in_dim3A_1 : vector<16xf32> to vector<1x16xf32>
      tpu.vector_store %arg5[%swap3A, %swap3A_46], %swap3A_49 {strides = array<i32>} : memref<128x16xf32, #tpu.memory_space<vmem>>, vector<1x16xf32>,
      %scan3A_50 = arith.constant 0 : i32
      %scan3A_51 = arith.constant 1 : i32
      scf.yield %scan3A_50 : i32
    }
    %scan3A_7 = arith.constant 128 : i32
    %broadcast_in_dim3A_8 = arith.constant 0.000000e+00 : f32
    %broadcast_in_dim3A_9 = vector.broadcast %broadcast_in_dim3A_8 : f32 to vector<16xf32>
    %scan3A_10 = arith.constant 0 : i32
    %scan3A_11 = arith.constant 0 : i32
    %scan3A_12 = arith.constant 128 : i32
    %scan3A_13 = arith.addi %scan3A_11, %scan3A_12 : i32
    %scan3A_14 = arith.constant 1 : i32
    %scan3A_15 = scf.for %scan3A_40 = %scan3A_11 to %scan3A_13 step %scan3A_14 iter_args(%scan3A_41 = %scan3A_10) -> (i32)  : i32 {
      %scan3A_42 = arith.constant 0 : i32
      %scan3A_43 = arith.constant 0 : i32
      %mul3A_44 = arith.constant 16 : i32
      %mul3A_45 = arith.muli %scan3A_43, %mul3A_44 : i32
      %swap3A = arith.index_cast %scan3A_40 : i32 to index
      %swap3A_46 = arith.index_cast %mul3A_45 : i32 to index
      %swap3A_47 = tpu.vector_load %arg6[%swap3A, %swap3A_46] {strides = array<i32>} : memref<128x16xf32, #tpu.memory_space<vmem>>, vector<1x16xf32>,
      %swap3A_48 = vector.shape_cast %swap3A_47 : vector<1x16xf32> to vector<16xf32>
      %swap3A_49 = vector.shape_cast %broadcast_in_dim3A_9 : vector<16xf32> to vector<1x16xf32>
      tpu.vector_store %arg6[%swap3A, %swap3A_46], %swap3A_49 {strides = array<i32>} : memref<128x16xf32, #tpu.memory_space<vmem>>, vector<1x16xf32>,
      %scan3A_50 = arith.constant 0 : i32
      %scan3A_51 = arith.constant 1 : i32
      scf.yield %scan3A_50 : i32
    }
    %scan3A_16 = arith.constant 128 : i32
    %scan3A_17 = arith.constant 0 : i32
    %scan3A_18 = arith.constant 0 : i32
    %scan3A_19 = arith.constant 5 : i32
    %scan3A_20 = arith.addi %scan3A_18, %scan3A_19 : i32
    %scan3A_21 = arith.constant 1 : i32
    %scan3A_22 = scf.for %scan3A_40 = %scan3A_18 to %scan3A_20 step %scan3A_21 iter_args(%scan3A_41 = %scan3A_17) -> (i32)  : i32 {
      %mul3A_42 = arith.constant 16 : i32
      %mul3A_43 = arith.muli %scan3A_40, %mul3A_42 : i32
      %add3A_44 = arith.addi %mul3A_43, %arg1 : i32
      %lt3A_45 = arith.constant 79 : i32
      %lt3A_46 = arith.cmpi slt, %add3A_44, %lt3A_45 : i32
      %convert_element_type3A_47 = arith.extui %lt3A_46 : i1 to i32
      %cond3A_48 = arith.constant 0 : i32
      %cond3A_49 = arith.cmpi ne, %convert_element_type3A_47, %cond3A_48 : i32
      scf.if %cond3A_49 {
        %mul3A_51 = arith.constant 128 : i32
        %mul3A_52 = arith.muli %add3A_44, %mul3A_51 : i32
        "tpu.region"() ({
          %run_scoped3A = tpu.sem_alloc : memref<!tpu.dma_semaphore, #tpu.memory_space<semaphore_mem>>
          %dma_start3A = arith.constant 0 : i32
          %dma_start3A_53 = tpu.memref_slice %arg7[%mul3A_52, %dma_start3A] : memref<10112x16xf32, #tpu.memory_space<vmem_shared>> -> memref<128x16xf32, #tpu.memory_space<vmem_shared>>
          %dma_start3A_54 = arith.constant 0 : i32
          %dma_start3A_55 = tpu.memref_slice %arg7[%mul3A_52, %dma_start3A_54] : memref<10112x16xf32, #tpu.memory_space<vmem_shared>> -> memref<128x16xf32, #tpu.memory_space<vmem_shared>>
          tpu.enqueue_dma source(%arg6 : memref<128x16xf32, #tpu.memory_space<vmem>>) target(%dma_start3A_55 : memref<128x16xf32, #tpu.memory_space<vmem_shared>>) target_semaphore(%run_scoped3A : memref<!tpu.dma_semaphore, #tpu.memory_space<semaphore_mem>>)
          %dma_wait3A = arith.constant 0 : i32
          %dma_wait3A_56 = tpu.memref_slice %arg7[%mul3A_52, %dma_wait3A] : memref<10112x16xf32, #tpu.memory_space<vmem_shared>> -> memref<128x16xf32, #tpu.memory_space<vmem_shared>>
          %dma_wait3A_57 = arith.constant 0 : i32
          %dma_wait3A_58 = tpu.memref_slice %arg7[%mul3A_52, %dma_wait3A_57] : memref<10112x16xf32, #tpu.memory_space<vmem_shared>> -> memref<128x16xf32, #tpu.memory_space<vmem_shared>>
          tpu.wait_dma2 semaphore(%run_scoped3A : memref<!tpu.dma_semaphore, #tpu.memory_space<semaphore_mem>>) src(%arg6 : memref<128x16xf32, #tpu.memory_space<vmem>>) dst(%dma_wait3A_58 : memref<128x16xf32, #tpu.memory_space<vmem_shared>>)
          tpu.yield
        }) : () -> ()
      } else {
      }
      %scan3A_50 = arith.constant 0 : i32
      scf.yield %scan3A_50 : i32
    }
    %scan3A_23 = arith.constant 5 : i32
    %mul3A_24 = arith.constant 79 : i32
    %mul3A_25 = arith.muli %add3A, %mul3A_24 : i32
    "tpu.region"() ({
      %run_scoped3A = tpu.sem_alloc : memref<!tpu.dma_semaphore, #tpu.memory_space<semaphore_mem>>
      %dma_start3A = arith.constant 0 : i32
      %dma_start3A_40 = tpu.memref_slice %arg2[%mul3A_25, %dma_start3A] : memref<2528x128xi32, #tpu.memory_space<hbm>> -> memref<79x128xi32, #tpu.memory_space<hbm>>
      %dma_start3A_41 = arith.constant 0 : i32
      %dma_start3A_42 = tpu.memref_slice %arg2[%mul3A_25, %dma_start3A_41] : memref<2528x128xi32, #tpu.memory_space<hbm>> -> memref<79x128xi32, #tpu.memory_space<hbm>>
      tpu.enqueue_dma source(%dma_start3A_42 : memref<79x128xi32, #tpu.memory_space<hbm>>) target(%arg4 : memref<79x128xi32, #tpu.memory_space<vmem>>) target_semaphore(%run_scoped3A : memref<!tpu.dma_semaphore, #tpu.memory_space<semaphore_mem>>)
      %dma_wait3A = arith.constant 0 : i32
      %dma_wait3A_43 = tpu.memref_slice %arg2[%mul3A_25, %dma_wait3A] : memref<2528x128xi32, #tpu.memory_space<hbm>> -> memref<79x128xi32, #tpu.memory_space<hbm>>
      %dma_wait3A_44 = arith.constant 0 : i32
      %dma_wait3A_45 = tpu.memref_slice %arg2[%mul3A_25, %dma_wait3A_44] : memref<2528x128xi32, #tpu.memory_space<hbm>> -> memref<79x128xi32, #tpu.memory_space<hbm>>
      tpu.wait_dma2 semaphore(%run_scoped3A : memref<!tpu.dma_semaphore, #tpu.memory_space<semaphore_mem>>) src(%dma_wait3A_45 : memref<79x128xi32, #tpu.memory_space<hbm>>) dst(%arg4 : memref<79x128xi32, #tpu.memory_space<vmem>>)
      tpu.yield
    }) : () -> ()
    %barrier3A = arith.constant 0 : index
    tpu.barrier barrier_id(%barrier3A)
    %scan3A_26 = arith.constant 0 : i32
    %scan3A_27 = arith.constant 0 : i32
    %scan3A_28 = arith.constant 79 : i32
    %scan3A_29 = arith.addi %scan3A_27, %scan3A_28 : i32
    %scan3A_30 = arith.constant 1 : i32
    %scan3A_31 = scf.for %scan3A_40 = %scan3A_27 to %scan3A_29 step %scan3A_30 iter_args(%scan3A_41 = %scan3A_26) -> (i32)  : i32 {
      "tpu.region"() ({
        %run_scoped3A = tpu.sem_alloc : memref<!tpu.dma_semaphore, #tpu.memory_space<semaphore_mem>>
        %dma_start3A = arith.constant 0 : i32
        %dma_start3A_43 = tpu.memref_slice %arg4[%scan3A_40, %dma_start3A] : memref<79x128xi32, #tpu.memory_space<vmem>> -> memref<1x128xi32, #tpu.memory_space<vmem>>
        %dma_start3A_44 = tpu.memref_squeeze %dma_start3A_43 : memref<1x128xi32, #tpu.memory_space<vmem>> -> memref<128xi32, #tpu.memory_space<vmem>>
        %dma_start3A_45 = arith.constant 0 : i32
        %dma_start3A_46 = arith.constant 0 : i32
        %dma_start3A_47 = tpu.memref_slice %arg7[%dma_start3A_45, %dma_start3A_46] : memref<10112x16xf32, #tpu.memory_space<vmem_shared>> -> memref<10112x16xf32, #tpu.memory_space<vmem_shared>>
        tpu.enqueue_indirect_dma source(%arg5 : memref<128x16xf32, #tpu.memory_space<vmem>>) target(%dma_start3A_47 : memref<10112x16xf32, #tpu.memory_space<vmem_shared>>) offsets(%dma_start3A_44 : memref<128xi32, #tpu.memory_space<vmem>>) semaphore(%run_scoped3A : memref<!tpu.dma_semaphore, #tpu.memory_space<semaphore_mem>>) {add = true}
        %dma_wait3A = arith.constant 0 : i32
        %dma_wait3A_48 = tpu.memref_slice %arg4[%scan3A_40, %dma_wait3A] : memref<79x128xi32, #tpu.memory_space<vmem>> -> memref<1x128xi32, #tpu.memory_space<vmem>>
        %dma_wait3A_49 = tpu.memref_squeeze %dma_wait3A_48 : memref<1x128xi32, #tpu.memory_space<vmem>> -> memref<128xi32, #tpu.memory_space<vmem>>
        %dma_wait3A_50 = arith.constant 0 : i32
        %dma_wait3A_51 = arith.constant 0 : i32
        %dma_wait3A_52 = tpu.memref_slice %arg7[%dma_wait3A_50, %dma_wait3A_51] : memref<10112x16xf32, #tpu.memory_space<vmem_shared>> -> memref<10112x16xf32, #tpu.memory_space<vmem_shared>>
        tpu.wait_indirect_dma semaphore(%run_scoped3A : memref<!tpu.dma_semaphore, #tpu.memory_space<semaphore_mem>>) src(%arg5 : memref<128x16xf32, #tpu.memory_space<vmem>>) dst(%dma_wait3A_52 : memref<10112x16xf32, #tpu.memory_space<vmem_shared>>)
        tpu.yield
      }) : () -> ()
      %scan3A_42 = arith.constant 0 : i32
      scf.yield %scan3A_42 : i32
    }
    %scan3A_32 = arith.constant 79 : i32
    %barrier3A_33 = arith.constant 0 : index
    tpu.barrier barrier_id(%barrier3A_33)
    %lt3A = arith.constant 15 : i32
    %lt3A_34 = arith.cmpi slt, %arg1, %lt3A : i32
    %convert_element_type3A = arith.extui %lt3A_34 : i1 to i32
    %cond3A = arith.constant 0 : i32
    %cond3A_35 = arith.cmpi ne, %convert_element_type3A, %cond3A : i32
    scf.if %cond3A_35 {
      %mul3A_40 = arith.constant 624 : i32
      %mul3A_41 = arith.muli %arg1, %mul3A_40 : i32
      %mul3A_42 = arith.constant 10000 : i32
      %mul3A_43 = arith.muli %arg0, %mul3A_42 : i32
      %mul3A_44 = arith.constant 624 : i32
      %mul3A_45 = arith.muli %arg1, %mul3A_44 : i32
      %add3A_46 = arith.addi %mul3A_43, %mul3A_45 : i32
      "tpu.region"() ({
        %run_scoped3A = tpu.sem_alloc : memref<!tpu.dma_semaphore, #tpu.memory_space<semaphore_mem>>
        %dma_start3A = arith.constant 0 : i32
        %dma_start3A_47 = tpu.memref_slice %arg3[%add3A_46, %dma_start3A] : memref<20000x16xf32, #tpu.memory_space<hbm>> -> memref<624x16xf32, #tpu.memory_space<hbm>>
        %dma_start3A_48 = arith.constant 0 : i32
        %dma_start3A_49 = tpu.memref_slice %arg7[%mul3A_41, %dma_start3A_48] : memref<10112x16xf32, #tpu.memory_space<vmem_shared>> -> memref<624x16xf32, #tpu.memory_space<vmem_shared>>
        tpu.enqueue_dma source(%dma_start3A_49 : memref<624x16xf32, #tpu.memory_space<vmem_shared>>) target(%dma_start3A_47 : memref<624x16xf32, #tpu.memory_space<hbm>>) target_semaphore(%run_scoped3A : memref<!tpu.dma_semaphore, #tpu.memory_space<semaphore_mem>>)
        %dma_wait3A = arith.constant 0 : i32
        %dma_wait3A_50 = tpu.memref_slice %arg3[%add3A_46, %dma_wait3A] : memref<20000x16xf32, #tpu.memory_space<hbm>> -> memref<624x16xf32, #tpu.memory_space<hbm>>
        %dma_wait3A_51 = arith.constant 0 : i32
        %dma_wait3A_52 = tpu.memref_slice %arg7[%mul3A_41, %dma_wait3A_51] : memref<10112x16xf32, #tpu.memory_space<vmem_shared>> -> memref<624x16xf32, #tpu.memory_space<vmem_shared>>
        tpu.wait_dma2 semaphore(%run_scoped3A : memref<!tpu.dma_semaphore, #tpu.memory_space<semaphore_mem>>) src(%dma_wait3A_52 : memref<624x16xf32, #tpu.memory_space<vmem_shared>>) dst(%dma_wait3A_50 : memref<624x16xf32, #tpu.memory_space<hbm>>)
        tpu.yield
      }) : () -> ()
    } else {
    }
    %eq3A = arith.constant 15 : i32
    %eq3A_36 = arith.cmpi eq, %arg1, %eq3A : i32
    %convert_element_type3A_37 = arith.extui %eq3A_36 : i1 to i32
    %cond3A_38 = arith.constant 0 : i32
    %cond3A_39 = arith.cmpi ne, %convert_element_type3A_37, %cond3A_38 : i32
    scf.if %cond3A_39 {
      %mul3A_40 = arith.constant 10000 : i32
      %mul3A_41 = arith.muli %arg0, %mul3A_40 : i32
      %add3A_42 = arith.constant 9360 : i32
      %add3A_43 = arith.addi %mul3A_41, %add3A_42 : i32
      "tpu.region"() ({
        %run_scoped3A = tpu.sem_alloc : memref<!tpu.dma_semaphore, #tpu.memory_space<semaphore_mem>>
        %dma_start3A = arith.constant 0 : i32
        %dma_start3A_44 = tpu.memref_slice %arg3[%add3A_43, %dma_start3A] : memref<20000x16xf32, #tpu.memory_space<hbm>> -> memref<640x16xf32, #tpu.memory_space<hbm>>
        %dma_start3A_45 = arith.constant 9360 : i32
        %dma_start3A_46 = arith.constant 0 : i32
        %dma_start3A_47 = tpu.memref_slice %arg7[%dma_start3A_45, %dma_start3A_46] : memref<10112x16xf32, #tpu.memory_space<vmem_shared>> -> memref<640x16xf32, #tpu.memory_space<vmem_shared>>
        tpu.enqueue_dma source(%dma_start3A_47 : memref<640x16xf32, #tpu.memory_space<vmem_shared>>) target(%dma_start3A_44 : memref<640x16xf32, #tpu.memory_space<hbm>>) target_semaphore(%run_scoped3A : memref<!tpu.dma_semaphore, #tpu.memory_space<semaphore_mem>>)
        %dma_wait3A = arith.constant 0 : i32
        %dma_wait3A_48 = tpu.memref_slice %arg3[%add3A_43, %dma_wait3A] : memref<20000x16xf32, #tpu.memory_space<hbm>> -> memref<640x16xf32, #tpu.memory_space<hbm>>
        %dma_wait3A_49 = arith.constant 9360 : i32
        %dma_wait3A_50 = arith.constant 0 : i32
        %dma_wait3A_51 = tpu.memref_slice %arg7[%dma_wait3A_49, %dma_wait3A_50] : memref<10112x16xf32, #tpu.memory_space<vmem_shared>> -> memref<640x16xf32, #tpu.memory_space<vmem_shared>>
        tpu.wait_dma2 semaphore(%run_scoped3A : memref<!tpu.dma_semaphore, #tpu.memory_space<semaphore_mem>>) src(%dma_wait3A_51 : memref<640x16xf32, #tpu.memory_space<vmem_shared>>) dst(%dma_wait3A_48 : memref<640x16xf32, #tpu.memory_space<hbm>>)
        tpu.yield
      }) : () -> ()
    } else {
    }
    return
  }
}

#map = affine_map<(d0, d1) -> (0, 0)>
module attributes {stable_mosaic.version = 14 : i64} {
  func.func @agg_kernel(%arg0: i32, %arg1: i32, %arg2: memref<10000x128xf32, #tpu.memory_space<hbm>>, %arg3: memref<2528x128xi32, #tpu.memory_space<hbm>>, %arg4: memref<2528x128xi32, #tpu.memory_space<hbm>>, %arg5: memref<20000x128xf32, #tpu.memory_space<hbm>>, %arg6: memref<112x128xi32, #tpu.memory_space<vmem>>, %arg7: memref<112x128xi32, #tpu.memory_space<vmem>>, %arg8: memref<128x128xf32, #tpu.memory_space<vmem>>, %arg9: memref<10112x128xf32, #tpu.memory_space<vmem_shared>>, %arg10: memref<!tpu.dma_semaphore, #tpu.memory_space<semaphore_mem>>) attributes {dimension_semantics = [#tpu.dimension_semantics<core_parallel>, #tpu.dimension_semantics<subcore_parallel>], iteration_bounds = array<i64: 2, 16>, scalar_prefetch = 0 : i64, scratch_operands = 5 : i64, tpu.core_type = #tpu.core_type<sc_vector_subcore>, window_params = [{transform_indices = #map}, {transform_indices = #map}, {transform_indices = #map}, {transform_indices = #map}]} {
    %barrier3A = arith.constant 0 : index
    tpu.barrier barrier_id(%barrier3A)
    %broadcast_in_dim3A = arith.constant 0.000000e+00 : f32
    %broadcast_in_dim3A_0 = vector.broadcast %broadcast_in_dim3A : f32 to vector<16xf32>
    %scan3A = arith.constant 0 : i32
    %scan3A_1 = arith.constant 0 : i32
    %scan3A_2 = arith.constant 128 : i32
    %scan3A_3 = arith.addi %scan3A_1, %scan3A_2 : i32
    %scan3A_4 = arith.constant 1 : i32
    %scan3A_5 = scf.for %scan3A_32 = %scan3A_1 to %scan3A_3 step %scan3A_4 iter_args(%scan3A_33 = %scan3A) -> (i32)  : i32 {
      %scan3A_34 = arith.constant 0 : i32
      %scan3A_35 = arith.constant 0 : i32
      %scan3A_36 = arith.constant 8 : i32
      %scan3A_37 = arith.addi %scan3A_35, %scan3A_36 : i32
      %scan3A_38 = arith.constant 1 : i32
      %scan3A_39 = scf.for %scan3A_41 = %scan3A_35 to %scan3A_37 step %scan3A_38 iter_args(%scan3A_42 = %scan3A_34) -> (i32)  : i32 {
        %mul3A = arith.constant 16 : i32
        %mul3A_43 = arith.muli %scan3A_41, %mul3A : i32
        %swap3A = arith.index_cast %scan3A_32 : i32 to index
        %swap3A_44 = arith.index_cast %mul3A_43 : i32 to index
        %swap3A_45 = tpu.vector_load %arg8[%swap3A, %swap3A_44] {strides = array<i32>} : memref<128x128xf32, #tpu.memory_space<vmem>>, vector<1x16xf32>,
        %swap3A_46 = vector.shape_cast %swap3A_45 : vector<1x16xf32> to vector<16xf32>
        %swap3A_47 = vector.shape_cast %broadcast_in_dim3A_0 : vector<16xf32> to vector<1x16xf32>
        tpu.vector_store %arg8[%swap3A, %swap3A_44], %swap3A_47 {strides = array<i32>} : memref<128x128xf32, #tpu.memory_space<vmem>>, vector<1x16xf32>,
        %scan3A_48 = arith.constant 0 : i32
        scf.yield %scan3A_48 : i32
      }
      %scan3A_40 = arith.constant 8 : i32
      scf.yield %scan3A_39 : i32
    }
    %scan3A_6 = arith.constant 128 : i32
    %scan3A_7 = arith.constant 0 : i32
    %scan3A_8 = arith.constant 0 : i32
    %scan3A_9 = arith.constant 5 : i32
    %scan3A_10 = arith.addi %scan3A_8, %scan3A_9 : i32
    %scan3A_11 = arith.constant 1 : i32
    %scan3A_12 = scf.for %scan3A_32 = %scan3A_8 to %scan3A_10 step %scan3A_11 iter_args(%scan3A_33 = %scan3A_7) -> (i32)  : i32 {
      %mul3A = arith.constant 16 : i32
      %mul3A_34 = arith.muli %scan3A_32, %mul3A : i32
      %add3A = arith.addi %mul3A_34, %arg1 : i32
      %lt3A_35 = arith.constant 79 : i32
      %lt3A_36 = arith.cmpi slt, %add3A, %lt3A_35 : i32
      %convert_element_type3A_37 = arith.extui %lt3A_36 : i1 to i32
      %cond3A_38 = arith.constant 0 : i32
      %cond3A_39 = arith.cmpi ne, %convert_element_type3A_37, %cond3A_38 : i32
      scf.if %cond3A_39 {
        %mul3A_41 = arith.constant 128 : i32
        %mul3A_42 = arith.muli %add3A, %mul3A_41 : i32
        "tpu.region"() ({
          %run_scoped3A = tpu.sem_alloc : memref<!tpu.dma_semaphore, #tpu.memory_space<semaphore_mem>>
          %dma_start3A = arith.constant 0 : i32
          %dma_start3A_43 = tpu.memref_slice %arg9[%mul3A_42, %dma_start3A] : memref<10112x128xf32, #tpu.memory_space<vmem_shared>> -> memref<128x128xf32, #tpu.memory_space<vmem_shared>>
          %dma_start3A_44 = arith.constant 0 : i32
          %dma_start3A_45 = tpu.memref_slice %arg9[%mul3A_42, %dma_start3A_44] : memref<10112x128xf32, #tpu.memory_space<vmem_shared>> -> memref<128x128xf32, #tpu.memory_space<vmem_shared>>
          tpu.enqueue_dma source(%arg8 : memref<128x128xf32, #tpu.memory_space<vmem>>) target(%dma_start3A_45 : memref<128x128xf32, #tpu.memory_space<vmem_shared>>) target_semaphore(%run_scoped3A : memref<!tpu.dma_semaphore, #tpu.memory_space<semaphore_mem>>)
          %dma_wait3A = arith.constant 0 : i32
          %dma_wait3A_46 = tpu.memref_slice %arg9[%mul3A_42, %dma_wait3A] : memref<10112x128xf32, #tpu.memory_space<vmem_shared>> -> memref<128x128xf32, #tpu.memory_space<vmem_shared>>
          %dma_wait3A_47 = arith.constant 0 : i32
          %dma_wait3A_48 = tpu.memref_slice %arg9[%mul3A_42, %dma_wait3A_47] : memref<10112x128xf32, #tpu.memory_space<vmem_shared>> -> memref<128x128xf32, #tpu.memory_space<vmem_shared>>
          tpu.wait_dma2 semaphore(%run_scoped3A : memref<!tpu.dma_semaphore, #tpu.memory_space<semaphore_mem>>) src(%arg8 : memref<128x128xf32, #tpu.memory_space<vmem>>) dst(%dma_wait3A_48 : memref<128x128xf32, #tpu.memory_space<vmem_shared>>)
          tpu.yield
        }) : () -> ()
      } else {
      }
      %scan3A_40 = arith.constant 0 : i32
      scf.yield %scan3A_40 : i32
    }
    %scan3A_13 = arith.constant 5 : i32
    %barrier3A_14 = arith.constant 0 : index
    tpu.barrier barrier_id(%barrier3A_14)
    %eq3A = arith.constant 0 : i32
    %eq3A_15 = arith.cmpi eq, %arg0, %eq3A : i32
    %convert_element_type3A = arith.extui %eq3A_15 : i1 to i32
    %cond3A = arith.constant 0 : i32
    %cond3A_16 = arith.cmpi ne, %convert_element_type3A, %cond3A : i32
    scf.if %cond3A_16 {
      %mul3A = arith.constant 112 : i32
      %mul3A_32 = arith.muli %arg1, %mul3A : i32
      "tpu.region"() ({
        %run_scoped3A = tpu.sem_alloc : memref<!tpu.dma_semaphore, #tpu.memory_space<semaphore_mem>>
        %dma_start3A = arith.constant 0 : i32
        %dma_start3A_40 = arith.constant 0 : i32
        %dma_start3A_41 = tpu.memref_slice %arg6[%dma_start3A, %dma_start3A_40] : memref<112x128xi32, #tpu.memory_space<vmem>> -> memref<112x128xi32, #tpu.memory_space<vmem>>
        %dma_start3A_42 = arith.constant 0 : i32
        %dma_start3A_43 = tpu.memref_slice %arg3[%mul3A_32, %dma_start3A_42] : memref<2528x128xi32, #tpu.memory_space<hbm>> -> memref<112x128xi32, #tpu.memory_space<hbm>>
        %dma_start3A_44 = arith.constant 0 : i32
        %dma_start3A_45 = arith.constant 0 : i32
        %dma_start3A_46 = tpu.memref_slice %arg6[%dma_start3A_44, %dma_start3A_45] : memref<112x128xi32, #tpu.memory_space<vmem>> -> memref<112x128xi32, #tpu.memory_space<vmem>>
        %dma_start3A_47 = arith.constant 0 : i32
        %dma_start3A_48 = tpu.memref_slice %arg3[%mul3A_32, %dma_start3A_47] : memref<2528x128xi32, #tpu.memory_space<hbm>> -> memref<112x128xi32, #tpu.memory_space<hbm>>
        tpu.enqueue_dma source(%dma_start3A_48 : memref<112x128xi32, #tpu.memory_space<hbm>>) target(%dma_start3A_46 : memref<112x128xi32, #tpu.memory_space<vmem>>) target_semaphore(%run_scoped3A : memref<!tpu.dma_semaphore, #tpu.memory_space<semaphore_mem>>)
        %dma_wait3A = arith.constant 0 : i32
        %dma_wait3A_49 = arith.constant 0 : i32
        %dma_wait3A_50 = tpu.memref_slice %arg6[%dma_wait3A, %dma_wait3A_49] : memref<112x128xi32, #tpu.memory_space<vmem>> -> memref<112x128xi32, #tpu.memory_space<vmem>>
        %dma_wait3A_51 = arith.constant 0 : i32
        %dma_wait3A_52 = tpu.memref_slice %arg3[%mul3A_32, %dma_wait3A_51] : memref<2528x128xi32, #tpu.memory_space<hbm>> -> memref<112x128xi32, #tpu.memory_space<hbm>>
        %dma_wait3A_53 = arith.constant 0 : i32
        %dma_wait3A_54 = arith.constant 0 : i32
        %dma_wait3A_55 = tpu.memref_slice %arg6[%dma_wait3A_53, %dma_wait3A_54] : memref<112x128xi32, #tpu.memory_space<vmem>> -> memref<112x128xi32, #tpu.memory_space<vmem>>
        %dma_wait3A_56 = arith.constant 0 : i32
        %dma_wait3A_57 = tpu.memref_slice %arg3[%mul3A_32, %dma_wait3A_56] : memref<2528x128xi32, #tpu.memory_space<hbm>> -> memref<112x128xi32, #tpu.memory_space<hbm>>
        tpu.wait_dma2 semaphore(%run_scoped3A : memref<!tpu.dma_semaphore, #tpu.memory_space<semaphore_mem>>) src(%dma_wait3A_57 : memref<112x128xi32, #tpu.memory_space<hbm>>) dst(%dma_wait3A_55 : memref<112x128xi32, #tpu.memory_space<vmem>>)
        tpu.yield
      }) : () -> ()
      "tpu.region"() ({
        %run_scoped3A = tpu.sem_alloc : memref<!tpu.dma_semaphore, #tpu.memory_space<semaphore_mem>>
        %dma_start3A = arith.constant 0 : i32
        %dma_start3A_40 = arith.constant 0 : i32
        %dma_start3A_41 = tpu.memref_slice %arg7[%dma_start3A, %dma_start3A_40] : memref<112x128xi32, #tpu.memory_space<vmem>> -> memref<112x128xi32, #tpu.memory_space<vmem>>
        %dma_start3A_42 = arith.constant 0 : i32
        %dma_start3A_43 = tpu.memref_slice %arg4[%mul3A_32, %dma_start3A_42] : memref<2528x128xi32, #tpu.memory_space<hbm>> -> memref<112x128xi32, #tpu.memory_space<hbm>>
        %dma_start3A_44 = arith.constant 0 : i32
        %dma_start3A_45 = arith.constant 0 : i32
        %dma_start3A_46 = tpu.memref_slice %arg7[%dma_start3A_44, %dma_start3A_45] : memref<112x128xi32, #tpu.memory_space<vmem>> -> memref<112x128xi32, #tpu.memory_space<vmem>>
        %dma_start3A_47 = arith.constant 0 : i32
        %dma_start3A_48 = tpu.memref_slice %arg4[%mul3A_32, %dma_start3A_47] : memref<2528x128xi32, #tpu.memory_space<hbm>> -> memref<112x128xi32, #tpu.memory_space<hbm>>
        tpu.enqueue_dma source(%dma_start3A_48 : memref<112x128xi32, #tpu.memory_space<hbm>>) target(%dma_start3A_46 : memref<112x128xi32, #tpu.memory_space<vmem>>) target_semaphore(%run_scoped3A : memref<!tpu.dma_semaphore, #tpu.memory_space<semaphore_mem>>)
        %dma_wait3A = arith.constant 0 : i32
        %dma_wait3A_49 = arith.constant 0 : i32
        %dma_wait3A_50 = tpu.memref_slice %arg7[%dma_wait3A, %dma_wait3A_49] : memref<112x128xi32, #tpu.memory_space<vmem>> -> memref<112x128xi32, #tpu.memory_space<vmem>>
        %dma_wait3A_51 = arith.constant 0 : i32
        %dma_wait3A_52 = tpu.memref_slice %arg4[%mul3A_32, %dma_wait3A_51] : memref<2528x128xi32, #tpu.memory_space<hbm>> -> memref<112x128xi32, #tpu.memory_space<hbm>>
        %dma_wait3A_53 = arith.constant 0 : i32
        %dma_wait3A_54 = arith.constant 0 : i32
        %dma_wait3A_55 = tpu.memref_slice %arg7[%dma_wait3A_53, %dma_wait3A_54] : memref<112x128xi32, #tpu.memory_space<vmem>> -> memref<112x128xi32, #tpu.memory_space<vmem>>
        %dma_wait3A_56 = arith.constant 0 : i32
        %dma_wait3A_57 = tpu.memref_slice %arg4[%mul3A_32, %dma_wait3A_56] : memref<2528x128xi32, #tpu.memory_space<hbm>> -> memref<112x128xi32, #tpu.memory_space<hbm>>
        tpu.wait_dma2 semaphore(%run_scoped3A : memref<!tpu.dma_semaphore, #tpu.memory_space<semaphore_mem>>) src(%dma_wait3A_57 : memref<112x128xi32, #tpu.memory_space<hbm>>) dst(%dma_wait3A_55 : memref<112x128xi32, #tpu.memory_space<vmem>>)
        tpu.yield
      }) : () -> ()
      %scan3A_33 = arith.constant 0 : i32
      %scan3A_34 = arith.constant 0 : i32
      %scan3A_35 = arith.constant 112 : i32
      %scan3A_36 = arith.addi %scan3A_34, %scan3A_35 : i32
      %scan3A_37 = arith.constant 1 : i32
      %scan3A_38 = scf.for %scan3A_40 = %scan3A_34 to %scan3A_36 step %scan3A_37 iter_args(%scan3A_41 = %scan3A_33) -> (i32)  : i32 {
        %dma_start3A = arith.constant 0 : i32
        %dma_start3A_42 = tpu.memref_slice %arg6[%scan3A_40, %dma_start3A] : memref<112x128xi32, #tpu.memory_space<vmem>> -> memref<1x128xi32, #tpu.memory_space<vmem>>
        %dma_start3A_43 = tpu.memref_squeeze %dma_start3A_42 : memref<1x128xi32, #tpu.memory_space<vmem>> -> memref<128xi32, #tpu.memory_space<vmem>>
        %dma_start3A_44 = arith.constant 0 : i32
        %dma_start3A_45 = arith.constant 0 : i32
        %dma_start3A_46 = tpu.memref_slice %arg2[%dma_start3A_44, %dma_start3A_45] : memref<10000x128xf32, #tpu.memory_space<hbm>> -> memref<10000x128xf32, #tpu.memory_space<hbm>>
        tpu.enqueue_indirect_dma source(%dma_start3A_46 : memref<10000x128xf32, #tpu.memory_space<hbm>>) target(%arg8 : memref<128x128xf32, #tpu.memory_space<vmem>>) offsets(%dma_start3A_43 : memref<128xi32, #tpu.memory_space<vmem>>) semaphore(%arg10 : memref<!tpu.dma_semaphore, #tpu.memory_space<semaphore_mem>>)
        %dma_wait3A = arith.constant 0 : i32
        %dma_wait3A_47 = tpu.memref_slice %arg6[%scan3A_40, %dma_wait3A] : memref<112x128xi32, #tpu.memory_space<vmem>> -> memref<1x128xi32, #tpu.memory_space<vmem>>
        %dma_wait3A_48 = tpu.memref_squeeze %dma_wait3A_47 : memref<1x128xi32, #tpu.memory_space<vmem>> -> memref<128xi32, #tpu.memory_space<vmem>>
        %dma_wait3A_49 = arith.constant 0 : i32
        %dma_wait3A_50 = arith.constant 0 : i32
        %dma_wait3A_51 = tpu.memref_slice %arg2[%dma_wait3A_49, %dma_wait3A_50] : memref<10000x128xf32, #tpu.memory_space<hbm>> -> memref<10000x128xf32, #tpu.memory_space<hbm>>
        tpu.wait_indirect_dma semaphore(%arg10 : memref<!tpu.dma_semaphore, #tpu.memory_space<semaphore_mem>>) src(%dma_wait3A_51 : memref<10000x128xf32, #tpu.memory_space<hbm>>) dst(%arg8 : memref<128x128xf32, #tpu.memory_space<vmem>>)
        "tpu.region"() ({
          %run_scoped3A = tpu.sem_alloc : memref<!tpu.dma_semaphore, #tpu.memory_space<semaphore_mem>>
          %dma_start3A_53 = arith.constant 0 : i32
          %dma_start3A_54 = tpu.memref_slice %arg7[%scan3A_40, %dma_start3A_53] : memref<112x128xi32, #tpu.memory_space<vmem>> -> memref<1x128xi32, #tpu.memory_space<vmem>>
          %dma_start3A_55 = tpu.memref_squeeze %dma_start3A_54 : memref<1x128xi32, #tpu.memory_space<vmem>> -> memref<128xi32, #tpu.memory_space<vmem>>
          %dma_start3A_56 = arith.constant 0 : i32
          %dma_start3A_57 = arith.constant 0 : i32
          %dma_start3A_58 = tpu.memref_slice %arg9[%dma_start3A_56, %dma_start3A_57] : memref<10112x128xf32, #tpu.memory_space<vmem_shared>> -> memref<10112x128xf32, #tpu.memory_space<vmem_shared>>
          tpu.enqueue_indirect_dma source(%arg8 : memref<128x128xf32, #tpu.memory_space<vmem>>) target(%dma_start3A_58 : memref<10112x128xf32, #tpu.memory_space<vmem_shared>>) offsets(%dma_start3A_55 : memref<128xi32, #tpu.memory_space<vmem>>) semaphore(%run_scoped3A : memref<!tpu.dma_semaphore, #tpu.memory_space<semaphore_mem>>) {add = true}
          %dma_wait3A_59 = arith.constant 0 : i32
          %dma_wait3A_60 = tpu.memref_slice %arg7[%scan3A_40, %dma_wait3A_59] : memref<112x128xi32, #tpu.memory_space<vmem>> -> memref<1x128xi32, #tpu.memory_space<vmem>>
          %dma_wait3A_61 = tpu.memref_squeeze %dma_wait3A_60 : memref<1x128xi32, #tpu.memory_space<vmem>> -> memref<128xi32, #tpu.memory_space<vmem>>
          %dma_wait3A_62 = arith.constant 0 : i32
          %dma_wait3A_63 = arith.constant 0 : i32
          %dma_wait3A_64 = tpu.memref_slice %arg9[%dma_wait3A_62, %dma_wait3A_63] : memref<10112x128xf32, #tpu.memory_space<vmem_shared>> -> memref<10112x128xf32, #tpu.memory_space<vmem_shared>>
          tpu.wait_indirect_dma semaphore(%run_scoped3A : memref<!tpu.dma_semaphore, #tpu.memory_space<semaphore_mem>>) src(%arg8 : memref<128x128xf32, #tpu.memory_space<vmem>>) dst(%dma_wait3A_64 : memref<10112x128xf32, #tpu.memory_space<vmem_shared>>)
          tpu.yield
        }) : () -> ()
        %scan3A_52 = arith.constant 0 : i32
        scf.yield %scan3A_52 : i32
      }
      %scan3A_39 = arith.constant 112 : i32
    } else {
    }
    %eq3A_17 = arith.constant 1 : i32
    %eq3A_18 = arith.cmpi eq, %arg0, %eq3A_17 : i32
    %convert_element_type3A_19 = arith.extui %eq3A_18 : i1 to i32
    %cond3A_20 = arith.constant 0 : i32
    %cond3A_21 = arith.cmpi ne, %convert_element_type3A_19, %cond3A_20 : i32
    scf.if %cond3A_21 {
      %mul3A = arith.constant 46 : i32
      %mul3A_32 = arith.muli %arg1, %mul3A : i32
      %add3A = arith.constant 1792 : i32
      %add3A_33 = arith.addi %add3A, %mul3A_32 : i32
      "tpu.region"() ({
        %run_scoped3A = tpu.sem_alloc : memref<!tpu.dma_semaphore, #tpu.memory_space<semaphore_mem>>
        %dma_start3A = arith.constant 0 : i32
        %dma_start3A_41 = arith.constant 0 : i32
        %dma_start3A_42 = tpu.memref_slice %arg6[%dma_start3A, %dma_start3A_41] : memref<112x128xi32, #tpu.memory_space<vmem>> -> memref<46x128xi32, #tpu.memory_space<vmem>>
        %dma_start3A_43 = arith.constant 0 : i32
        %dma_start3A_44 = tpu.memref_slice %arg3[%add3A_33, %dma_start3A_43] : memref<2528x128xi32, #tpu.memory_space<hbm>> -> memref<46x128xi32, #tpu.memory_space<hbm>>
        %dma_start3A_45 = arith.constant 0 : i32
        %dma_start3A_46 = arith.constant 0 : i32
        %dma_start3A_47 = tpu.memref_slice %arg6[%dma_start3A_45, %dma_start3A_46] : memref<112x128xi32, #tpu.memory_space<vmem>> -> memref<46x128xi32, #tpu.memory_space<vmem>>
        %dma_start3A_48 = arith.constant 0 : i32
        %dma_start3A_49 = tpu.memref_slice %arg3[%add3A_33, %dma_start3A_48] : memref<2528x128xi32, #tpu.memory_space<hbm>> -> memref<46x128xi32, #tpu.memory_space<hbm>>
        tpu.enqueue_dma source(%dma_start3A_49 : memref<46x128xi32, #tpu.memory_space<hbm>>) target(%dma_start3A_47 : memref<46x128xi32, #tpu.memory_space<vmem>>) target_semaphore(%run_scoped3A : memref<!tpu.dma_semaphore, #tpu.memory_space<semaphore_mem>>)
        %dma_wait3A = arith.constant 0 : i32
        %dma_wait3A_50 = arith.constant 0 : i32
        %dma_wait3A_51 = tpu.memref_slice %arg6[%dma_wait3A, %dma_wait3A_50] : memref<112x128xi32, #tpu.memory_space<vmem>> -> memref<46x128xi32, #tpu.memory_space<vmem>>
        %dma_wait3A_52 = arith.constant 0 : i32
        %dma_wait3A_53 = tpu.memref_slice %arg3[%add3A_33, %dma_wait3A_52] : memref<2528x128xi32, #tpu.memory_space<hbm>> -> memref<46x128xi32, #tpu.memory_space<hbm>>
        %dma_wait3A_54 = arith.constant 0 : i32
        %dma_wait3A_55 = arith.constant 0 : i32
        %dma_wait3A_56 = tpu.memref_slice %arg6[%dma_wait3A_54, %dma_wait3A_55] : memref<112x128xi32, #tpu.memory_space<vmem>> -> memref<46x128xi32, #tpu.memory_space<vmem>>
        %dma_wait3A_57 = arith.constant 0 : i32
        %dma_wait3A_58 = tpu.memref_slice %arg3[%add3A_33, %dma_wait3A_57] : memref<2528x128xi32, #tpu.memory_space<hbm>> -> memref<46x128xi32, #tpu.memory_space<hbm>>
        tpu.wait_dma2 semaphore(%run_scoped3A : memref<!tpu.dma_semaphore, #tpu.memory_space<semaphore_mem>>) src(%dma_wait3A_58 : memref<46x128xi32, #tpu.memory_space<hbm>>) dst(%dma_wait3A_56 : memref<46x128xi32, #tpu.memory_space<vmem>>)
        tpu.yield
      }) : () -> ()
      "tpu.region"() ({
        %run_scoped3A = tpu.sem_alloc : memref<!tpu.dma_semaphore, #tpu.memory_space<semaphore_mem>>
        %dma_start3A = arith.constant 0 : i32
        %dma_start3A_41 = arith.constant 0 : i32
        %dma_start3A_42 = tpu.memref_slice %arg7[%dma_start3A, %dma_start3A_41] : memref<112x128xi32, #tpu.memory_space<vmem>> -> memref<46x128xi32, #tpu.memory_space<vmem>>
        %dma_start3A_43 = arith.constant 0 : i32
        %dma_start3A_44 = tpu.memref_slice %arg4[%add3A_33, %dma_start3A_43] : memref<2528x128xi32, #tpu.memory_space<hbm>> -> memref<46x128xi32, #tpu.memory_space<hbm>>
        %dma_start3A_45 = arith.constant 0 : i32
        %dma_start3A_46 = arith.constant 0 : i32
        %dma_start3A_47 = tpu.memref_slice %arg7[%dma_start3A_45, %dma_start3A_46] : memref<112x128xi32, #tpu.memory_space<vmem>> -> memref<46x128xi32, #tpu.memory_space<vmem>>
        %dma_start3A_48 = arith.constant 0 : i32
        %dma_start3A_49 = tpu.memref_slice %arg4[%add3A_33, %dma_start3A_48] : memref<2528x128xi32, #tpu.memory_space<hbm>> -> memref<46x128xi32, #tpu.memory_space<hbm>>
        tpu.enqueue_dma source(%dma_start3A_49 : memref<46x128xi32, #tpu.memory_space<hbm>>) target(%dma_start3A_47 : memref<46x128xi32, #tpu.memory_space<vmem>>) target_semaphore(%run_scoped3A : memref<!tpu.dma_semaphore, #tpu.memory_space<semaphore_mem>>)
        %dma_wait3A = arith.constant 0 : i32
        %dma_wait3A_50 = arith.constant 0 : i32
        %dma_wait3A_51 = tpu.memref_slice %arg7[%dma_wait3A, %dma_wait3A_50] : memref<112x128xi32, #tpu.memory_space<vmem>> -> memref<46x128xi32, #tpu.memory_space<vmem>>
        %dma_wait3A_52 = arith.constant 0 : i32
        %dma_wait3A_53 = tpu.memref_slice %arg4[%add3A_33, %dma_wait3A_52] : memref<2528x128xi32, #tpu.memory_space<hbm>> -> memref<46x128xi32, #tpu.memory_space<hbm>>
        %dma_wait3A_54 = arith.constant 0 : i32
        %dma_wait3A_55 = arith.constant 0 : i32
        %dma_wait3A_56 = tpu.memref_slice %arg7[%dma_wait3A_54, %dma_wait3A_55] : memref<112x128xi32, #tpu.memory_space<vmem>> -> memref<46x128xi32, #tpu.memory_space<vmem>>
        %dma_wait3A_57 = arith.constant 0 : i32
        %dma_wait3A_58 = tpu.memref_slice %arg4[%add3A_33, %dma_wait3A_57] : memref<2528x128xi32, #tpu.memory_space<hbm>> -> memref<46x128xi32, #tpu.memory_space<hbm>>
        tpu.wait_dma2 semaphore(%run_scoped3A : memref<!tpu.dma_semaphore, #tpu.memory_space<semaphore_mem>>) src(%dma_wait3A_58 : memref<46x128xi32, #tpu.memory_space<hbm>>) dst(%dma_wait3A_56 : memref<46x128xi32, #tpu.memory_space<vmem>>)
        tpu.yield
      }) : () -> ()
      %scan3A_34 = arith.constant 0 : i32
      %scan3A_35 = arith.constant 0 : i32
      %scan3A_36 = arith.constant 46 : i32
      %scan3A_37 = arith.addi %scan3A_35, %scan3A_36 : i32
      %scan3A_38 = arith.constant 1 : i32
      %scan3A_39 = scf.for %scan3A_41 = %scan3A_35 to %scan3A_37 step %scan3A_38 iter_args(%scan3A_42 = %scan3A_34) -> (i32)  : i32 {
        %dma_start3A = arith.constant 0 : i32
        %dma_start3A_43 = tpu.memref_slice %arg6[%scan3A_41, %dma_start3A] : memref<112x128xi32, #tpu.memory_space<vmem>> -> memref<1x128xi32, #tpu.memory_space<vmem>>
        %dma_start3A_44 = tpu.memref_squeeze %dma_start3A_43 : memref<1x128xi32, #tpu.memory_space<vmem>> -> memref<128xi32, #tpu.memory_space<vmem>>
        %dma_start3A_45 = arith.constant 0 : i32
        %dma_start3A_46 = arith.constant 0 : i32
        %dma_start3A_47 = tpu.memref_slice %arg2[%dma_start3A_45, %dma_start3A_46] : memref<10000x128xf32, #tpu.memory_space<hbm>> -> memref<10000x128xf32, #tpu.memory_space<hbm>>
        tpu.enqueue_indirect_dma source(%dma_start3A_47 : memref<10000x128xf32, #tpu.memory_space<hbm>>) target(%arg8 : memref<128x128xf32, #tpu.memory_space<vmem>>) offsets(%dma_start3A_44 : memref<128xi32, #tpu.memory_space<vmem>>) semaphore(%arg10 : memref<!tpu.dma_semaphore, #tpu.memory_space<semaphore_mem>>)
        %dma_wait3A = arith.constant 0 : i32
        %dma_wait3A_48 = tpu.memref_slice %arg6[%scan3A_41, %dma_wait3A] : memref<112x128xi32, #tpu.memory_space<vmem>> -> memref<1x128xi32, #tpu.memory_space<vmem>>
        %dma_wait3A_49 = tpu.memref_squeeze %dma_wait3A_48 : memref<1x128xi32, #tpu.memory_space<vmem>> -> memref<128xi32, #tpu.memory_space<vmem>>
        %dma_wait3A_50 = arith.constant 0 : i32
        %dma_wait3A_51 = arith.constant 0 : i32
        %dma_wait3A_52 = tpu.memref_slice %arg2[%dma_wait3A_50, %dma_wait3A_51] : memref<10000x128xf32, #tpu.memory_space<hbm>> -> memref<10000x128xf32, #tpu.memory_space<hbm>>
        tpu.wait_indirect_dma semaphore(%arg10 : memref<!tpu.dma_semaphore, #tpu.memory_space<semaphore_mem>>) src(%dma_wait3A_52 : memref<10000x128xf32, #tpu.memory_space<hbm>>) dst(%arg8 : memref<128x128xf32, #tpu.memory_space<vmem>>)
        "tpu.region"() ({
          %run_scoped3A = tpu.sem_alloc : memref<!tpu.dma_semaphore, #tpu.memory_space<semaphore_mem>>
          %dma_start3A_54 = arith.constant 0 : i32
          %dma_start3A_55 = tpu.memref_slice %arg7[%scan3A_41, %dma_start3A_54] : memref<112x128xi32, #tpu.memory_space<vmem>> -> memref<1x128xi32, #tpu.memory_space<vmem>>
          %dma_start3A_56 = tpu.memref_squeeze %dma_start3A_55 : memref<1x128xi32, #tpu.memory_space<vmem>> -> memref<128xi32, #tpu.memory_space<vmem>>
          %dma_start3A_57 = arith.constant 0 : i32
          %dma_start3A_58 = arith.constant 0 : i32
          %dma_start3A_59 = tpu.memref_slice %arg9[%dma_start3A_57, %dma_start3A_58] : memref<10112x128xf32, #tpu.memory_space<vmem_shared>> -> memref<10112x128xf32, #tpu.memory_space<vmem_shared>>
          tpu.enqueue_indirect_dma source(%arg8 : memref<128x128xf32, #tpu.memory_space<vmem>>) target(%dma_start3A_59 : memref<10112x128xf32, #tpu.memory_space<vmem_shared>>) offsets(%dma_start3A_56 : memref<128xi32, #tpu.memory_space<vmem>>) semaphore(%run_scoped3A : memref<!tpu.dma_semaphore, #tpu.memory_space<semaphore_mem>>) {add = true}
          %dma_wait3A_60 = arith.constant 0 : i32
          %dma_wait3A_61 = tpu.memref_slice %arg7[%scan3A_41, %dma_wait3A_60] : memref<112x128xi32, #tpu.memory_space<vmem>> -> memref<1x128xi32, #tpu.memory_space<vmem>>
          %dma_wait3A_62 = tpu.memref_squeeze %dma_wait3A_61 : memref<1x128xi32, #tpu.memory_space<vmem>> -> memref<128xi32, #tpu.memory_space<vmem>>
          %dma_wait3A_63 = arith.constant 0 : i32
          %dma_wait3A_64 = arith.constant 0 : i32
          %dma_wait3A_65 = tpu.memref_slice %arg9[%dma_wait3A_63, %dma_wait3A_64] : memref<10112x128xf32, #tpu.memory_space<vmem_shared>> -> memref<10112x128xf32, #tpu.memory_space<vmem_shared>>
          tpu.wait_indirect_dma semaphore(%run_scoped3A : memref<!tpu.dma_semaphore, #tpu.memory_space<semaphore_mem>>) src(%arg8 : memref<128x128xf32, #tpu.memory_space<vmem>>) dst(%dma_wait3A_65 : memref<10112x128xf32, #tpu.memory_space<vmem_shared>>)
          tpu.yield
        }) : () -> ()
        %scan3A_53 = arith.constant 0 : i32
        scf.yield %scan3A_53 : i32
      }
      %scan3A_40 = arith.constant 46 : i32
    } else {
    }
    %barrier3A_22 = arith.constant 0 : index
    tpu.barrier barrier_id(%barrier3A_22)
    %lt3A = arith.constant 15 : i32
    %lt3A_23 = arith.cmpi slt, %arg1, %lt3A : i32
    %convert_element_type3A_24 = arith.extui %lt3A_23 : i1 to i32
    %cond3A_25 = arith.constant 0 : i32
    %cond3A_26 = arith.cmpi ne, %convert_element_type3A_24, %cond3A_25 : i32
    scf.if %cond3A_26 {
      %mul3A = arith.constant 624 : i32
      %mul3A_32 = arith.muli %arg1, %mul3A : i32
      %mul3A_33 = arith.constant 10000 : i32
      %mul3A_34 = arith.muli %arg0, %mul3A_33 : i32
      %mul3A_35 = arith.constant 624 : i32
      %mul3A_36 = arith.muli %arg1, %mul3A_35 : i32
      %add3A = arith.addi %mul3A_34, %mul3A_36 : i32
      "tpu.region"() ({
        %run_scoped3A = tpu.sem_alloc : memref<!tpu.dma_semaphore, #tpu.memory_space<semaphore_mem>>
        %dma_start3A = arith.constant 0 : i32
        %dma_start3A_37 = tpu.memref_slice %arg5[%add3A, %dma_start3A] : memref<20000x128xf32, #tpu.memory_space<hbm>> -> memref<624x128xf32, #tpu.memory_space<hbm>>
        %dma_start3A_38 = arith.constant 0 : i32
        %dma_start3A_39 = tpu.memref_slice %arg9[%mul3A_32, %dma_start3A_38] : memref<10112x128xf32, #tpu.memory_space<vmem_shared>> -> memref<624x128xf32, #tpu.memory_space<vmem_shared>>
        tpu.enqueue_dma source(%dma_start3A_39 : memref<624x128xf32, #tpu.memory_space<vmem_shared>>) target(%dma_start3A_37 : memref<624x128xf32, #tpu.memory_space<hbm>>) target_semaphore(%run_scoped3A : memref<!tpu.dma_semaphore, #tpu.memory_space<semaphore_mem>>)
        %dma_wait3A = arith.constant 0 : i32
        %dma_wait3A_40 = tpu.memref_slice %arg5[%add3A, %dma_wait3A] : memref<20000x128xf32, #tpu.memory_space<hbm>> -> memref<624x128xf32, #tpu.memory_space<hbm>>
        %dma_wait3A_41 = arith.constant 0 : i32
        %dma_wait3A_42 = tpu.memref_slice %arg9[%mul3A_32, %dma_wait3A_41] : memref<10112x128xf32, #tpu.memory_space<vmem_shared>> -> memref<624x128xf32, #tpu.memory_space<vmem_shared>>
        tpu.wait_dma2 semaphore(%run_scoped3A : memref<!tpu.dma_semaphore, #tpu.memory_space<semaphore_mem>>) src(%dma_wait3A_42 : memref<624x128xf32, #tpu.memory_space<vmem_shared>>) dst(%dma_wait3A_40 : memref<624x128xf32, #tpu.memory_space<hbm>>)
        tpu.yield
      }) : () -> ()
    } else {
    }
    %eq3A_27 = arith.constant 15 : i32
    %eq3A_28 = arith.cmpi eq, %arg1, %eq3A_27 : i32
    %convert_element_type3A_29 = arith.extui %eq3A_28 : i1 to i32
    %cond3A_30 = arith.constant 0 : i32
    %cond3A_31 = arith.cmpi ne, %convert_element_type3A_29, %cond3A_30 : i32
    scf.if %cond3A_31 {
      %mul3A = arith.constant 10000 : i32
      %mul3A_32 = arith.muli %arg0, %mul3A : i32
      %add3A = arith.constant 9360 : i32
      %add3A_33 = arith.addi %mul3A_32, %add3A : i32
      "tpu.region"() ({
        %run_scoped3A = tpu.sem_alloc : memref<!tpu.dma_semaphore, #tpu.memory_space<semaphore_mem>>
        %dma_start3A = arith.constant 0 : i32
        %dma_start3A_34 = tpu.memref_slice %arg5[%add3A_33, %dma_start3A] : memref<20000x128xf32, #tpu.memory_space<hbm>> -> memref<640x128xf32, #tpu.memory_space<hbm>>
        %dma_start3A_35 = arith.constant 9360 : i32
        %dma_start3A_36 = arith.constant 0 : i32
        %dma_start3A_37 = tpu.memref_slice %arg9[%dma_start3A_35, %dma_start3A_36] : memref<10112x128xf32, #tpu.memory_space<vmem_shared>> -> memref<640x128xf32, #tpu.memory_space<vmem_shared>>
        tpu.enqueue_dma source(%dma_start3A_37 : memref<640x128xf32, #tpu.memory_space<vmem_shared>>) target(%dma_start3A_34 : memref<640x128xf32, #tpu.memory_space<hbm>>) target_semaphore(%run_scoped3A : memref<!tpu.dma_semaphore, #tpu.memory_space<semaphore_mem>>)
        %dma_wait3A = arith.constant 0 : i32
        %dma_wait3A_38 = tpu.memref_slice %arg5[%add3A_33, %dma_wait3A] : memref<20000x128xf32, #tpu.memory_space<hbm>> -> memref<640x128xf32, #tpu.memory_space<hbm>>
        %dma_wait3A_39 = arith.constant 9360 : i32
        %dma_wait3A_40 = arith.constant 0 : i32
        %dma_wait3A_41 = tpu.memref_slice %arg9[%dma_wait3A_39, %dma_wait3A_40] : memref<10112x128xf32, #tpu.memory_space<vmem_shared>> -> memref<640x128xf32, #tpu.memory_space<vmem_shared>>
        tpu.wait_dma2 semaphore(%run_scoped3A : memref<!tpu.dma_semaphore, #tpu.memory_space<semaphore_mem>>) src(%dma_wait3A_41 : memref<640x128xf32, #tpu.memory_space<vmem_shared>>) dst(%dma_wait3A_38 : memref<640x128xf32, #tpu.memory_space<hbm>>)
        tpu.yield
      }) : () -> ()
    } else {
    }
    return
  }
}

#map = affine_map<(d0, d1) -> (0, 0)>
module attributes {stable_mosaic.version = 14 : i64} {
  func.func @agg_kernel(%arg0: i32, %arg1: i32, %arg2: memref<10000x128xf32, #tpu.memory_space<hbm>>, %arg3: memref<2528x128xi32, #tpu.memory_space<hbm>>, %arg4: memref<2528x128xi32, #tpu.memory_space<hbm>>, %arg5: memref<20000x128xf32, #tpu.memory_space<hbm>>, %arg6: memref<112x128xi32, #tpu.memory_space<vmem>>, %arg7: memref<112x128xi32, #tpu.memory_space<vmem>>, %arg8: memref<128x128xf32, #tpu.memory_space<vmem>>, %arg9: memref<10112x128xf32, #tpu.memory_space<vmem_shared>>, %arg10: memref<!tpu.dma_semaphore, #tpu.memory_space<semaphore_mem>>) attributes {dimension_semantics = [#tpu.dimension_semantics<core_parallel>, #tpu.dimension_semantics<subcore_parallel>], iteration_bounds = array<i64: 2, 16>, scalar_prefetch = 0 : i64, scratch_operands = 5 : i64, tpu.core_type = #tpu.core_type<sc_vector_subcore>, window_params = [{transform_indices = #map}, {transform_indices = #map}, {transform_indices = #map}, {transform_indices = #map}]} {
    %barrier3A = arith.constant 0 : index
    tpu.barrier barrier_id(%barrier3A)
    %broadcast_in_dim3A = arith.constant 0.000000e+00 : f32
    %broadcast_in_dim3A_0 = vector.broadcast %broadcast_in_dim3A : f32 to vector<16xf32>
    %scan3A = arith.constant 0 : i32
    %scan3A_1 = arith.constant 0 : i32
    %scan3A_2 = arith.constant 128 : i32
    %scan3A_3 = arith.addi %scan3A_1, %scan3A_2 : i32
    %scan3A_4 = arith.constant 1 : i32
    %scan3A_5 = scf.for %scan3A_32 = %scan3A_1 to %scan3A_3 step %scan3A_4 iter_args(%scan3A_33 = %scan3A) -> (i32)  : i32 {
      %scan3A_34 = arith.constant 0 : i32
      %scan3A_35 = arith.constant 0 : i32
      %scan3A_36 = arith.constant 8 : i32
      %scan3A_37 = arith.addi %scan3A_35, %scan3A_36 : i32
      %scan3A_38 = arith.constant 1 : i32
      %scan3A_39 = scf.for %scan3A_41 = %scan3A_35 to %scan3A_37 step %scan3A_38 iter_args(%scan3A_42 = %scan3A_34) -> (i32)  : i32 {
        %mul3A = arith.constant 16 : i32
        %mul3A_43 = arith.muli %scan3A_41, %mul3A : i32
        %swap3A = arith.index_cast %scan3A_32 : i32 to index
        %swap3A_44 = arith.index_cast %mul3A_43 : i32 to index
        %swap3A_45 = tpu.vector_load %arg8[%swap3A, %swap3A_44] {strides = array<i32>} : memref<128x128xf32, #tpu.memory_space<vmem>>, vector<1x16xf32>,
        %swap3A_46 = vector.shape_cast %swap3A_45 : vector<1x16xf32> to vector<16xf32>
        %swap3A_47 = vector.shape_cast %broadcast_in_dim3A_0 : vector<16xf32> to vector<1x16xf32>
        tpu.vector_store %arg8[%swap3A, %swap3A_44], %swap3A_47 {strides = array<i32>} : memref<128x128xf32, #tpu.memory_space<vmem>>, vector<1x16xf32>,
        %scan3A_48 = arith.constant 0 : i32
        scf.yield %scan3A_48 : i32
      }
      %scan3A_40 = arith.constant 8 : i32
      scf.yield %scan3A_39 : i32
    }
    %scan3A_6 = arith.constant 128 : i32
    %scan3A_7 = arith.constant 0 : i32
    %scan3A_8 = arith.constant 0 : i32
    %scan3A_9 = arith.constant 5 : i32
    %scan3A_10 = arith.addi %scan3A_8, %scan3A_9 : i32
    %scan3A_11 = arith.constant 1 : i32
    %scan3A_12 = scf.for %scan3A_32 = %scan3A_8 to %scan3A_10 step %scan3A_11 iter_args(%scan3A_33 = %scan3A_7) -> (i32)  : i32 {
      %mul3A = arith.constant 16 : i32
      %mul3A_34 = arith.muli %scan3A_32, %mul3A : i32
      %add3A = arith.addi %mul3A_34, %arg1 : i32
      %lt3A_35 = arith.constant 79 : i32
      %lt3A_36 = arith.cmpi slt, %add3A, %lt3A_35 : i32
      %convert_element_type3A_37 = arith.extui %lt3A_36 : i1 to i32
      %cond3A_38 = arith.constant 0 : i32
      %cond3A_39 = arith.cmpi ne, %convert_element_type3A_37, %cond3A_38 : i32
      scf.if %cond3A_39 {
        %mul3A_41 = arith.constant 128 : i32
        %mul3A_42 = arith.muli %add3A, %mul3A_41 : i32
        "tpu.region"() ({
          %run_scoped3A = tpu.sem_alloc : memref<!tpu.dma_semaphore, #tpu.memory_space<semaphore_mem>>
          %dma_start3A = arith.constant 0 : i32
          %dma_start3A_43 = tpu.memref_slice %arg9[%mul3A_42, %dma_start3A] : memref<10112x128xf32, #tpu.memory_space<vmem_shared>> -> memref<128x128xf32, #tpu.memory_space<vmem_shared>>
          %dma_start3A_44 = arith.constant 0 : i32
          %dma_start3A_45 = tpu.memref_slice %arg9[%mul3A_42, %dma_start3A_44] : memref<10112x128xf32, #tpu.memory_space<vmem_shared>> -> memref<128x128xf32, #tpu.memory_space<vmem_shared>>
          tpu.enqueue_dma source(%arg8 : memref<128x128xf32, #tpu.memory_space<vmem>>) target(%dma_start3A_45 : memref<128x128xf32, #tpu.memory_space<vmem_shared>>) target_semaphore(%run_scoped3A : memref<!tpu.dma_semaphore, #tpu.memory_space<semaphore_mem>>)
          %dma_wait3A = arith.constant 0 : i32
          %dma_wait3A_46 = tpu.memref_slice %arg9[%mul3A_42, %dma_wait3A] : memref<10112x128xf32, #tpu.memory_space<vmem_shared>> -> memref<128x128xf32, #tpu.memory_space<vmem_shared>>
          %dma_wait3A_47 = arith.constant 0 : i32
          %dma_wait3A_48 = tpu.memref_slice %arg9[%mul3A_42, %dma_wait3A_47] : memref<10112x128xf32, #tpu.memory_space<vmem_shared>> -> memref<128x128xf32, #tpu.memory_space<vmem_shared>>
          tpu.wait_dma2 semaphore(%run_scoped3A : memref<!tpu.dma_semaphore, #tpu.memory_space<semaphore_mem>>) src(%arg8 : memref<128x128xf32, #tpu.memory_space<vmem>>) dst(%dma_wait3A_48 : memref<128x128xf32, #tpu.memory_space<vmem_shared>>)
          tpu.yield
        }) : () -> ()
      } else {
      }
      %scan3A_40 = arith.constant 0 : i32
      scf.yield %scan3A_40 : i32
    }
    %scan3A_13 = arith.constant 5 : i32
    %barrier3A_14 = arith.constant 0 : index
    tpu.barrier barrier_id(%barrier3A_14)
    %eq3A = arith.constant 0 : i32
    %eq3A_15 = arith.cmpi eq, %arg0, %eq3A : i32
    %convert_element_type3A = arith.extui %eq3A_15 : i1 to i32
    %cond3A = arith.constant 0 : i32
    %cond3A_16 = arith.cmpi ne, %convert_element_type3A, %cond3A : i32
    scf.if %cond3A_16 {
      %mul3A = arith.constant 112 : i32
      %mul3A_32 = arith.muli %arg1, %mul3A : i32
      "tpu.region"() ({
        %run_scoped3A = tpu.sem_alloc : memref<!tpu.dma_semaphore, #tpu.memory_space<semaphore_mem>>
        %dma_start3A = arith.constant 0 : i32
        %dma_start3A_40 = arith.constant 0 : i32
        %dma_start3A_41 = tpu.memref_slice %arg6[%dma_start3A, %dma_start3A_40] : memref<112x128xi32, #tpu.memory_space<vmem>> -> memref<112x128xi32, #tpu.memory_space<vmem>>
        %dma_start3A_42 = arith.constant 0 : i32
        %dma_start3A_43 = tpu.memref_slice %arg3[%mul3A_32, %dma_start3A_42] : memref<2528x128xi32, #tpu.memory_space<hbm>> -> memref<112x128xi32, #tpu.memory_space<hbm>>
        %dma_start3A_44 = arith.constant 0 : i32
        %dma_start3A_45 = arith.constant 0 : i32
        %dma_start3A_46 = tpu.memref_slice %arg6[%dma_start3A_44, %dma_start3A_45] : memref<112x128xi32, #tpu.memory_space<vmem>> -> memref<112x128xi32, #tpu.memory_space<vmem>>
        %dma_start3A_47 = arith.constant 0 : i32
        %dma_start3A_48 = tpu.memref_slice %arg3[%mul3A_32, %dma_start3A_47] : memref<2528x128xi32, #tpu.memory_space<hbm>> -> memref<112x128xi32, #tpu.memory_space<hbm>>
        tpu.enqueue_dma source(%dma_start3A_48 : memref<112x128xi32, #tpu.memory_space<hbm>>) target(%dma_start3A_46 : memref<112x128xi32, #tpu.memory_space<vmem>>) target_semaphore(%run_scoped3A : memref<!tpu.dma_semaphore, #tpu.memory_space<semaphore_mem>>)
        %dma_wait3A = arith.constant 0 : i32
        %dma_wait3A_49 = arith.constant 0 : i32
        %dma_wait3A_50 = tpu.memref_slice %arg6[%dma_wait3A, %dma_wait3A_49] : memref<112x128xi32, #tpu.memory_space<vmem>> -> memref<112x128xi32, #tpu.memory_space<vmem>>
        %dma_wait3A_51 = arith.constant 0 : i32
        %dma_wait3A_52 = tpu.memref_slice %arg3[%mul3A_32, %dma_wait3A_51] : memref<2528x128xi32, #tpu.memory_space<hbm>> -> memref<112x128xi32, #tpu.memory_space<hbm>>
        %dma_wait3A_53 = arith.constant 0 : i32
        %dma_wait3A_54 = arith.constant 0 : i32
        %dma_wait3A_55 = tpu.memref_slice %arg6[%dma_wait3A_53, %dma_wait3A_54] : memref<112x128xi32, #tpu.memory_space<vmem>> -> memref<112x128xi32, #tpu.memory_space<vmem>>
        %dma_wait3A_56 = arith.constant 0 : i32
        %dma_wait3A_57 = tpu.memref_slice %arg3[%mul3A_32, %dma_wait3A_56] : memref<2528x128xi32, #tpu.memory_space<hbm>> -> memref<112x128xi32, #tpu.memory_space<hbm>>
        tpu.wait_dma2 semaphore(%run_scoped3A : memref<!tpu.dma_semaphore, #tpu.memory_space<semaphore_mem>>) src(%dma_wait3A_57 : memref<112x128xi32, #tpu.memory_space<hbm>>) dst(%dma_wait3A_55 : memref<112x128xi32, #tpu.memory_space<vmem>>)
        tpu.yield
      }) : () -> ()
      "tpu.region"() ({
        %run_scoped3A = tpu.sem_alloc : memref<!tpu.dma_semaphore, #tpu.memory_space<semaphore_mem>>
        %dma_start3A = arith.constant 0 : i32
        %dma_start3A_40 = arith.constant 0 : i32
        %dma_start3A_41 = tpu.memref_slice %arg7[%dma_start3A, %dma_start3A_40] : memref<112x128xi32, #tpu.memory_space<vmem>> -> memref<112x128xi32, #tpu.memory_space<vmem>>
        %dma_start3A_42 = arith.constant 0 : i32
        %dma_start3A_43 = tpu.memref_slice %arg4[%mul3A_32, %dma_start3A_42] : memref<2528x128xi32, #tpu.memory_space<hbm>> -> memref<112x128xi32, #tpu.memory_space<hbm>>
        %dma_start3A_44 = arith.constant 0 : i32
        %dma_start3A_45 = arith.constant 0 : i32
        %dma_start3A_46 = tpu.memref_slice %arg7[%dma_start3A_44, %dma_start3A_45] : memref<112x128xi32, #tpu.memory_space<vmem>> -> memref<112x128xi32, #tpu.memory_space<vmem>>
        %dma_start3A_47 = arith.constant 0 : i32
        %dma_start3A_48 = tpu.memref_slice %arg4[%mul3A_32, %dma_start3A_47] : memref<2528x128xi32, #tpu.memory_space<hbm>> -> memref<112x128xi32, #tpu.memory_space<hbm>>
        tpu.enqueue_dma source(%dma_start3A_48 : memref<112x128xi32, #tpu.memory_space<hbm>>) target(%dma_start3A_46 : memref<112x128xi32, #tpu.memory_space<vmem>>) target_semaphore(%run_scoped3A : memref<!tpu.dma_semaphore, #tpu.memory_space<semaphore_mem>>)
        %dma_wait3A = arith.constant 0 : i32
        %dma_wait3A_49 = arith.constant 0 : i32
        %dma_wait3A_50 = tpu.memref_slice %arg7[%dma_wait3A, %dma_wait3A_49] : memref<112x128xi32, #tpu.memory_space<vmem>> -> memref<112x128xi32, #tpu.memory_space<vmem>>
        %dma_wait3A_51 = arith.constant 0 : i32
        %dma_wait3A_52 = tpu.memref_slice %arg4[%mul3A_32, %dma_wait3A_51] : memref<2528x128xi32, #tpu.memory_space<hbm>> -> memref<112x128xi32, #tpu.memory_space<hbm>>
        %dma_wait3A_53 = arith.constant 0 : i32
        %dma_wait3A_54 = arith.constant 0 : i32
        %dma_wait3A_55 = tpu.memref_slice %arg7[%dma_wait3A_53, %dma_wait3A_54] : memref<112x128xi32, #tpu.memory_space<vmem>> -> memref<112x128xi32, #tpu.memory_space<vmem>>
        %dma_wait3A_56 = arith.constant 0 : i32
        %dma_wait3A_57 = tpu.memref_slice %arg4[%mul3A_32, %dma_wait3A_56] : memref<2528x128xi32, #tpu.memory_space<hbm>> -> memref<112x128xi32, #tpu.memory_space<hbm>>
        tpu.wait_dma2 semaphore(%run_scoped3A : memref<!tpu.dma_semaphore, #tpu.memory_space<semaphore_mem>>) src(%dma_wait3A_57 : memref<112x128xi32, #tpu.memory_space<hbm>>) dst(%dma_wait3A_55 : memref<112x128xi32, #tpu.memory_space<vmem>>)
        tpu.yield
      }) : () -> ()
      %scan3A_33 = arith.constant 0 : i32
      %scan3A_34 = arith.constant 0 : i32
      %scan3A_35 = arith.constant 112 : i32
      %scan3A_36 = arith.addi %scan3A_34, %scan3A_35 : i32
      %scan3A_37 = arith.constant 1 : i32
      %scan3A_38 = scf.for %scan3A_40 = %scan3A_34 to %scan3A_36 step %scan3A_37 iter_args(%scan3A_41 = %scan3A_33) -> (i32)  : i32 {
        %dma_start3A = arith.constant 0 : i32
        %dma_start3A_42 = tpu.memref_slice %arg6[%scan3A_40, %dma_start3A] : memref<112x128xi32, #tpu.memory_space<vmem>> -> memref<1x128xi32, #tpu.memory_space<vmem>>
        %dma_start3A_43 = tpu.memref_squeeze %dma_start3A_42 : memref<1x128xi32, #tpu.memory_space<vmem>> -> memref<128xi32, #tpu.memory_space<vmem>>
        %dma_start3A_44 = arith.constant 0 : i32
        %dma_start3A_45 = arith.constant 0 : i32
        %dma_start3A_46 = tpu.memref_slice %arg2[%dma_start3A_44, %dma_start3A_45] : memref<10000x128xf32, #tpu.memory_space<hbm>> -> memref<10000x128xf32, #tpu.memory_space<hbm>>
        tpu.enqueue_indirect_dma source(%dma_start3A_46 : memref<10000x128xf32, #tpu.memory_space<hbm>>) target(%arg8 : memref<128x128xf32, #tpu.memory_space<vmem>>) offsets(%dma_start3A_43 : memref<128xi32, #tpu.memory_space<vmem>>) semaphore(%arg10 : memref<!tpu.dma_semaphore, #tpu.memory_space<semaphore_mem>>)
        %dma_wait3A = arith.constant 0 : i32
        %dma_wait3A_47 = tpu.memref_slice %arg6[%scan3A_40, %dma_wait3A] : memref<112x128xi32, #tpu.memory_space<vmem>> -> memref<1x128xi32, #tpu.memory_space<vmem>>
        %dma_wait3A_48 = tpu.memref_squeeze %dma_wait3A_47 : memref<1x128xi32, #tpu.memory_space<vmem>> -> memref<128xi32, #tpu.memory_space<vmem>>
        %dma_wait3A_49 = arith.constant 0 : i32
        %dma_wait3A_50 = arith.constant 0 : i32
        %dma_wait3A_51 = tpu.memref_slice %arg2[%dma_wait3A_49, %dma_wait3A_50] : memref<10000x128xf32, #tpu.memory_space<hbm>> -> memref<10000x128xf32, #tpu.memory_space<hbm>>
        tpu.wait_indirect_dma semaphore(%arg10 : memref<!tpu.dma_semaphore, #tpu.memory_space<semaphore_mem>>) src(%dma_wait3A_51 : memref<10000x128xf32, #tpu.memory_space<hbm>>) dst(%arg8 : memref<128x128xf32, #tpu.memory_space<vmem>>)
        "tpu.region"() ({
          %run_scoped3A = tpu.sem_alloc : memref<!tpu.dma_semaphore, #tpu.memory_space<semaphore_mem>>
          %dma_start3A_53 = arith.constant 0 : i32
          %dma_start3A_54 = tpu.memref_slice %arg7[%scan3A_40, %dma_start3A_53] : memref<112x128xi32, #tpu.memory_space<vmem>> -> memref<1x128xi32, #tpu.memory_space<vmem>>
          %dma_start3A_55 = tpu.memref_squeeze %dma_start3A_54 : memref<1x128xi32, #tpu.memory_space<vmem>> -> memref<128xi32, #tpu.memory_space<vmem>>
          %dma_start3A_56 = arith.constant 0 : i32
          %dma_start3A_57 = arith.constant 0 : i32
          %dma_start3A_58 = tpu.memref_slice %arg9[%dma_start3A_56, %dma_start3A_57] : memref<10112x128xf32, #tpu.memory_space<vmem_shared>> -> memref<10112x128xf32, #tpu.memory_space<vmem_shared>>
          tpu.enqueue_indirect_dma source(%arg8 : memref<128x128xf32, #tpu.memory_space<vmem>>) target(%dma_start3A_58 : memref<10112x128xf32, #tpu.memory_space<vmem_shared>>) offsets(%dma_start3A_55 : memref<128xi32, #tpu.memory_space<vmem>>) semaphore(%run_scoped3A : memref<!tpu.dma_semaphore, #tpu.memory_space<semaphore_mem>>) {add = true}
          %dma_wait3A_59 = arith.constant 0 : i32
          %dma_wait3A_60 = tpu.memref_slice %arg7[%scan3A_40, %dma_wait3A_59] : memref<112x128xi32, #tpu.memory_space<vmem>> -> memref<1x128xi32, #tpu.memory_space<vmem>>
          %dma_wait3A_61 = tpu.memref_squeeze %dma_wait3A_60 : memref<1x128xi32, #tpu.memory_space<vmem>> -> memref<128xi32, #tpu.memory_space<vmem>>
          %dma_wait3A_62 = arith.constant 0 : i32
          %dma_wait3A_63 = arith.constant 0 : i32
          %dma_wait3A_64 = tpu.memref_slice %arg9[%dma_wait3A_62, %dma_wait3A_63] : memref<10112x128xf32, #tpu.memory_space<vmem_shared>> -> memref<10112x128xf32, #tpu.memory_space<vmem_shared>>
          tpu.wait_indirect_dma semaphore(%run_scoped3A : memref<!tpu.dma_semaphore, #tpu.memory_space<semaphore_mem>>) src(%arg8 : memref<128x128xf32, #tpu.memory_space<vmem>>) dst(%dma_wait3A_64 : memref<10112x128xf32, #tpu.memory_space<vmem_shared>>)
          tpu.yield
        }) : () -> ()
        %scan3A_52 = arith.constant 0 : i32
        scf.yield %scan3A_52 : i32
      }
      %scan3A_39 = arith.constant 112 : i32
    } else {
    }
    %eq3A_17 = arith.constant 1 : i32
    %eq3A_18 = arith.cmpi eq, %arg0, %eq3A_17 : i32
    %convert_element_type3A_19 = arith.extui %eq3A_18 : i1 to i32
    %cond3A_20 = arith.constant 0 : i32
    %cond3A_21 = arith.cmpi ne, %convert_element_type3A_19, %cond3A_20 : i32
    scf.if %cond3A_21 {
      %mul3A = arith.constant 46 : i32
      %mul3A_32 = arith.muli %arg1, %mul3A : i32
      %add3A = arith.constant 1792 : i32
      %add3A_33 = arith.addi %add3A, %mul3A_32 : i32
      "tpu.region"() ({
        %run_scoped3A = tpu.sem_alloc : memref<!tpu.dma_semaphore, #tpu.memory_space<semaphore_mem>>
        %dma_start3A = arith.constant 0 : i32
        %dma_start3A_41 = arith.constant 0 : i32
        %dma_start3A_42 = tpu.memref_slice %arg6[%dma_start3A, %dma_start3A_41] : memref<112x128xi32, #tpu.memory_space<vmem>> -> memref<46x128xi32, #tpu.memory_space<vmem>>
        %dma_start3A_43 = arith.constant 0 : i32
        %dma_start3A_44 = tpu.memref_slice %arg3[%add3A_33, %dma_start3A_43] : memref<2528x128xi32, #tpu.memory_space<hbm>> -> memref<46x128xi32, #tpu.memory_space<hbm>>
        %dma_start3A_45 = arith.constant 0 : i32
        %dma_start3A_46 = arith.constant 0 : i32
        %dma_start3A_47 = tpu.memref_slice %arg6[%dma_start3A_45, %dma_start3A_46] : memref<112x128xi32, #tpu.memory_space<vmem>> -> memref<46x128xi32, #tpu.memory_space<vmem>>
        %dma_start3A_48 = arith.constant 0 : i32
        %dma_start3A_49 = tpu.memref_slice %arg3[%add3A_33, %dma_start3A_48] : memref<2528x128xi32, #tpu.memory_space<hbm>> -> memref<46x128xi32, #tpu.memory_space<hbm>>
        tpu.enqueue_dma source(%dma_start3A_49 : memref<46x128xi32, #tpu.memory_space<hbm>>) target(%dma_start3A_47 : memref<46x128xi32, #tpu.memory_space<vmem>>) target_semaphore(%run_scoped3A : memref<!tpu.dma_semaphore, #tpu.memory_space<semaphore_mem>>)
        %dma_wait3A = arith.constant 0 : i32
        %dma_wait3A_50 = arith.constant 0 : i32
        %dma_wait3A_51 = tpu.memref_slice %arg6[%dma_wait3A, %dma_wait3A_50] : memref<112x128xi32, #tpu.memory_space<vmem>> -> memref<46x128xi32, #tpu.memory_space<vmem>>
        %dma_wait3A_52 = arith.constant 0 : i32
        %dma_wait3A_53 = tpu.memref_slice %arg3[%add3A_33, %dma_wait3A_52] : memref<2528x128xi32, #tpu.memory_space<hbm>> -> memref<46x128xi32, #tpu.memory_space<hbm>>
        %dma_wait3A_54 = arith.constant 0 : i32
        %dma_wait3A_55 = arith.constant 0 : i32
        %dma_wait3A_56 = tpu.memref_slice %arg6[%dma_wait3A_54, %dma_wait3A_55] : memref<112x128xi32, #tpu.memory_space<vmem>> -> memref<46x128xi32, #tpu.memory_space<vmem>>
        %dma_wait3A_57 = arith.constant 0 : i32
        %dma_wait3A_58 = tpu.memref_slice %arg3[%add3A_33, %dma_wait3A_57] : memref<2528x128xi32, #tpu.memory_space<hbm>> -> memref<46x128xi32, #tpu.memory_space<hbm>>
        tpu.wait_dma2 semaphore(%run_scoped3A : memref<!tpu.dma_semaphore, #tpu.memory_space<semaphore_mem>>) src(%dma_wait3A_58 : memref<46x128xi32, #tpu.memory_space<hbm>>) dst(%dma_wait3A_56 : memref<46x128xi32, #tpu.memory_space<vmem>>)
        tpu.yield
      }) : () -> ()
      "tpu.region"() ({
        %run_scoped3A = tpu.sem_alloc : memref<!tpu.dma_semaphore, #tpu.memory_space<semaphore_mem>>
        %dma_start3A = arith.constant 0 : i32
        %dma_start3A_41 = arith.constant 0 : i32
        %dma_start3A_42 = tpu.memref_slice %arg7[%dma_start3A, %dma_start3A_41] : memref<112x128xi32, #tpu.memory_space<vmem>> -> memref<46x128xi32, #tpu.memory_space<vmem>>
        %dma_start3A_43 = arith.constant 0 : i32
        %dma_start3A_44 = tpu.memref_slice %arg4[%add3A_33, %dma_start3A_43] : memref<2528x128xi32, #tpu.memory_space<hbm>> -> memref<46x128xi32, #tpu.memory_space<hbm>>
        %dma_start3A_45 = arith.constant 0 : i32
        %dma_start3A_46 = arith.constant 0 : i32
        %dma_start3A_47 = tpu.memref_slice %arg7[%dma_start3A_45, %dma_start3A_46] : memref<112x128xi32, #tpu.memory_space<vmem>> -> memref<46x128xi32, #tpu.memory_space<vmem>>
        %dma_start3A_48 = arith.constant 0 : i32
        %dma_start3A_49 = tpu.memref_slice %arg4[%add3A_33, %dma_start3A_48] : memref<2528x128xi32, #tpu.memory_space<hbm>> -> memref<46x128xi32, #tpu.memory_space<hbm>>
        tpu.enqueue_dma source(%dma_start3A_49 : memref<46x128xi32, #tpu.memory_space<hbm>>) target(%dma_start3A_47 : memref<46x128xi32, #tpu.memory_space<vmem>>) target_semaphore(%run_scoped3A : memref<!tpu.dma_semaphore, #tpu.memory_space<semaphore_mem>>)
        %dma_wait3A = arith.constant 0 : i32
        %dma_wait3A_50 = arith.constant 0 : i32
        %dma_wait3A_51 = tpu.memref_slice %arg7[%dma_wait3A, %dma_wait3A_50] : memref<112x128xi32, #tpu.memory_space<vmem>> -> memref<46x128xi32, #tpu.memory_space<vmem>>
        %dma_wait3A_52 = arith.constant 0 : i32
        %dma_wait3A_53 = tpu.memref_slice %arg4[%add3A_33, %dma_wait3A_52] : memref<2528x128xi32, #tpu.memory_space<hbm>> -> memref<46x128xi32, #tpu.memory_space<hbm>>
        %dma_wait3A_54 = arith.constant 0 : i32
        %dma_wait3A_55 = arith.constant 0 : i32
        %dma_wait3A_56 = tpu.memref_slice %arg7[%dma_wait3A_54, %dma_wait3A_55] : memref<112x128xi32, #tpu.memory_space<vmem>> -> memref<46x128xi32, #tpu.memory_space<vmem>>
        %dma_wait3A_57 = arith.constant 0 : i32
        %dma_wait3A_58 = tpu.memref_slice %arg4[%add3A_33, %dma_wait3A_57] : memref<2528x128xi32, #tpu.memory_space<hbm>> -> memref<46x128xi32, #tpu.memory_space<hbm>>
        tpu.wait_dma2 semaphore(%run_scoped3A : memref<!tpu.dma_semaphore, #tpu.memory_space<semaphore_mem>>) src(%dma_wait3A_58 : memref<46x128xi32, #tpu.memory_space<hbm>>) dst(%dma_wait3A_56 : memref<46x128xi32, #tpu.memory_space<vmem>>)
        tpu.yield
      }) : () -> ()
      %scan3A_34 = arith.constant 0 : i32
      %scan3A_35 = arith.constant 0 : i32
      %scan3A_36 = arith.constant 46 : i32
      %scan3A_37 = arith.addi %scan3A_35, %scan3A_36 : i32
      %scan3A_38 = arith.constant 1 : i32
      %scan3A_39 = scf.for %scan3A_41 = %scan3A_35 to %scan3A_37 step %scan3A_38 iter_args(%scan3A_42 = %scan3A_34) -> (i32)  : i32 {
        %dma_start3A = arith.constant 0 : i32
        %dma_start3A_43 = tpu.memref_slice %arg6[%scan3A_41, %dma_start3A] : memref<112x128xi32, #tpu.memory_space<vmem>> -> memref<1x128xi32, #tpu.memory_space<vmem>>
        %dma_start3A_44 = tpu.memref_squeeze %dma_start3A_43 : memref<1x128xi32, #tpu.memory_space<vmem>> -> memref<128xi32, #tpu.memory_space<vmem>>
        %dma_start3A_45 = arith.constant 0 : i32
        %dma_start3A_46 = arith.constant 0 : i32
        %dma_start3A_47 = tpu.memref_slice %arg2[%dma_start3A_45, %dma_start3A_46] : memref<10000x128xf32, #tpu.memory_space<hbm>> -> memref<10000x128xf32, #tpu.memory_space<hbm>>
        tpu.enqueue_indirect_dma source(%dma_start3A_47 : memref<10000x128xf32, #tpu.memory_space<hbm>>) target(%arg8 : memref<128x128xf32, #tpu.memory_space<vmem>>) offsets(%dma_start3A_44 : memref<128xi32, #tpu.memory_space<vmem>>) semaphore(%arg10 : memref<!tpu.dma_semaphore, #tpu.memory_space<semaphore_mem>>)
        %dma_wait3A = arith.constant 0 : i32
        %dma_wait3A_48 = tpu.memref_slice %arg6[%scan3A_41, %dma_wait3A] : memref<112x128xi32, #tpu.memory_space<vmem>> -> memref<1x128xi32, #tpu.memory_space<vmem>>
        %dma_wait3A_49 = tpu.memref_squeeze %dma_wait3A_48 : memref<1x128xi32, #tpu.memory_space<vmem>> -> memref<128xi32, #tpu.memory_space<vmem>>
        %dma_wait3A_50 = arith.constant 0 : i32
        %dma_wait3A_51 = arith.constant 0 : i32
        %dma_wait3A_52 = tpu.memref_slice %arg2[%dma_wait3A_50, %dma_wait3A_51] : memref<10000x128xf32, #tpu.memory_space<hbm>> -> memref<10000x128xf32, #tpu.memory_space<hbm>>
        tpu.wait_indirect_dma semaphore(%arg10 : memref<!tpu.dma_semaphore, #tpu.memory_space<semaphore_mem>>) src(%dma_wait3A_52 : memref<10000x128xf32, #tpu.memory_space<hbm>>) dst(%arg8 : memref<128x128xf32, #tpu.memory_space<vmem>>)
        "tpu.region"() ({
          %run_scoped3A = tpu.sem_alloc : memref<!tpu.dma_semaphore, #tpu.memory_space<semaphore_mem>>
          %dma_start3A_54 = arith.constant 0 : i32
          %dma_start3A_55 = tpu.memref_slice %arg7[%scan3A_41, %dma_start3A_54] : memref<112x128xi32, #tpu.memory_space<vmem>> -> memref<1x128xi32, #tpu.memory_space<vmem>>
          %dma_start3A_56 = tpu.memref_squeeze %dma_start3A_55 : memref<1x128xi32, #tpu.memory_space<vmem>> -> memref<128xi32, #tpu.memory_space<vmem>>
          %dma_start3A_57 = arith.constant 0 : i32
          %dma_start3A_58 = arith.constant 0 : i32
          %dma_start3A_59 = tpu.memref_slice %arg9[%dma_start3A_57, %dma_start3A_58] : memref<10112x128xf32, #tpu.memory_space<vmem_shared>> -> memref<10112x128xf32, #tpu.memory_space<vmem_shared>>
          tpu.enqueue_indirect_dma source(%arg8 : memref<128x128xf32, #tpu.memory_space<vmem>>) target(%dma_start3A_59 : memref<10112x128xf32, #tpu.memory_space<vmem_shared>>) offsets(%dma_start3A_56 : memref<128xi32, #tpu.memory_space<vmem>>) semaphore(%run_scoped3A : memref<!tpu.dma_semaphore, #tpu.memory_space<semaphore_mem>>) {add = true}
          %dma_wait3A_60 = arith.constant 0 : i32
          %dma_wait3A_61 = tpu.memref_slice %arg7[%scan3A_41, %dma_wait3A_60] : memref<112x128xi32, #tpu.memory_space<vmem>> -> memref<1x128xi32, #tpu.memory_space<vmem>>
          %dma_wait3A_62 = tpu.memref_squeeze %dma_wait3A_61 : memref<1x128xi32, #tpu.memory_space<vmem>> -> memref<128xi32, #tpu.memory_space<vmem>>
          %dma_wait3A_63 = arith.constant 0 : i32
          %dma_wait3A_64 = arith.constant 0 : i32
          %dma_wait3A_65 = tpu.memref_slice %arg9[%dma_wait3A_63, %dma_wait3A_64] : memref<10112x128xf32, #tpu.memory_space<vmem_shared>> -> memref<10112x128xf32, #tpu.memory_space<vmem_shared>>
          tpu.wait_indirect_dma semaphore(%run_scoped3A : memref<!tpu.dma_semaphore, #tpu.memory_space<semaphore_mem>>) src(%arg8 : memref<128x128xf32, #tpu.memory_space<vmem>>) dst(%dma_wait3A_65 : memref<10112x128xf32, #tpu.memory_space<vmem_shared>>)
          tpu.yield
        }) : () -> ()
        %scan3A_53 = arith.constant 0 : i32
        scf.yield %scan3A_53 : i32
      }
      %scan3A_40 = arith.constant 46 : i32
    } else {
    }
    %barrier3A_22 = arith.constant 0 : index
    tpu.barrier barrier_id(%barrier3A_22)
    %lt3A = arith.constant 15 : i32
    %lt3A_23 = arith.cmpi slt, %arg1, %lt3A : i32
    %convert_element_type3A_24 = arith.extui %lt3A_23 : i1 to i32
    %cond3A_25 = arith.constant 0 : i32
    %cond3A_26 = arith.cmpi ne, %convert_element_type3A_24, %cond3A_25 : i32
    scf.if %cond3A_26 {
      %mul3A = arith.constant 624 : i32
      %mul3A_32 = arith.muli %arg1, %mul3A : i32
      %mul3A_33 = arith.constant 10000 : i32
      %mul3A_34 = arith.muli %arg0, %mul3A_33 : i32
      %mul3A_35 = arith.constant 624 : i32
      %mul3A_36 = arith.muli %arg1, %mul3A_35 : i32
      %add3A = arith.addi %mul3A_34, %mul3A_36 : i32
      "tpu.region"() ({
        %run_scoped3A = tpu.sem_alloc : memref<!tpu.dma_semaphore, #tpu.memory_space<semaphore_mem>>
        %dma_start3A = arith.constant 0 : i32
        %dma_start3A_37 = tpu.memref_slice %arg5[%add3A, %dma_start3A] : memref<20000x128xf32, #tpu.memory_space<hbm>> -> memref<624x128xf32, #tpu.memory_space<hbm>>
        %dma_start3A_38 = arith.constant 0 : i32
        %dma_start3A_39 = tpu.memref_slice %arg9[%mul3A_32, %dma_start3A_38] : memref<10112x128xf32, #tpu.memory_space<vmem_shared>> -> memref<624x128xf32, #tpu.memory_space<vmem_shared>>
        tpu.enqueue_dma source(%dma_start3A_39 : memref<624x128xf32, #tpu.memory_space<vmem_shared>>) target(%dma_start3A_37 : memref<624x128xf32, #tpu.memory_space<hbm>>) target_semaphore(%run_scoped3A : memref<!tpu.dma_semaphore, #tpu.memory_space<semaphore_mem>>)
        %dma_wait3A = arith.constant 0 : i32
        %dma_wait3A_40 = tpu.memref_slice %arg5[%add3A, %dma_wait3A] : memref<20000x128xf32, #tpu.memory_space<hbm>> -> memref<624x128xf32, #tpu.memory_space<hbm>>
        %dma_wait3A_41 = arith.constant 0 : i32
        %dma_wait3A_42 = tpu.memref_slice %arg9[%mul3A_32, %dma_wait3A_41] : memref<10112x128xf32, #tpu.memory_space<vmem_shared>> -> memref<624x128xf32, #tpu.memory_space<vmem_shared>>
        tpu.wait_dma2 semaphore(%run_scoped3A : memref<!tpu.dma_semaphore, #tpu.memory_space<semaphore_mem>>) src(%dma_wait3A_42 : memref<624x128xf32, #tpu.memory_space<vmem_shared>>) dst(%dma_wait3A_40 : memref<624x128xf32, #tpu.memory_space<hbm>>)
        tpu.yield
      }) : () -> ()
    } else {
    }
    %eq3A_27 = arith.constant 15 : i32
    %eq3A_28 = arith.cmpi eq, %arg1, %eq3A_27 : i32
    %convert_element_type3A_29 = arith.extui %eq3A_28 : i1 to i32
    %cond3A_30 = arith.constant 0 : i32
    %cond3A_31 = arith.cmpi ne, %convert_element_type3A_29, %cond3A_30 : i32
    scf.if %cond3A_31 {
      %mul3A = arith.constant 10000 : i32
      %mul3A_32 = arith.muli %arg0, %mul3A : i32
      %add3A = arith.constant 9360 : i32
      %add3A_33 = arith.addi %mul3A_32, %add3A : i32
      "tpu.region"() ({
        %run_scoped3A = tpu.sem_alloc : memref<!tpu.dma_semaphore, #tpu.memory_space<semaphore_mem>>
        %dma_start3A = arith.constant 0 : i32
        %dma_start3A_34 = tpu.memref_slice %arg5[%add3A_33, %dma_start3A] : memref<20000x128xf32, #tpu.memory_space<hbm>> -> memref<640x128xf32, #tpu.memory_space<hbm>>
        %dma_start3A_35 = arith.constant 9360 : i32
        %dma_start3A_36 = arith.constant 0 : i32
        %dma_start3A_37 = tpu.memref_slice %arg9[%dma_start3A_35, %dma_start3A_36] : memref<10112x128xf32, #tpu.memory_space<vmem_shared>> -> memref<640x128xf32, #tpu.memory_space<vmem_shared>>
        tpu.enqueue_dma source(%dma_start3A_37 : memref<640x128xf32, #tpu.memory_space<vmem_shared>>) target(%dma_start3A_34 : memref<640x128xf32, #tpu.memory_space<hbm>>) target_semaphore(%run_scoped3A : memref<!tpu.dma_semaphore, #tpu.memory_space<semaphore_mem>>)
        %dma_wait3A = arith.constant 0 : i32
        %dma_wait3A_38 = tpu.memref_slice %arg5[%add3A_33, %dma_wait3A] : memref<20000x128xf32, #tpu.memory_space<hbm>> -> memref<640x128xf32, #tpu.memory_space<hbm>>
        %dma_wait3A_39 = arith.constant 9360 : i32
        %dma_wait3A_40 = arith.constant 0 : i32
        %dma_wait3A_41 = tpu.memref_slice %arg9[%dma_wait3A_39, %dma_wait3A_40] : memref<10112x128xf32, #tpu.memory_space<vmem_shared>> -> memref<640x128xf32, #tpu.memory_space<vmem_shared>>
        tpu.wait_dma2 semaphore(%run_scoped3A : memref<!tpu.dma_semaphore, #tpu.memory_space<semaphore_mem>>) src(%dma_wait3A_41 : memref<640x128xf32, #tpu.memory_space<vmem_shared>>) dst(%dma_wait3A_38 : memref<640x128xf32, #tpu.memory_space<hbm>>)
        tpu.yield
      }) : () -> ()
    } else {
    }
    return
  }
}

module attributes {stable_mosaic.version = 14 : i64} {
  func.func @_t1_body(%arg0: memref<10000x128xf32, #tpu.memory_space<vmem>>, %arg1: memref<128x128xf32, #tpu.memory_space<vmem>>, %arg2: memref<20000x16xf32, #tpu.memory_space<vmem>>, %arg3: memref<10000x128xf32, #tpu.memory_space<vmem>>) attributes {dimension_semantics = [], scalar_prefetch = 0 : i64, scratch_operands = 0 : i64, tpu.core_type = #tpu.core_type<tc>} {
    %get3A = arith.constant 0 : index
    %get3A_0 = arith.constant 0 : index
    %get3A_1 = vector.load %arg2[%get3A, %get3A_0] : memref<20000x16xf32, #tpu.memory_space<vmem>>, vector<10000x1xf32>
    %get3A_2 = arith.constant 10000 : index
    %get3A_3 = arith.constant 0 : index
    %get3A_4 = vector.load %arg2[%get3A_2, %get3A_3] : memref<20000x16xf32, #tpu.memory_space<vmem>>, vector<10000x1xf32>
    %add3A = arith.addf %get3A_1, %get3A_4 : vector<10000x1xf32>
    %add3A_5 = arith.constant 1.000000e+00 : f32
    %add3A_6 = vector.broadcast %add3A_5 : f32 to vector<10000x1xf32>
    %add3A_7 = arith.addf %add3A, %add3A_6 : vector<10000x1xf32>
    %rsqrt3A = math.rsqrt %add3A_7 : vector<10000x1xf32>
    %get3A_8 = arith.constant 0 : index
    %get3A_9 = arith.constant 0 : index
    %get3A_10 = vector.load %arg0[%get3A_8, %get3A_9] : memref<10000x128xf32, #tpu.memory_space<vmem>>, vector<10000x128xf32>
    %get3A_11 = arith.constant 0 : index
    %get3A_12 = arith.constant 0 : index
    %get3A_13 = vector.load %arg1[%get3A_11, %get3A_12] : memref<128x128xf32, #tpu.memory_space<vmem>>, vector<128x128xf32>
    %dot_general3A = arith.constant dense<0.000000e+00> : vector<10000x128xf32>
    %dot_general3A_14 = tpu.matmul %get3A_10, %get3A_13, %dot_general3A {dimension_numbers = #tpu.dot_dimension_numbers<[1], [0], [0], [1], [0, 0, 1, 1], [], []>, transpose_lhs_hint = false} : vector<10000x128xf32>, vector<128x128xf32>, vector<10000x128xf32> -> vector<10000x128xf32>
    %mul3A = vector.broadcast %rsqrt3A : vector<10000x1xf32> to vector<10000x128xf32>
    %mul3A_15 = arith.mulf %dot_general3A_14, %mul3A : vector<10000x128xf32>
    %swap3A = arith.constant 0 : index
    %swap3A_16 = arith.constant 0 : index
    %swap3A_17 = vector.load %arg3[%swap3A, %swap3A_16] : memref<10000x128xf32, #tpu.memory_space<vmem>>, vector<10000x128xf32>
    tpu.vector_store %arg3[%swap3A, %swap3A_16], %mul3A_15 {strides = array<i32>} : memref<10000x128xf32, #tpu.memory_space<vmem>>, vector<10000x128xf32>,
    return
  }
}

module attributes {stable_mosaic.version = 14 : i64} {
  func.func @_tmid_body(%arg0: memref<20000x128xf32, #tpu.memory_space<vmem>>, %arg1: memref<10000x128xf32, #tpu.memory_space<vmem>>, %arg2: memref<20000x16xf32, #tpu.memory_space<vmem>>, %arg3: memref<1x128xf32, #tpu.memory_space<vmem>>, %arg4: memref<1x128xf32, #tpu.memory_space<vmem>>, %arg5: memref<1x128xf32, #tpu.memory_space<vmem>>, %arg6: memref<128x128xf32, #tpu.memory_space<vmem>>, %arg7: memref<10000x128xf32, #tpu.memory_space<vmem>>) attributes {dimension_semantics = [], scalar_prefetch = 0 : i64, scratch_operands = 0 : i64, tpu.core_type = #tpu.core_type<tc>} {
    %get3A = arith.constant 0 : index
    %get3A_0 = arith.constant 0 : index
    %get3A_1 = vector.load %arg2[%get3A, %get3A_0] : memref<20000x16xf32, #tpu.memory_space<vmem>>, vector<10000x1xf32>
    %get3A_2 = arith.constant 10000 : index
    %get3A_3 = arith.constant 0 : index
    %get3A_4 = vector.load %arg2[%get3A_2, %get3A_3] : memref<20000x16xf32, #tpu.memory_space<vmem>>, vector<10000x1xf32>
    %add3A = arith.addf %get3A_1, %get3A_4 : vector<10000x1xf32>
    %add3A_5 = arith.constant 1.000000e+00 : f32
    %add3A_6 = vector.broadcast %add3A_5 : f32 to vector<10000x1xf32>
    %add3A_7 = arith.addf %add3A, %add3A_6 : vector<10000x1xf32>
    %rsqrt3A = math.rsqrt %add3A_7 : vector<10000x1xf32>
    %get3A_8 = arith.constant 0 : index
    %get3A_9 = arith.constant 0 : index
    %get3A_10 = vector.load %arg0[%get3A_8, %get3A_9] : memref<20000x128xf32, #tpu.memory_space<vmem>>, vector<10000x128xf32>
    %get3A_11 = arith.constant 10000 : index
    %get3A_12 = arith.constant 0 : index
    %get3A_13 = vector.load %arg0[%get3A_11, %get3A_12] : memref<20000x128xf32, #tpu.memory_space<vmem>>, vector<10000x128xf32>
    %add3A_14 = arith.addf %get3A_10, %get3A_13 : vector<10000x128xf32>
    %get3A_15 = arith.constant 0 : index
    %get3A_16 = arith.constant 0 : index
    %get3A_17 = vector.load %arg1[%get3A_15, %get3A_16] : memref<10000x128xf32, #tpu.memory_space<vmem>>, vector<10000x128xf32>
    %add3A_18 = arith.addf %add3A_14, %get3A_17 : vector<10000x128xf32>
    %mul3A = vector.broadcast %rsqrt3A : vector<10000x1xf32> to vector<10000x128xf32>
    %mul3A_19 = arith.mulf %add3A_18, %mul3A : vector<10000x128xf32>
    %get3A_20 = arith.constant 0 : index
    %get3A_21 = arith.constant 0 : index
    %get3A_22 = vector.load %arg3[%get3A_20, %get3A_21] : memref<1x128xf32, #tpu.memory_space<vmem>>, vector<1x128xf32>
    %add3A_23 = vector.broadcast %get3A_22 : vector<1x128xf32> to vector<10000x128xf32>
    %add3A_24 = arith.addf %mul3A_19, %add3A_23 : vector<10000x128xf32>
    %reduce_sum3A = arith.constant dense<0.000000e+00> : vector<128xf32>
    %reduce_sum3A_25 = vector.multi_reduction <add>, %add3A_24, %reduce_sum3A [0] : vector<10000x128xf32> to vector<128xf32>
    %broadcast_in_dim3A = vector.shape_cast %reduce_sum3A_25 : vector<128xf32> to vector<1x128xf32>
    %div3A = arith.constant 1.000000e+04 : f32
    %div3A_26 = vector.broadcast %div3A : f32 to vector<1x128xf32>
    %div3A_27 = arith.divf %broadcast_in_dim3A, %div3A_26 : vector<1x128xf32>
    %sub3A = vector.broadcast %div3A_27 : vector<1x128xf32> to vector<10000x128xf32>
    %sub3A_28 = arith.subf %add3A_24, %sub3A : vector<10000x128xf32>
    %integer_pow3A = arith.mulf %sub3A_28, %sub3A_28 : vector<10000x128xf32>
    %reduce_sum3A_29 = arith.constant dense<0.000000e+00> : vector<128xf32>
    %reduce_sum3A_30 = vector.multi_reduction <add>, %integer_pow3A, %reduce_sum3A_29 [0] : vector<10000x128xf32> to vector<128xf32>
    %broadcast_in_dim3A_31 = vector.shape_cast %reduce_sum3A_30 : vector<128xf32> to vector<1x128xf32>
    %div3A_32 = arith.constant 1.000000e+04 : f32
    %div3A_33 = vector.broadcast %div3A_32 : f32 to vector<1x128xf32>
    %div3A_34 = arith.divf %broadcast_in_dim3A_31, %div3A_33 : vector<1x128xf32>
    %sub3A_35 = vector.broadcast %div3A_27 : vector<1x128xf32> to vector<10000x128xf32>
    %sub3A_36 = arith.subf %add3A_24, %sub3A_35 : vector<10000x128xf32>
    %add3A_37 = arith.constant 9.99999974E-6 : f32
    %add3A_38 = vector.broadcast %add3A_37 : f32 to vector<1x128xf32>
    %add3A_39 = arith.addf %div3A_34, %add3A_38 : vector<1x128xf32>
    %rsqrt3A_40 = math.rsqrt %add3A_39 : vector<1x128xf32>
    %mul3A_41 = vector.broadcast %rsqrt3A_40 : vector<1x128xf32> to vector<10000x128xf32>
    %mul3A_42 = arith.mulf %sub3A_36, %mul3A_41 : vector<10000x128xf32>
    %get3A_43 = arith.constant 0 : index
    %get3A_44 = arith.constant 0 : index
    %get3A_45 = vector.load %arg4[%get3A_43, %get3A_44] : memref<1x128xf32, #tpu.memory_space<vmem>>, vector<1x128xf32>
    %mul3A_46 = vector.broadcast %get3A_45 : vector<1x128xf32> to vector<10000x128xf32>
    %mul3A_47 = arith.mulf %mul3A_42, %mul3A_46 : vector<10000x128xf32>
    %get3A_48 = arith.constant 0 : index
    %get3A_49 = arith.constant 0 : index
    %get3A_50 = vector.load %arg5[%get3A_48, %get3A_49] : memref<1x128xf32, #tpu.memory_space<vmem>>, vector<1x128xf32>
    %add3A_51 = vector.broadcast %get3A_50 : vector<1x128xf32> to vector<10000x128xf32>
    %add3A_52 = arith.addf %mul3A_47, %add3A_51 : vector<10000x128xf32>
    %max3A = arith.constant 0.000000e+00 : f32
    %max3A_53 = vector.broadcast %max3A : f32 to vector<10000x128xf32>
    %max3A_54 = arith.maximumf %add3A_52, %max3A_53 : vector<10000x128xf32>
    %get3A_55 = arith.constant 0 : index
    %get3A_56 = arith.constant 0 : index
    %get3A_57 = vector.load %arg6[%get3A_55, %get3A_56] : memref<128x128xf32, #tpu.memory_space<vmem>>, vector<128x128xf32>
    %dot_general3A = arith.constant dense<0.000000e+00> : vector<10000x128xf32>
    %dot_general3A_58 = tpu.matmul %max3A_54, %get3A_57, %dot_general3A {dimension_numbers = #tpu.dot_dimension_numbers<[1], [0], [0], [1], [0, 0, 1, 1], [], []>, transpose_lhs_hint = false} : vector<10000x128xf32>, vector<128x128xf32>, vector<10000x128xf32> -> vector<10000x128xf32>
    %mul3A_59 = vector.broadcast %rsqrt3A : vector<10000x1xf32> to vector<10000x128xf32>
    %mul3A_60 = arith.mulf %dot_general3A_58, %mul3A_59 : vector<10000x128xf32>
    %swap3A = arith.constant 0 : index
    %swap3A_61 = arith.constant 0 : index
    %swap3A_62 = vector.load %arg7[%swap3A, %swap3A_61] : memref<10000x128xf32, #tpu.memory_space<vmem>>, vector<10000x128xf32>
    tpu.vector_store %arg7[%swap3A, %swap3A_61], %mul3A_60 {strides = array<i32>} : memref<10000x128xf32, #tpu.memory_space<vmem>>, vector<10000x128xf32>,
    return
  }
}

module attributes {stable_mosaic.version = 14 : i64} {
  func.func @_tmid_body(%arg0: memref<20000x128xf32, #tpu.memory_space<vmem>>, %arg1: memref<10000x128xf32, #tpu.memory_space<vmem>>, %arg2: memref<20000x16xf32, #tpu.memory_space<vmem>>, %arg3: memref<1x128xf32, #tpu.memory_space<vmem>>, %arg4: memref<1x128xf32, #tpu.memory_space<vmem>>, %arg5: memref<1x128xf32, #tpu.memory_space<vmem>>, %arg6: memref<128x64xf32, #tpu.memory_space<vmem>>, %arg7: memref<10000x64xf32, #tpu.memory_space<vmem>>) attributes {dimension_semantics = [], scalar_prefetch = 0 : i64, scratch_operands = 0 : i64, tpu.core_type = #tpu.core_type<tc>} {
    %get3A = arith.constant 0 : index
    %get3A_0 = arith.constant 0 : index
    %get3A_1 = vector.load %arg2[%get3A, %get3A_0] : memref<20000x16xf32, #tpu.memory_space<vmem>>, vector<10000x1xf32>
    %get3A_2 = arith.constant 10000 : index
    %get3A_3 = arith.constant 0 : index
    %get3A_4 = vector.load %arg2[%get3A_2, %get3A_3] : memref<20000x16xf32, #tpu.memory_space<vmem>>, vector<10000x1xf32>
    %add3A = arith.addf %get3A_1, %get3A_4 : vector<10000x1xf32>
    %add3A_5 = arith.constant 1.000000e+00 : f32
    %add3A_6 = vector.broadcast %add3A_5 : f32 to vector<10000x1xf32>
    %add3A_7 = arith.addf %add3A, %add3A_6 : vector<10000x1xf32>
    %rsqrt3A = math.rsqrt %add3A_7 : vector<10000x1xf32>
    %get3A_8 = arith.constant 0 : index
    %get3A_9 = arith.constant 0 : index
    %get3A_10 = vector.load %arg0[%get3A_8, %get3A_9] : memref<20000x128xf32, #tpu.memory_space<vmem>>, vector<10000x128xf32>
    %get3A_11 = arith.constant 10000 : index
    %get3A_12 = arith.constant 0 : index
    %get3A_13 = vector.load %arg0[%get3A_11, %get3A_12] : memref<20000x128xf32, #tpu.memory_space<vmem>>, vector<10000x128xf32>
    %add3A_14 = arith.addf %get3A_10, %get3A_13 : vector<10000x128xf32>
    %get3A_15 = arith.constant 0 : index
    %get3A_16 = arith.constant 0 : index
    %get3A_17 = vector.load %arg1[%get3A_15, %get3A_16] : memref<10000x128xf32, #tpu.memory_space<vmem>>, vector<10000x128xf32>
    %add3A_18 = arith.addf %add3A_14, %get3A_17 : vector<10000x128xf32>
    %mul3A = vector.broadcast %rsqrt3A : vector<10000x1xf32> to vector<10000x128xf32>
    %mul3A_19 = arith.mulf %add3A_18, %mul3A : vector<10000x128xf32>
    %get3A_20 = arith.constant 0 : index
    %get3A_21 = arith.constant 0 : index
    %get3A_22 = vector.load %arg3[%get3A_20, %get3A_21] : memref<1x128xf32, #tpu.memory_space<vmem>>, vector<1x128xf32>
    %add3A_23 = vector.broadcast %get3A_22 : vector<1x128xf32> to vector<10000x128xf32>
    %add3A_24 = arith.addf %mul3A_19, %add3A_23 : vector<10000x128xf32>
    %reduce_sum3A = arith.constant dense<0.000000e+00> : vector<128xf32>
    %reduce_sum3A_25 = vector.multi_reduction <add>, %add3A_24, %reduce_sum3A [0] : vector<10000x128xf32> to vector<128xf32>
    %broadcast_in_dim3A = vector.shape_cast %reduce_sum3A_25 : vector<128xf32> to vector<1x128xf32>
    %div3A = arith.constant 1.000000e+04 : f32
    %div3A_26 = vector.broadcast %div3A : f32 to vector<1x128xf32>
    %div3A_27 = arith.divf %broadcast_in_dim3A, %div3A_26 : vector<1x128xf32>
    %sub3A = vector.broadcast %div3A_27 : vector<1x128xf32> to vector<10000x128xf32>
    %sub3A_28 = arith.subf %add3A_24, %sub3A : vector<10000x128xf32>
    %integer_pow3A = arith.mulf %sub3A_28, %sub3A_28 : vector<10000x128xf32>
    %reduce_sum3A_29 = arith.constant dense<0.000000e+00> : vector<128xf32>
    %reduce_sum3A_30 = vector.multi_reduction <add>, %integer_pow3A, %reduce_sum3A_29 [0] : vector<10000x128xf32> to vector<128xf32>
    %broadcast_in_dim3A_31 = vector.shape_cast %reduce_sum3A_30 : vector<128xf32> to vector<1x128xf32>
    %div3A_32 = arith.constant 1.000000e+04 : f32
    %div3A_33 = vector.broadcast %div3A_32 : f32 to vector<1x128xf32>
    %div3A_34 = arith.divf %broadcast_in_dim3A_31, %div3A_33 : vector<1x128xf32>
    %sub3A_35 = vector.broadcast %div3A_27 : vector<1x128xf32> to vector<10000x128xf32>
    %sub3A_36 = arith.subf %add3A_24, %sub3A_35 : vector<10000x128xf32>
    %add3A_37 = arith.constant 9.99999974E-6 : f32
    %add3A_38 = vector.broadcast %add3A_37 : f32 to vector<1x128xf32>
    %add3A_39 = arith.addf %div3A_34, %add3A_38 : vector<1x128xf32>
    %rsqrt3A_40 = math.rsqrt %add3A_39 : vector<1x128xf32>
    %mul3A_41 = vector.broadcast %rsqrt3A_40 : vector<1x128xf32> to vector<10000x128xf32>
    %mul3A_42 = arith.mulf %sub3A_36, %mul3A_41 : vector<10000x128xf32>
    %get3A_43 = arith.constant 0 : index
    %get3A_44 = arith.constant 0 : index
    %get3A_45 = vector.load %arg4[%get3A_43, %get3A_44] : memref<1x128xf32, #tpu.memory_space<vmem>>, vector<1x128xf32>
    %mul3A_46 = vector.broadcast %get3A_45 : vector<1x128xf32> to vector<10000x128xf32>
    %mul3A_47 = arith.mulf %mul3A_42, %mul3A_46 : vector<10000x128xf32>
    %get3A_48 = arith.constant 0 : index
    %get3A_49 = arith.constant 0 : index
    %get3A_50 = vector.load %arg5[%get3A_48, %get3A_49] : memref<1x128xf32, #tpu.memory_space<vmem>>, vector<1x128xf32>
    %add3A_51 = vector.broadcast %get3A_50 : vector<1x128xf32> to vector<10000x128xf32>
    %add3A_52 = arith.addf %mul3A_47, %add3A_51 : vector<10000x128xf32>
    %max3A = arith.constant 0.000000e+00 : f32
    %max3A_53 = vector.broadcast %max3A : f32 to vector<10000x128xf32>
    %max3A_54 = arith.maximumf %add3A_52, %max3A_53 : vector<10000x128xf32>
    %get3A_55 = arith.constant 0 : index
    %get3A_56 = arith.constant 0 : index
    %get3A_57 = vector.load %arg6[%get3A_55, %get3A_56] : memref<128x64xf32, #tpu.memory_space<vmem>>, vector<128x64xf32>
    %dot_general3A = arith.constant dense<0.000000e+00> : vector<10000x64xf32>
    %dot_general3A_58 = tpu.matmul %max3A_54, %get3A_57, %dot_general3A {dimension_numbers = #tpu.dot_dimension_numbers<[1], [0], [0], [1], [0, 0, 1, 1], [], []>, transpose_lhs_hint = false} : vector<10000x128xf32>, vector<128x64xf32>, vector<10000x64xf32> -> vector<10000x64xf32>
    %mul3A_59 = vector.broadcast %rsqrt3A : vector<10000x1xf32> to vector<10000x64xf32>
    %mul3A_60 = arith.mulf %dot_general3A_58, %mul3A_59 : vector<10000x64xf32>
    %swap3A = arith.constant 0 : index
    %swap3A_61 = arith.constant 0 : index
    %swap3A_62 = vector.load %arg7[%swap3A, %swap3A_61] : memref<10000x64xf32, #tpu.memory_space<vmem>>, vector<10000x64xf32>
    tpu.vector_store %arg7[%swap3A, %swap3A_61], %mul3A_60 {strides = array<i32>} : memref<10000x64xf32, #tpu.memory_space<vmem>>, vector<10000x64xf32>,
    return
  }
}

module attributes {stable_mosaic.version = 14 : i64} {
  func.func @_t4_body(%arg0: memref<20000x64xf32, #tpu.memory_space<vmem>>, %arg1: memref<10000x64xf32, #tpu.memory_space<vmem>>, %arg2: memref<20000x16xf32, #tpu.memory_space<vmem>>, %arg3: memref<1x64xf32, #tpu.memory_space<vmem>>, %arg4: memref<10000x40xf32, #tpu.memory_space<vmem>>) attributes {dimension_semantics = [], scalar_prefetch = 0 : i64, scratch_operands = 0 : i64, tpu.core_type = #tpu.core_type<tc>} {
    %get3A = arith.constant 0 : index
    %get3A_0 = arith.constant 0 : index
    %get3A_1 = vector.load %arg2[%get3A, %get3A_0] : memref<20000x16xf32, #tpu.memory_space<vmem>>, vector<10000x1xf32>
    %get3A_2 = arith.constant 10000 : index
    %get3A_3 = arith.constant 0 : index
    %get3A_4 = vector.load %arg2[%get3A_2, %get3A_3] : memref<20000x16xf32, #tpu.memory_space<vmem>>, vector<10000x1xf32>
    %add3A = arith.addf %get3A_1, %get3A_4 : vector<10000x1xf32>
    %add3A_5 = arith.constant 1.000000e+00 : f32
    %add3A_6 = vector.broadcast %add3A_5 : f32 to vector<10000x1xf32>
    %add3A_7 = arith.addf %add3A, %add3A_6 : vector<10000x1xf32>
    %rsqrt3A = math.rsqrt %add3A_7 : vector<10000x1xf32>
    %get3A_8 = arith.constant 0 : index
    %get3A_9 = arith.constant 0 : index
    %get3A_10 = vector.load %arg0[%get3A_8, %get3A_9] : memref<20000x64xf32, #tpu.memory_space<vmem>>, vector<10000x64xf32>
    %get3A_11 = arith.constant 10000 : index
    %get3A_12 = arith.constant 0 : index
    %get3A_13 = vector.load %arg0[%get3A_11, %get3A_12] : memref<20000x64xf32, #tpu.memory_space<vmem>>, vector<10000x64xf32>
    %add3A_14 = arith.addf %get3A_10, %get3A_13 : vector<10000x64xf32>
    %get3A_15 = arith.constant 0 : index
    %get3A_16 = arith.constant 0 : index
    %get3A_17 = vector.load %arg1[%get3A_15, %get3A_16] : memref<10000x64xf32, #tpu.memory_space<vmem>>, vector<10000x64xf32>
    %add3A_18 = arith.addf %add3A_14, %get3A_17 : vector<10000x64xf32>
    %mul3A = vector.broadcast %rsqrt3A : vector<10000x1xf32> to vector<10000x64xf32>
    %mul3A_19 = arith.mulf %add3A_18, %mul3A : vector<10000x64xf32>
    %get3A_20 = arith.constant 0 : index
    %get3A_21 = arith.constant 0 : index
    %get3A_22 = vector.load %arg3[%get3A_20, %get3A_21] : memref<1x64xf32, #tpu.memory_space<vmem>>, vector<1x64xf32>
    %add3A_23 = vector.broadcast %get3A_22 : vector<1x64xf32> to vector<10000x64xf32>
    %add3A_24 = arith.addf %mul3A_19, %add3A_23 : vector<10000x64xf32>
    %slice3A = vector.extract_strided_slice %add3A_24 {offsets = [0, 0], sizes = [10000, 40], strides = [1, 1]} : vector<10000x64xf32> to vector<10000x40xf32>
    %swap3A = arith.constant 0 : index
    %swap3A_25 = arith.constant 0 : index
    %swap3A_26 = vector.load %arg4[%swap3A, %swap3A_25] : memref<10000x40xf32, #tpu.memory_space<vmem>>, vector<10000x40xf32>
    tpu.vector_store %arg4[%swap3A, %swap3A_25], %slice3A {strides = array<i32>} : memref<10000x40xf32, #tpu.memory_space<vmem>>, vector<10000x40xf32>,
    return
  }
}

</mosaic_0001>

<sc_bundles>
// kernel: kernel.10.cloned.1.call-start
scs
__scs_entry_jumppad:
0x0: {  	(pc) =	sbr.rel $0x88, $3  }
0x1: {  	(tag) =	ssettag $0x0;
	lr =	simm.s32 $0x1  }
0x2: {  	[smem:$0x3F95] =	sst lr;
	_ =	strace $0xD0000000  }
0x3: {  	_ = 	snop  }
0x4: {  	_ = 	snop  }
0x5: {  	_ = 	snop  }
0x6: {  	_ = 	snop  }
0x7: {  	_ = 	snop  }
__scs_overlays_trampoline_lowered:
0x8: {  	[smem:$0x3FA4] =	sst s0  }
0x9: {  	[smem:$0x3FA5] =	sst s1  }
0xa: {  	[smem:$0x3FA6] =	sst s2  }
0xb: {  	[smem:$0x3FA7] =	sst s3  }
0xc: {  	[smem:$0x3FA8] =	sst s4  }
0xd: {  	[smem:$0x3FA9] =	sst s5  }
0xe: {  	[smem:$0x3FAA] =	sst s6  }
0xf: {  	[smem:$0x3FAB] =	sst s7  }
0x10: {  	[smem:$0x3FAC] =	sst s8  }
0x11: {  	[smem:$0x3FAD] =	sst s9;
	s0 =	simm.s32 @!p0 $0x0  }
0x12: {  	s1 =	sld [smem:$0x3F93];
	s0 =	simm.s32 @p0 $0x1  }
0x13: {  	[smem:$0x3FAE] =	sst s0;
	s0 =	simm.s32 @!p1 $0x0  }
0x14: {  	s2 =	sld [smem:$0x3F92];
	s0 =	simm.s32 @p1 $0x1  }
0x15: {  	[smem:$0x3FAF] =	sst s0;
	s0 =	simm.s32 @!p2 $0x0  }
0x16: {  	s3 =	sld [smem:$0x3FDB];
	s0 =	simm.s32 @p2 $0x1  }
0x17: {  	s4 =	simm.s32 $0x1BF5;
	[smem:$0x3FB1] =	sst s0  }
0x18: {  	s0 =	sld [smem:$0x3F94];
	_ =	swait.ge [sflag:s4], $0x0  }
0x19: {  	s7 =	sld [smem:$0x3F95]  }
0x1a: {  	s8 =	sadd.s32 $0xFFFFE003, lr  }
0x1b: {  	s9 =	sadd.s32 $0xFFFFFEF7, lr;
	s5 =	simm.s32 $0xFFFFFFFF;
	p2 =	slt.u32 s8, $0xFFFFF086  }
0x1c: {  	p1 =	slt.u32 s9, $0xF7A;
	s5 =	simm.s32 @!p2 $0x0  }
0x1d: {  	s5 =	simm.s32 @p1 $0x1;
	p0 =	seq.s32 s7, s2  }
0x1e: {  	s7 =	smul.u32 @!p0 $0xF7A, s2;
	p2 =	seq.s32 @!p0 s5, $0x0  }
0x1f: {  	s9 =	smul.u32 $0xF7A, s1;
	s8 =	simm.s32 @!p0 $0x1BF5;
	p2 =	por !p2, p0  }
0x20: {  	[sflag:s8] =	ssyncset.s32 @!p0 $0xFFFFF086;
	s6 =	sadd.s32 @!p0 s3, s7;
	s7 =	simm.s32 @!p0 $0x108  }
0x21: {  	s3 =	sadd.s32 s3, s9;
	s6 =	sadd.s32 @!p0 $0x88, s6;
	s7 =	simm.s32 @p2 $0x1082  }
0x22: {  	[simem:s7], [sflag:s8] =	dma.local @!p0 [hbm:s6], $0xF7A  }
0x23: {  	s9 =	sor.u32 $0xD0000000, s2;
	s6 =	simm.s32 $0x108;
	_ =	swait.ge @!p0 [sflag:s8], $0x0  }
0x24: {  	s3 =	sadd.s32 $0x88, s3;
	s6 =	simm.s32 @!p1 $0x1082;
	[sflag:s4] =	ssyncset.s32 $0xFFFFF086  }
0x25: {  	[simem:s6], [sflag:s4] =	dma.local [hbm:s3], $0xF7A  }
0x26: {  	[smem:$0x3F95] =	sst s1;
	(tag) =	ssettag s2;
	_ =	strace s9  }
0x27: {  	s1 =	sld [smem:$0x3FA5]  }
0x28: {  	s2 =	sld [smem:$0x3FA6]  }
0x29: {  	s4 =	sld [smem:$0x3FA8]  }
0x2a: {  	p0 =	seq.s32 s5, $0x0;
	s5 =	sld [smem:$0x3FA9]  }
0x2b: {  	s6 =	sld [smem:$0x3FAA]  }
0x2c: {  	s7 =	sld [smem:$0x3FAB]  }
0x2d: {  	s3 =	simm.s32 $0x108;
	s8 =	sld [smem:$0x3FAC]  }
0x2e: {  	s3 =	simm.s32 @!p0 $0x1082;
	s9 =	sld [smem:$0x3FAD]  }
0x2f: {  	lr =	sadd.s32 s0, s3;
	s0 =	sld [smem:$0x3FA4]  }
0x30: {  	s3 =	sld [smem:$0x3FA7]  }
0x31: {  	[smem:$0x3FB0] =	sst s10  }
0x32: {  	s10 =	sld [smem:$0x3FAE];
	_ =	sdelay $0x3  }
0x33: {  	p0 =	seq.s32 s10, $0x1;
	s10 =	sld [smem:$0x3FB0];
	_ =	sdelay $0x3  }
0x34: {  	[smem:$0x3FB0] =	sst s10  }
0x35: {  	s10 =	sld [smem:$0x3FAF];
	_ =	sdelay $0x3  }
0x36: {  	p1 =	seq.s32 s10, $0x1;
	s10 =	sld [smem:$0x3FB0];
	_ =	sdelay $0x3  }
0x37: {  	[smem:$0x3FB0] =	sst s10  }
0x38: {  	s10 =	sld [smem:$0x3FB1]  }
0x39: {  	_ = 	snop;
	(pc) =	sbr.ind lr, $3  }
0x3a: {  	_ = 	snop  }
0x3b: {  	_ = 	snop  }
0x3c: {  	p2 =	seq.s32 s10, $0x1;
	s10 =	sld [smem:$0x3FB0]  }
0x3d: {  	_ =	shalt  }
0x3e: {  	_ =	shalt  }
0x3f: {  	_ =	shalt  }
0x40: {  	_ =	shalt  }
0x41: {  	_ =	shalt  }
0x42: {  	_ =	shalt  }
0x43: {  	_ =	shalt  }
0x44: {  	_ =	shalt  }
0x45: {  	_ =	shalt  }
0x46: {  	_ =	shalt  }
0x47: {  	_ =	shalt  }
0x48: {  	_ =	shalt  }
0x49: {  	_ =	shalt  }
0x4a: {  	_ =	shalt  }
0x4b: {  	_ =	shalt  }
0x4c: {  	_ =	shalt  }
0x4d: {  	_ =	shalt  }
0x4e: {  	_ =	shalt  }
0x4f: {  	_ =	shalt  }
0x50: {  	_ =	shalt  }
0x51: {  	_ =	shalt  }
0x52: {  	_ =	shalt  }
0x53: {  	_ =	shalt  }
0x54: {  	_ =	shalt  }
0x55: {  	_ =	shalt  }
0x56: {  	_ =	shalt  }
0x57: {  	_ =	shalt  }
0x58: {  	_ =	shalt  }
0x59: {  	_ =	shalt  }
0x5a: {  	_ =	shalt  }
0x5b: {  	_ =	shalt  }
0x5c: {  	_ =	shalt  }
0x5d: {  	_ =	shalt  }
0x5e: {  	_ =	shalt  }
0x5f: {  	_ =	shalt  }
0x60: {  	_ =	shalt  }
0x61: {  	_ =	shalt  }
0x62: {  	_ =	shalt  }
0x63: {  	_ =	shalt  }
0x64: {  	_ =	shalt  }
0x65: {  	_ =	shalt  }
0x66: {  	_ =	shalt  }
0x67: {  	_ =	shalt  }
0x68: {  	_ =	shalt  }
0x69: {  	_ =	shalt  }
0x6a: {  	_ =	shalt  }
0x6b: {  	_ =	shalt  }
0x6c: {  	_ =	shalt  }
0x6d: {  	_ =	shalt  }
0x6e: {  	_ =	shalt  }
0x6f: {  	_ =	shalt  }
0x70: {  	_ =	shalt  }
0x71: {  	_ =	shalt  }
0x72: {  	_ =	shalt  }
0x73: {  	_ =	shalt  }
0x74: {  	_ =	shalt  }
0x75: {  	_ =	shalt  }
0x76: {  	_ =	shalt  }
0x77: {  	_ =	shalt  }
0x78: {  	_ =	shalt  }
0x79: {  	_ =	shalt  }
0x7a: {  	_ =	shalt  }
0x7b: {  	_ =	shalt  }
0x7c: {  	_ =	shalt  }
0x7d: {  	_ =	shalt  }
0x7e: {  	_ =	shalt  }
0x7f: {  	_ =	shalt  }
0x80: {  	_ =	shalt  }
0x81: {  	_ =	shalt  }
0x82: {  	_ =	shalt  }
0x83: {  	_ =	shalt  }
0x84: {  	_ =	shalt  }
0x85: {  	_ =	shalt  }
0x86: {  	_ =	shalt  }
0x87: {  	_ =	shalt  }
.Lfunc_end0:
.L_simem_size_0:
called_computation_lowered:
.L_overlay_start_0:
0x88: {  	s2 =	sld [smem:$0x3FD9]  }
0x89: {  	s3 =	sld [smem:$0x3FFE];
	_ =	sdelay $0x1  }
0x8a: {  	s1 =	srdreg.scid  }
0x8b: {  	s0 =	sand.u32 $0x1, s1  }
0x8c: {  	s17 =	sshll.u32 s0, $0xA;
	s2 =	sadd.s32 s3, s2  }
0x8d: {  	s2 =	sadd.s32 s2, s17  }
0x8e: {  	[smem:$0x3FBC] =	sst s2  }
0x8f: {  	_ = 	snop  }
0x90: {  	s2 =	sld [smem:$0x3FD0];
	(tm) =	ssettm $0x1  }
0x91: {  	s18 =	sld [smem:$0x3FFB];
	_ =	sdelay $0x3  }
0x92: {  	_ =	strace s18  }
0x93: {  	s3 =	sld [smem:$0x3FFC];
	_ =	sdelay $0x3  }
0x94: {  	_ =	strace s3  }
0x95: {  	s3 =	sld [smem:$0x3FFD];
	_ =	sdelay $0x3  }
0x96: {  	_ =	strace s3  }
0x97: {  	_ =	strace $0x8FFFFFFF  }
0x98: {  	s19 =	sld [smem:$0x3FDB];
	_ =	sdelay $0x1  }
0x99: {  	s4 =	simm.s32 $_scs_section_size  }
0x9a: {  	s5 =	simm.s32 $_size__tile_overlayer_lowered;
	s6 =	simm.s32 $_tile_overlayer_lowered  }
0x9b: {  	s22 =	simm.s32 $0x1BFF;
	s21 =	sshll.u32 s6, $0x1;
	s3 =	sadd.s32 s4, s19  }
0x9c: {  	s7 =	simm.s32 $0x0;
	s20 =	sshll.u32 s5, $0x1;
	s5 =	sadd.s32 s21, s3  }
0x9d: {  	[timem:s7], [sflag:s22] =	dma.local [hbm:s5], s20  }
0x9e: {  	_ =	swait.ge [sflag:s22], s20  }
0x9f: {  	s4 =	ssub.s32 $0x0, s20;
	[sflag:s22] =	ssyncset.done $0x0  }
0xa0: {  	[sflag:s22] =	ssyncadd.s32 s4;
	_ =	sdelay $0x1  }
0xa1: {  	s23 =	simm.s32 $0x1B8B  }
0xa2: {  	_ =	swait.ge [sflag:s23], $0x1  }
0xa3: {  	[sflag:s23] =	ssyncset.done $0x0  }
0xa4: {  	s25 =	simm.s32 $0x1B8E;
	s24 =	sld [smem:$0x3FFE];
	[sflag:s23] =	ssyncadd.s32 $0xFFFFFFFF  }
0xa5: {  	s26 =	simm.s32 $execute0_lowered;
	[smem:$0x3FD2] =	sst s25  }
0xa6: {  	s5 =	sshll.u32 s26, $0x1;
	_ =	strace $0x80000046;
	[dreg:$0x1] =	wrdreg $0xFFFFFFFF  }
0xa7: {  	s28 =	simm.s32 $_size_execute0_lowered;
	s3 =	sadd.s32 s3, s5;
	[dreg:$0x0] =	wrdreg $0x0  }
0xa8: {  	s5 =	sshll.u32 s28, $0x1;
	[dreg:$0x2] =	wrdreg s3  }
0xa9: {  	[dreg:$0x3] =	wrdreg s5  }
0xaa: {  	[dreg:$0x4] =	wrdreg $0xC0  }
0xab: {  	_ =	task [dreg:s7], $0x5FFFF  }
0xac: {  	[dreg:$0x1] =	wrdreg $0xFFFFFFFF  }
0xad: {  	[dreg:$0x0] =	wrdreg $0x60  }
0xae: {  	[dreg:$0x2] =	wrdreg s2  }
0xaf: {  	[dreg:$0x3] =	wrdreg s24  }
0xb0: {  	[dreg:$0x4] =	wrdreg $0x37800  }
0xb1: {  	[dreg:$0x5] =	wrdreg $0x9  }
0xb2: {  	_ =	task.clear_ibuf [dreg:s7], $0x6FFFF;
	_ =	strace $0x90000046  }
0xb3: {  	s29 =	simm.s32 $0x9;
	_ =	strace $0x80000048  }
0xb4: {  	_ =	swait.ge [sflag:s29], $0x1  }
0xb5: {  	[sflag:s29] =	ssyncadd.s32 $0xFFFFFFFF  }
0xb6: {  	_ =	strace $0x90000048  }
0xb7: {  	_ =	sfence  }
0xb8: {  	s30 =	sld [smem:$0x0];
	_ =	sdelay $0x2  }
0xb9: {  	s31 =	sshll.u32 s1, $0xD;
	s1 =	sshrl.u32 s1, $0x2  }
0xba: {  	s3 =	sand.u32 $0x4000, s31;
	s1 =	sadd.s32 s1, s30  }
0xbb: {  	s0 =	sor.u32 s3, s0;
	s1 =	sshll.u32 s1, $0x11  }
0xbc: {  	s0 =	sor.u32 s1, s0  }
0xbd: {  	s0 =	sadd.s32 $0x8F2B, s0  }
0xbe: {  	[sflag:s0] =	ssyncadd.remote.s32 $0x1  }
0xbf: {  	_ =	sfence.sel $0xFFFF  }
0xc0: {  	[dreg:$0x0] =	wrdreg $0xFFFFFFFF;
	(pc) =	sbr.abs _section_cstart, $3  }
0xc1: {  	[dreg:$0x1] =	wrdreg $0xFFFFFFFF  }
0xc2: {  	_ =	task.clear_ibuf [dreg:s7], $0x2FFFF;
	_ =	strace $0x9FFFFFFF  }
0xc3: {  	(tm) =	ssettm $0x7FFFFFFF  }
tec
execute0_lowered:
.L_overlay_start_1:
0x0: {  	(tag) =	ssettag $0x1  }
0x1: {  	s4 =	rddreg [dreg:$0x0]  }
0x2: {  	s6 =	rddreg [dreg:$0x1]  }
0x3: {  	s0 =	srdreg.scid;
	s2 =	rddreg [dreg:$0x2]  }
0x4: {  	s3 =	simm.s32 $0x0;
	s13 =	simm.s32 $0x2F80;
	s14 =	simm.s32 $0x1  }
0x5: {  	s15 =	simm.s32 $0x80;
	s5 =	sand.u32 $0x1, s0;
	s0 =	stileid.u32  }
0x6: {  	s16 =	simm.s32 $0x2780;
	[smem:$0x7FF] =	sst s3;
	s8 =	smul.u32 $0x4E20, s5  }
0x7: {  	s6 =	sadd.s32 $0xC00, s6;
	s17 =	sadd.s32 $0x24900, s2;
	s10 =	smul.u32 $0x4E0, s0  }
0x8: {  	s1 =	sshll.u32 s5, $0x4;
	s9 =	ssub.s32 $0x2, s5;
	s12 =	smul.u32 $0x27100, s5  }
0x9: {  	s29 =	smul.u32 $0x9C00, s0;
	s31 =	sshll.u32 s0, $0xB;
	p0 =	seq.s32 s0, $0xF  }
0xa: {  	s7 =	sor.u32 s0, s1;
	s1 =	rddreg [dreg:$0x3];
	_ =	strace $0x80000047  }
0xb: {  	s11 =	sshrl.u32 s9, $0x1;
	s18 =	sshll.u32 @!p0 s0, $0x6;
	s17 =	sshrl.u32 @p0 s17, $0x3  }
0xc: {  	s7 =	smul.u32 $0x4F0, s7;
	s9 =	ssub.s32 s9, s11;
	s28 =	sadd.s32 s10, s8  }
0xd: {  	s30 =	sshrl.u32 s12, $0x3;
	s8 =	sshrl.u32 s29, $0x2;
	s18 =	sor.u32 @!p0 $0x1C01, s18  }
0xe: {  	s5 =	sadd.s32 s6, s28;
	s6 =	sadd.s32 s6, s30;
	s19 =	sadd.s32 s8, s2  }
0xf: {  	s8 =	smax.u32 s9, $0x1;
	s4 =	sadd.s32 s4, s7;
	s7 =	sadd.s32 s31, s2  }
0x10: {  	s6 =	sadd.s32 $0x4920, s6;
	s19 =	sshrl.u32 @!p0 s19, $0x3;
	s9 =	sadd.s32 $0x8000, s7  }
0x11: {  	v0 =	vimm.f32 $1.000000000e+00;
	v1 =	vimm.f32 $0.0e+00;
	s10 =	sadd.s32 $0x10000, s7;
	s11 =	sadd.s32 $0x18000, s7;
	s12 =	sadd.s32 $0x20000, s7  }
.LBB2_1:
0x12: {  	s20 =	simm.s32 $0x0  }
.LBB2_2:
0x13: {  	p1 =	sne.s32 s20, $0x1FC0  }
.Ltmp0:
0x14: {  	_ = 	snop;
	(pc) =	sbr.rel @p1 .LBB2_2-.Ltmp0, $3  }
0x15: {  	_ =	sdelay $0x1  }
0x16: {  	s21 =	sshra.s32 s20, $0x2  }
0x17: {  	s20 =	sadd.s32 $0x40, s20;
	[tilespmem:s21+$0x2780] =	vst v0  }
0x18: {  	s20 =	simm.s32 $0x40;
	s21 =	simm.s32 $0x0  }
.LBB2_4:
0x19: {  	p1 =	sne.s32 s20, $0x1FC0;
	[tilespmem:s21+$0x2F80] =	vst v1;
	s21 =	smov.u32 s20;
	s20 =	sadd.s32 $0x40, s20  }
.Ltmp1:
0x1a: {  	(pc) =	sbr.rel @p1 .LBB2_4-.Ltmp1, $2  }
0x1b: {  	_ =	sdelay $0x2  }
0x1c: {  	s21 =	sshra.s32 s21, $0x2  }
0x1d: {  	[tilespmem:s21+$0x2F80] =	vst v1  }
0x1e: {  	[spmem:s7] =	stream.linear.scatter [tilespmem:s13], [sflag:$0x1], $0x800, $0x38;
	[tilespmem:$0x5F00] =	vst v63  }
0x1f: {  	_ =	swait.ge [sflag:s14], $0x800  }
0x20: {  	[sflag:s14] =	ssyncset.done $0x0  }
0x21: {  	[sflag:s14] =	ssyncadd.s32 $0xFFFFF800  }
0x22: {  	[spmem:s9] =	stream.linear.scatter [tilespmem:s13], [sflag:$0x1], $0x800, $0x38;
	[tilespmem:$0x5F00] =	vst v63  }
0x23: {  	_ =	swait.ge [sflag:s14], $0x800  }
0x24: {  	[sflag:s14] =	ssyncset.done $0x0  }
0x25: {  	[sflag:s14] =	ssyncadd.s32 $0xFFFFF800  }
0x26: {  	[spmem:s10] =	stream.linear.scatter [tilespmem:s13], [sflag:$0x1], $0x800, $0x38;
	[tilespmem:$0x5F00] =	vst v63  }
0x27: {  	_ =	swait.ge [sflag:s14], $0x800  }
0x28: {  	[sflag:s14] =	ssyncset.done $0x0  }
0x29: {  	[sflag:s14] =	ssyncadd.s32 $0xFFFFF800  }
0x2a: {  	[spmem:s11] =	stream.linear.scatter [tilespmem:s13], [sflag:$0x1], $0x800, $0x38;
	[tilespmem:$0x5F00] =	vst v63  }
0x2b: {  	_ =	swait.ge [sflag:s14], $0x800  }
0x2c: {  	[sflag:s14] =	ssyncset.done $0x0  }
0x2d: {  	s20 =	simm.s32 @!p0 $0x2F80;
	[sflag:s14] =	ssyncadd.s32 $0xFFFFF800  }
0x2e: {  	[spmem:s12] =	stream.linear.scatter @!p0 [tilespmem:s20], [sflag:$0x1], $0x800, $0x38;
	[tilespmem:$0x5F00] =	vst v63  }
0x2f: {  	s20 =	simm.s32 @!p0 $0x1  }
0x30: {  	_ =	swait.ge @!p0 [sflag:s20], $0x800  }
0x31: {  	[sflag:s20] =	ssyncset.done @!p0 $0x0  }
0x32: {  	s30 =	simm.s32 $0x0;
	[sflag:s20] =	ssyncadd.s32 @!p0 $0xFFFFF800  }
0x33: {  	[tilespmem:s30], [sflag:$0x1] =	stream.linear.gather [hbm4b:s4+s30], $0x2780, $0x38;
	[tilespmem:$0x5F00] =	vst v63  }
0x34: {  	_ =	swait.ge [sflag:s14], $0x2780  }
0x35: {  	[sflag:s14] =	ssyncset.done $0x0  }
0x36: {  	[sflag:s14] =	ssyncadd.s32 $0xFFFFD880  }
0x37: {  	s31 =	simm.s32 $0x0;
	[bflag:$0x0] =	sbarrier.arrive $0xFFFF  }
0x38: {  	[spmem:s2] =	stream.indirect.scatter.add.f32 [tilespmem:s16], [sflag:$0x1], $0x10, s31, s15, $0xb8;
	[tilespmem:$0x5F00] =	vst v63  }
0x39: {  	_ =	swait.ge [sflag:s14], $0x800  }
0x3a: {  	s20 =	simm.s32 $0x200;
	[sflag:s14] =	ssyncset.done $0x0  }
.LBB2_6:
0x3b: {  	s21 =	sshra.s32 s20, $0x2;
	[sflag:s14] =	ssyncadd.s32 $0xFFFFF800;
	p1 =	sne.s32 s20, $0x9C00  }
0x3c: {  	[spmem:s2] =	stream.indirect.scatter.add.f32 [tilespmem:s16], [sflag:$0x1], $0x10, s21, s15, $0xb8;
	[tilespmem:$0x5F00] =	vst v63  }
.Ltmp2:
0x3d: {  	_ = 	snop;
	(pc) =	sbr.rel @p1 .LBB2_6-.Ltmp2, $4  }
0x3e: {  	_ = 	snop  }
0x3f: {  	s20 =	sadd.s32 $0x200, s20  }
0x40: {  	_ =	swait.ge [sflag:s14], $0x800  }
0x41: {  	[sflag:s14] =	ssyncset.done $0x0  }
0x42: {  	[sflag:s14] =	ssyncadd.s32 $0xFFFFF800  }
0x43: {  	s20 =	simm.s32 @p0 $0x1FC1;
	[bflag:$0x0] =	sbarrier.arrive $0xFFFF  }
0x44: {  	[hbm:s6], [sflag:s20] =	dma.local @p0 [spmem:s17], $0x500  }
0x45: {  	s20 =	simm.s32 @p0 $0x1  }
0x46: {  	s3 =	sadd.s32 $0x1, s3;
	_ =	swait.ge @p0 [sflag:s20], $0x500  }
0x47: {  	p1 =	sne.s32 s3, s8;
	[sflag:s20] =	ssyncset.done @p0 $0x0  }
.Ltmp3:
0x48: {  	[sflag:s20] =	ssyncadd.s32 @p0 $0xFFFFFB00;
	s20 =	simm.s32 @!p0 $0x1;
	(pc) =	sbr.rel @p1 .LBB2_1-.Ltmp3, $4  }
0x49: {  	[hbm:s5], [sflag:s18] =	dma.local @!p0 [spmem:s19], $0x4E0  }
0x4a: {  	_ =	swait.ge @!p0 [sflag:s20], $0x4E0  }
0x4b: {  	[sflag:s20] =	ssyncset.done @!p0 $0x0  }
0x4c: {  	[sflag:s20] =	ssyncadd.s32 @!p0 $0xFFFFFB20  }
0x4d: {  	_ =	sfence.sel $0x180000  }
0x4e: {  	[bflag:$0x0] =	sbarrier.arrive $0xFFFF  }
0x4f: {  	p0 =	sne.s32 s0, $0x0;
	_ =	strace $0x90000047  }
0x50: {  	s0 =	sadd.s32 @!p0 $0x100000, s1;
	[bflag:$0x2] =	sbarrier.arrive $0xFFFF  }
0x51: {  	[sflag:s0] =	ssyncadd.tile.s32 @!p0 $0x1;
	_ =	shalt  }
.Lfunc_end2:
_tile_overlayer_lowered:
.L_overlay_start_2:
0x52: {  	(tag) =	ssettag $0x2  }
0x53: {  	s0 =	rddreg [dreg:$0x0];
	s2 =	stileid.u32  }
0x54: {  	s1 =	rddreg [dreg:$0x1];
	p0 =	sne.s32 s2, $0x0  }
0x55: {  	s3 =	rddreg [dreg:$0x2];
	[bflag:$0x3] =	sbarrier.arrive $0xFFFF;
	s2 =	simm.s32 @!p0 $0x1C01  }
0x56: {  	[timem:s3], [sflag:s2] =	dma.local @!p0 [hbm:s0], s1  }
0x57: {  	s0 =	simm.s32 @!p0 $0x1  }
0x58: {  	_ =	swait.ge @!p0 [sflag:s0], s1  }
0x59: {  	s1 =	ssub.s32 @!p0 $0x0, s1;
	[sflag:s0] =	ssyncset.done @!p0 $0x0  }
0x5a: {  	[sflag:s0] =	ssyncadd.s32 @!p0 s1  }
0x5b: {  	[bflag:$0x3] =	sbarrier.arrive $0xFFFF  }
0x5c: {  	_ =	shalt  }

// kernel: kernel.13.cloned.1.call-start
scs
__scs_entry_jumppad:
0x0: {  	(pc) =	sbr.rel $0x88, $3  }
0x1: {  	(tag) =	ssettag $0x0;
	lr =	simm.s32 $0x1  }
0x2: {  	[smem:$0x3F95] =	sst lr;
	_ =	strace $0xD0000000  }
0x3: {  	_ = 	snop  }
0x4: {  	_ = 	snop  }
0x5: {  	_ = 	snop  }
0x6: {  	_ = 	snop  }
0x7: {  	_ = 	snop  }
__scs_overlays_trampoline_lowered:
0x8: {  	[smem:$0x3FA4] =	sst s0  }
0x9: {  	[smem:$0x3FA5] =	sst s1  }
0xa: {  	[smem:$0x3FA6] =	sst s2  }
0xb: {  	[smem:$0x3FA7] =	sst s3  }
0xc: {  	[smem:$0x3FA8] =	sst s4  }
0xd: {  	[smem:$0x3FA9] =	sst s5  }
0xe: {  	[smem:$0x3FAA] =	sst s6  }
0xf: {  	[smem:$0x3FAB] =	sst s7  }
0x10: {  	[smem:$0x3FAC] =	sst s8  }
0x11: {  	[smem:$0x3FAD] =	sst s9;
	s0 =	simm.s32 @!p0 $0x0  }
0x12: {  	s1 =	sld [smem:$0x3F93];
	s0 =	simm.s32 @p0 $0x1  }
0x13: {  	[smem:$0x3FAE] =	sst s0;
	s0 =	simm.s32 @!p1 $0x0  }
0x14: {  	s2 =	sld [smem:$0x3F92];
	s0 =	simm.s32 @p1 $0x1  }
0x15: {  	[smem:$0x3FAF] =	sst s0;
	s0 =	simm.s32 @!p2 $0x0  }
0x16: {  	s3 =	sld [smem:$0x3FDB];
	s0 =	simm.s32 @p2 $0x1  }
0x17: {  	s4 =	simm.s32 $0x1BF5;
	[smem:$0x3FB1] =	sst s0  }
0x18: {  	s0 =	sld [smem:$0x3F94];
	_ =	swait.ge [sflag:s4], $0x0  }
0x19: {  	s7 =	sld [smem:$0x3F95]  }
0x1a: {  	s8 =	sadd.s32 $0xFFFFE003, lr  }
0x1b: {  	s9 =	sadd.s32 $0xFFFFFEF7, lr;
	s5 =	simm.s32 $0xFFFFFFFF;
	p2 =	slt.u32 s8, $0xFFFFF086  }
0x1c: {  	p1 =	slt.u32 s9, $0xF7A;
	s5 =	simm.s32 @!p2 $0x0  }
0x1d: {  	s5 =	simm.s32 @p1 $0x1;
	p0 =	seq.s32 s7, s2  }
0x1e: {  	s7 =	smul.u32 @!p0 $0xF7A, s2;
	p2 =	seq.s32 @!p0 s5, $0x0  }
0x1f: {  	s9 =	smul.u32 $0xF7A, s1;
	s8 =	simm.s32 @!p0 $0x1BF5;
	p2 =	por !p2, p0  }
0x20: {  	[sflag:s8] =	ssyncset.s32 @!p0 $0xFFFFF086;
	s6 =	sadd.s32 @!p0 s3, s7;
	s7 =	simm.s32 @!p0 $0x108  }
0x21: {  	s3 =	sadd.s32 s3, s9;
	s6 =	sadd.s32 @!p0 $0x88, s6;
	s7 =	simm.s32 @p2 $0x1082  }
0x22: {  	[simem:s7], [sflag:s8] =	dma.local @!p0 [hbm:s6], $0xF7A  }
0x23: {  	s9 =	sor.u32 $0xD0000000, s2;
	s6 =	simm.s32 $0x108;
	_ =	swait.ge @!p0 [sflag:s8], $0x0  }
0x24: {  	s3 =	sadd.s32 $0x88, s3;
	s6 =	simm.s32 @!p1 $0x1082;
	[sflag:s4] =	ssyncset.s32 $0xFFFFF086  }
0x25: {  	[simem:s6], [sflag:s4] =	dma.local [hbm:s3], $0xF7A  }
0x26: {  	[smem:$0x3F95] =	sst s1;
	(tag) =	ssettag s2;
	_ =	strace s9  }
0x27: {  	s1 =	sld [smem:$0x3FA5]  }
0x28: {  	s2 =	sld [smem:$0x3FA6]  }
0x29: {  	s4 =	sld [smem:$0x3FA8]  }
0x2a: {  	p0 =	seq.s32 s5, $0x0;
	s5 =	sld [smem:$0x3FA9]  }
0x2b: {  	s6 =	sld [smem:$0x3FAA]  }
0x2c: {  	s7 =	sld [smem:$0x3FAB]  }
0x2d: {  	s3 =	simm.s32 $0x108;
	s8 =	sld [smem:$0x3FAC]  }
0x2e: {  	s3 =	simm.s32 @!p0 $0x1082;
	s9 =	sld [smem:$0x3FAD]  }
0x2f: {  	lr =	sadd.s32 s0, s3;
	s0 =	sld [smem:$0x3FA4]  }
0x30: {  	s3 =	sld [smem:$0x3FA7]  }
0x31: {  	[smem:$0x3FB0] =	sst s10  }
0x32: {  	s10 =	sld [smem:$0x3FAE];
	_ =	sdelay $0x3  }
0x33: {  	p0 =	seq.s32 s10, $0x1;
	s10 =	sld [smem:$0x3FB0];
	_ =	sdelay $0x3  }
0x34: {  	[smem:$0x3FB0] =	sst s10  }
0x35: {  	s10 =	sld [smem:$0x3FAF];
	_ =	sdelay $0x3  }
0x36: {  	p1 =	seq.s32 s10, $0x1;
	s10 =	sld [smem:$0x3FB0];
	_ =	sdelay $0x3  }
0x37: {  	[smem:$0x3FB0] =	sst s10  }
0x38: {  	s10 =	sld [smem:$0x3FB1]  }
0x39: {  	_ = 	snop;
	(pc) =	sbr.ind lr, $3  }
0x3a: {  	_ = 	snop  }
0x3b: {  	_ = 	snop  }
0x3c: {  	p2 =	seq.s32 s10, $0x1;
	s10 =	sld [smem:$0x3FB0]  }
0x3d: {  	_ =	shalt  }
0x3e: {  	_ =	shalt  }
0x3f: {  	_ =	shalt  }
0x40: {  	_ =	shalt  }
0x41: {  	_ =	shalt  }
0x42: {  	_ =	shalt  }
0x43: {  	_ =	shalt  }
0x44: {  	_ =	shalt  }
0x45: {  	_ =	shalt  }
0x46: {  	_ =	shalt  }
0x47: {  	_ =	shalt  }
0x48: {  	_ =	shalt  }
0x49: {  	_ =	shalt  }
0x4a: {  	_ =	shalt  }
0x4b: {  	_ =	shalt  }
0x4c: {  	_ =	shalt  }
0x4d: {  	_ =	shalt  }
0x4e: {  	_ =	shalt  }
0x4f: {  	_ =	shalt  }
0x50: {  	_ =	shalt  }
0x51: {  	_ =	shalt  }
0x52: {  	_ =	shalt  }
0x53: {  	_ =	shalt  }
0x54: {  	_ =	shalt  }
0x55: {  	_ =	shalt  }
0x56: {  	_ =	shalt  }
0x57: {  	_ =	shalt  }
0x58: {  	_ =	shalt  }
0x59: {  	_ =	shalt  }
0x5a: {  	_ =	shalt  }
0x5b: {  	_ =	shalt  }
0x5c: {  	_ =	shalt  }
0x5d: {  	_ =	shalt  }
0x5e: {  	_ =	shalt  }
0x5f: {  	_ =	shalt  }
0x60: {  	_ =	shalt  }
0x61: {  	_ =	shalt  }
0x62: {  	_ =	shalt  }
0x63: {  	_ =	shalt  }
0x64: {  	_ =	shalt  }
0x65: {  	_ =	shalt  }
0x66: {  	_ =	shalt  }
0x67: {  	_ =	shalt  }
0x68: {  	_ =	shalt  }
0x69: {  	_ =	shalt  }
0x6a: {  	_ =	shalt  }
0x6b: {  	_ =	shalt  }
0x6c: {  	_ =	shalt  }
0x6d: {  	_ =	shalt  }
0x6e: {  	_ =	shalt  }
0x6f: {  	_ =	shalt  }
0x70: {  	_ =	shalt  }
0x71: {  	_ =	shalt  }
0x72: {  	_ =	shalt  }
0x73: {  	_ =	shalt  }
0x74: {  	_ =	shalt  }
0x75: {  	_ =	shalt  }
0x76: {  	_ =	shalt  }
0x77: {  	_ =	shalt  }
0x78: {  	_ =	shalt  }
0x79: {  	_ =	shalt  }
0x7a: {  	_ =	shalt  }
0x7b: {  	_ =	shalt  }
0x7c: {  	_ =	shalt  }
0x7d: {  	_ =	shalt  }
0x7e: {  	_ =	shalt  }
0x7f: {  	_ =	shalt  }
0x80: {  	_ =	shalt  }
0x81: {  	_ =	shalt  }
0x82: {  	_ =	shalt  }
0x83: {  	_ =	shalt  }
0x84: {  	_ =	shalt  }
0x85: {  	_ =	shalt  }
0x86: {  	_ =	shalt  }
0x87: {  	_ =	shalt  }
.Lfunc_end0:
.L_simem_size_0:
called_computation.1_lowered:
.L_overlay_start_0:
0x88: {  	s2 =	sld [smem:$0x3FD9]  }
0x89: {  	s3 =	sld [smem:$0x3FFE];
	_ =	sdelay $0x1  }
0x8a: {  	s1 =	srdreg.scid  }
0x8b: {  	s0 =	sand.u32 $0x1, s1  }
0x8c: {  	s17 =	sshll.u32 s0, $0xA;
	s2 =	sadd.s32 s3, s2  }
0x8d: {  	s2 =	sadd.s32 s2, s17  }
0x8e: {  	[smem:$0x3FBC] =	sst s2  }
0x8f: {  	_ = 	snop  }
0x90: {  	s2 =	sld [smem:$0x3FD0];
	(tm) =	ssettm $0x1  }
0x91: {  	s18 =	sld [smem:$0x3FFB];
	_ =	sdelay $0x3  }
0x92: {  	_ =	strace s18  }
0x93: {  	s3 =	sld [smem:$0x3FFC];
	_ =	sdelay $0x3  }
0x94: {  	_ =	strace s3  }
0x95: {  	s3 =	sld [smem:$0x3FFD];
	_ =	sdelay $0x3  }
0x96: {  	_ =	strace s3  }
0x97: {  	_ =	strace $0x8FFFFFFF  }
0x98: {  	s19 =	sld [smem:$0x3FDB];
	_ =	sdelay $0x1  }
0x99: {  	s4 =	simm.s32 $_scs_section_size  }
0x9a: {  	s5 =	simm.s32 $_size__tile_overlayer_lowered;
	s6 =	simm.s32 $_tile_overlayer_lowered  }
0x9b: {  	s22 =	simm.s32 $0x1BFF;
	s21 =	sshll.u32 s6, $0x1;
	s3 =	sadd.s32 s4, s19  }
0x9c: {  	s7 =	simm.s32 $0x0;
	s20 =	sshll.u32 s5, $0x1;
	s5 =	sadd.s32 s21, s3  }
0x9d: {  	[timem:s7], [sflag:s22] =	dma.local [hbm:s5], s20  }
0x9e: {  	_ =	swait.ge [sflag:s22], s20  }
0x9f: {  	s4 =	ssub.s32 $0x0, s20;
	[sflag:s22] =	ssyncset.done $0x0  }
0xa0: {  	[sflag:s22] =	ssyncadd.s32 s4;
	_ =	sdelay $0x1  }
0xa1: {  	s23 =	simm.s32 $0x1B8B  }
0xa2: {  	_ =	swait.ge [sflag:s23], $0x1  }
0xa3: {  	[sflag:s23] =	ssyncset.done $0x0  }
0xa4: {  	s25 =	simm.s32 $0x1B8E;
	s24 =	sld [smem:$0x3FFE];
	[sflag:s23] =	ssyncadd.s32 $0xFFFFFFFF  }
0xa5: {  	s26 =	simm.s32 $execute0_lowered;
	[smem:$0x3FD2] =	sst s25  }
0xa6: {  	s5 =	sshll.u32 s26, $0x1;
	_ =	strace $0x80000049;
	[dreg:$0x1] =	wrdreg $0xFFFFFFFF  }
0xa7: {  	s28 =	simm.s32 $_size_execute0_lowered;
	s3 =	sadd.s32 s3, s5;
	[dreg:$0x0] =	wrdreg $0x0  }
0xa8: {  	s5 =	sshll.u32 s28, $0x1;
	[dreg:$0x2] =	wrdreg s3  }
0xa9: {  	[dreg:$0x3] =	wrdreg s5  }
0xaa: {  	[dreg:$0x4] =	wrdreg $0xC0  }
0xab: {  	_ =	task [dreg:s7], $0x5FFFF  }
0xac: {  	[dreg:$0x1] =	wrdreg $0xFFFFFFFF  }
0xad: {  	[dreg:$0x0] =	wrdreg $0x60  }
0xae: {  	[dreg:$0x2] =	wrdreg s24  }
0xaf: {  	[dreg:$0x3] =	wrdreg s2  }
0xb0: {  	[dreg:$0x4] =	wrdreg $0xB0000  }
0xb1: {  	[dreg:$0x5] =	wrdreg $0x9  }
0xb2: {  	_ =	task.clear_ibuf [dreg:s7], $0x6FFFF;
	_ =	strace $0x90000049  }
0xb3: {  	s29 =	simm.s32 $0x9;
	_ =	strace $0x8000004B  }
0xb4: {  	_ =	swait.ge [sflag:s29], $0x1  }
0xb5: {  	[sflag:s29] =	ssyncadd.s32 $0xFFFFFFFF  }
0xb6: {  	_ =	strace $0x9000004B  }
0xb7: {  	_ =	sfence  }
0xb8: {  	s30 =	sld [smem:$0x0];
	_ =	sdelay $0x2  }
0xb9: {  	s31 =	sshll.u32 s1, $0xD;
	s1 =	sshrl.u32 s1, $0x2  }
0xba: {  	s3 =	sand.u32 $0x4000, s31;
	s1 =	sadd.s32 s1, s30  }
0xbb: {  	s0 =	sor.u32 s3, s0;
	s1 =	sshll.u32 s1, $0x11  }
0xbc: {  	s0 =	sor.u32 s1, s0  }
0xbd: {  	s0 =	sadd.s32 $0x8F2B, s0  }
0xbe: {  	[sflag:s0] =	ssyncadd.remote.s32 $0x1  }
0xbf: {  	_ =	sfence.sel $0xFFFF  }
0xc0: {  	[dreg:$0x0] =	wrdreg $0xFFFFFFFF;
	(pc) =	sbr.abs _section_cstart, $3  }
0xc1: {  	[dreg:$0x1] =	wrdreg $0xFFFFFFFF  }
0xc2: {  	_ =	task.clear_ibuf [dreg:s7], $0x2FFFF;
	_ =	strace $0x9FFFFFFF  }
0xc3: {  	(tm) =	ssettm $0x7FFFFFFF  }
tec
execute0_lowered:
.L_overlay_start_1:
0x0: {  	(tag) =	ssettag $0x1  }
0x1: {  	s5 =	rddreg [dreg:$0x0]  }
0x2: {  	s8 =	rddreg [dreg:$0x1]  }
0x3: {  	s1 =	rddreg [dreg:$0x2]  }
0x4: {  	s0 =	rddreg [dreg:$0x3];
	s3 =	simm.s32 $0x0  }
0x5: {  	s4 =	srdreg.scid;
	s2 =	stileid.u32;
	s17 =	simm.s32 $0x7000  }
0x6: {  	s18 =	simm.s32 $0x2;
	s19 =	simm.s32 $0x3800;
	s20 =	simm.s32 $0x80  }
0x7: {  	s21 =	simm.s32 $0x1;
	[smem:$0x7FF] =	sst s3;
	s9 =	smul.u32 $0x700, s2  }
0x8: {  	s6 =	sand.u32 $0x1, s4;
	s4 =	sadd.s32 $0x62A00, s5;
	s12 =	smul.u32 $0x1700, s2  }
0x9: {  	s10 =	sadd.s32 $0xAA00, s5;
	s13 =	sadd.s32 $0x89C00, s5;
	s26 =	smul.u32 $0x2700, s2  }
0xa: {  	s28 =	smul.u32 $0x4E000, s2;
	s31 =	sshll.u32 s2, $0xE;
	s22 =	sadd.s32 $0x124800, s1  }
0xb: {  	p1 =	seq.s32 s2, $0xF;
	_ =	strace $0x8000004A;
	s14 =	smul.u32 $0x27100, s6  }
0xc: {  	s7 =	ssub.s32 $0x2, s6;
	p0 =	seq.s32 s6, $0x1;
	s16 =	smul.u32 $0x138800, s6  }
0xd: {  	s22 =	sshrl.u32 @p1 s22, $0x3;
	s11 =	sshrl.u32 s7, $0x1;
	s25 =	sshrl.u32 s12, $0x3  }
0xe: {  	s5 =	sadd.s32 s10, s9;
	s6 =	sadd.s32 s8, s9;
	s11 =	ssub.s32 s7, s11  }
0xf: {  	s15 =	sadd.s32 $0x7000, s25;
	s29 =	sadd.s32 s26, s14;
	s30 =	sshrl.u32 s16, $0x3  }
.Ltmp0:
0x10: {  	s7 =	sadd.s32 s10, s15;
	s8 =	sadd.s32 s8, s15;
	(pc) =	sbr.rel .LBB2_1-.Ltmp0, $4  }
0x11: {  	s9 =	sadd.s32 s13, s29;
	s10 =	sshrl.u32 s28, $0x2;
	s12 =	sadd.s32 s13, s30  }
0x12: {  	s23 =	sadd.s32 s10, s1;
	s10 =	sadd.s32 $0x24900, s12;
	s12 =	sadd.s32 s31, s1  }
0x13: {  	s11 =	smax.u32 s11, $0x1;
	s13 =	sadd.s32 $0x40000, s12;
	s14 =	sadd.s32 $0x80000, s12  }
0x14: {  	v0 =	vimm.f32 $0.0e+00;
	s15 =	sadd.s32 $0xC0000, s12;
	s16 =	sadd.s32 $0x100000, s12;
	s23 =	sshrl.u32 @!p1 s23, $0x3  }
.LBB2_6:
0x15: {  	s24 =	sshra.s32 s24, $0x2;
	[sflag:s18] =	ssyncadd.s32 $0xFFFFC000  }
0x16: {  	[tilespmem:s17], [sflag:$0x1] =	stream.indirect.gather [hbm4b:s4+s20], $0x80, s24, s20, $0xb8;
	[tilespmem:$0x1EC00] =	vst v63  }
0x17: {  	_ =	swait.ge [sflag:s21], $0x4000  }
0x18: {  	[sflag:s21] =	ssyncset.done $0x0  }
0x19: {  	s24 =	sadd.s32 $0x3800, s24;
	[sflag:s21] =	ssyncadd.s32 $0xFFFFC000  }
0x1a: {  	[spmem:s1] =	stream.indirect.scatter.add.f32 [tilespmem:s17], [sflag:$0x2], $0x80, s24, s20, $0xb8;
	[tilespmem:$0x1EC00] =	vst v63  }
0x1b: {  	_ =	swait.ge [sflag:s18], $0x4000  }
0x1c: {  	[sflag:s18] =	ssyncset.done $0x0  }
0x1d: {  	[sflag:s18] =	ssyncadd.s32 $0xFFFFC000  }
.LBB2_10:
0x1e: {  	[bflag:$0x0] =	sbarrier.arrive $0xFFFF;
	s24 =	simm.s32 @p1 $0x1FC2  }
0x1f: {  	[hbm:s10], [sflag:s24] =	dma.local @p1 [spmem:s22], $0x2800  }
0x20: {  	s24 =	simm.s32 @p1 $0x2  }
0x21: {  	_ =	swait.ge @p1 [sflag:s24], $0x2800  }
0x22: {  	s25 =	sshll.u32 @!p1 s2, $0x6;
	s3 =	sadd.s32 $0x1, s3;
	[sflag:s24] =	ssyncset.done @p1 $0x0  }
0x23: {  	p2 =	sne.s32 s3, s11;
	[sflag:s24] =	ssyncadd.s32 @p1 $0xFFFFD800;
	s24 =	sor.u32 @!p1 $0x1C02, s25  }
0x24: {  	[hbm:s9], [sflag:s24] =	dma.local @!p1 [spmem:s23], $0x2700  }
.Ltmp1:
0x25: {  	_ = 	snop;
	(pc) =	sbr.rel @!p2 .LBB2_11-.Ltmp1, $4  }
0x26: {  	s24 =	simm.s32 @!p1 $0x2  }
0x27: {  	_ =	swait.ge @!p1 [sflag:s24], $0x2700  }
0x28: {  	[sflag:s24] =	ssyncset.done @!p1 $0x0  }
0x29: {  	[sflag:s24] =	ssyncadd.s32 @!p1 $0xFFFFD900  }
.LBB2_1:
0x2a: {  	[bflag:$0x0] =	sbarrier.arrive $0xFFFF;
	s24 =	simm.s32 $0x0;
	s25 =	simm.s32 $0x200  }
.LBB2_2:
0x2b: {  	p2 =	sne.s32 s25, $0xFE00;
	[tilespmem:s24+$0x7070] =	vst v0  }
0x2c: {  	[tilespmem:s24+$0x7000] =	vst v0  }
0x2d: {  	[tilespmem:s24+$0x7010] =	vst v0  }
.Ltmp2:
0x2e: {  	[tilespmem:s24+$0x7020] =	vst v0;
	(pc) =	sbr.rel @p2 .LBB2_2-.Ltmp2, $4  }
0x2f: {  	[tilespmem:s24+$0x7030] =	vst v0  }
0x30: {  	[tilespmem:s24+$0x7040] =	vst v0  }
0x31: {  	[tilespmem:s24+$0x7050] =	vst v0  }
0x32: {  	[tilespmem:s24+$0x7060] =	vst v0;
	s24 =	sshra.s32 s25, $0x2;
	s25 =	sadd.s32 $0x200, s25  }
0x33: {  	[tilespmem:s24+$0x7070] =	vst v0  }
0x34: {  	[tilespmem:s24+$0x7000] =	vst v0  }
0x35: {  	[tilespmem:s24+$0x7010] =	vst v0  }
0x36: {  	[tilespmem:s24+$0x7020] =	vst v0  }
0x37: {  	[tilespmem:s24+$0x7030] =	vst v0  }
0x38: {  	[tilespmem:s24+$0x7040] =	vst v0  }
0x39: {  	[tilespmem:s24+$0x7050] =	vst v0  }
0x3a: {  	[tilespmem:s24+$0x7060] =	vst v0  }
0x3b: {  	[spmem:s12] =	stream.linear.scatter [tilespmem:s17], [sflag:$0x2], $0x4000, $0x38;
	[tilespmem:$0x1EC00] =	vst v63  }
0x3c: {  	_ =	swait.ge [sflag:s18], $0x4000  }
0x3d: {  	[sflag:s18] =	ssyncset.done $0x0  }
0x3e: {  	[sflag:s18] =	ssyncadd.s32 $0xFFFFC000  }
0x3f: {  	[spmem:s13] =	stream.linear.scatter [tilespmem:s17], [sflag:$0x2], $0x4000, $0x38;
	[tilespmem:$0x1EC00] =	vst v63  }
0x40: {  	_ =	swait.ge [sflag:s18], $0x4000  }
0x41: {  	[sflag:s18] =	ssyncset.done $0x0  }
0x42: {  	[sflag:s18] =	ssyncadd.s32 $0xFFFFC000  }
0x43: {  	[spmem:s14] =	stream.linear.scatter [tilespmem:s17], [sflag:$0x2], $0x4000, $0x38;
	[tilespmem:$0x1EC00] =	vst v63  }
0x44: {  	_ =	swait.ge [sflag:s18], $0x4000  }
0x45: {  	[sflag:s18] =	ssyncset.done $0x0  }
0x46: {  	[sflag:s18] =	ssyncadd.s32 $0xFFFFC000  }
0x47: {  	[spmem:s15] =	stream.linear.scatter [tilespmem:s17], [sflag:$0x2], $0x4000, $0x38;
	[tilespmem:$0x1EC00] =	vst v63  }
0x48: {  	_ =	swait.ge [sflag:s18], $0x4000  }
0x49: {  	[sflag:s18] =	ssyncset.done $0x0  }
0x4a: {  	s24 =	simm.s32 @!p1 $0x7000;
	[sflag:s18] =	ssyncadd.s32 $0xFFFFC000  }
0x4b: {  	[spmem:s16] =	stream.linear.scatter @!p1 [tilespmem:s24], [sflag:$0x2], $0x4000, $0x38;
	[tilespmem:$0x1EC00] =	vst v63  }
0x4c: {  	s24 =	simm.s32 @!p1 $0x2  }
.Ltmp3:
0x4d: {  	_ =	swait.ge @!p1 [sflag:s24], $0x4000;
	(pc) =	sbr.rel @!p0 .LBB2_4-.Ltmp3, $4  }
0x4e: {  	[sflag:s24] =	ssyncset.done @!p1 $0x0  }
0x4f: {  	[sflag:s24] =	ssyncadd.s32 @!p1 $0xFFFFC000  }
0x50: {  	[bflag:$0x0] =	sbarrier.arrive $0xFFFF  }
0x51: {  	s24 =	simm.s32 $0x0  }
0x52: {  	[tilespmem:s24], [sflag:$0x2] =	stream.linear.gather [hbm4b:s7+s24], $0x1700, $0x38;
	[tilespmem:$0x1EC00] =	vst v63  }
0x53: {  	_ =	swait.ge [sflag:s18], $0x1700  }
0x54: {  	[sflag:s18] =	ssyncset.done $0x0  }
0x55: {  	[sflag:s18] =	ssyncadd.s32 $0xFFFFE900  }
0x56: {  	[tilespmem:s19], [sflag:$0x2] =	stream.linear.gather [hbm4b:s8+s24], $0x1700, $0x38;
	[tilespmem:$0x1EC00] =	vst v63  }
0x57: {  	_ =	swait.ge [sflag:s18], $0x1700  }
0x58: {  	[sflag:s18] =	ssyncset.done $0x0  }
0x59: {  	s30 =	simm.s32 $0x0;
	[sflag:s18] =	ssyncadd.s32 $0xFFFFE900  }
0x5a: {  	[tilespmem:s17], [sflag:$0x1] =	stream.indirect.gather [hbm4b:s4+s20], $0x80, s30, s20, $0xb8;
	[tilespmem:$0x1EC00] =	vst v63  }
0x5b: {  	_ =	swait.ge [sflag:s21], $0x4000  }
0x5c: {  	[sflag:s21] =	ssyncset.done $0x0  }
0x5d: {  	s31 =	simm.s32 $0x3800;
	[sflag:s21] =	ssyncadd.s32 $0xFFFFC000  }
0x5e: {  	[spmem:s1] =	stream.indirect.scatter.add.f32 [tilespmem:s17], [sflag:$0x2], $0x80, s31, s20, $0xb8;
	[tilespmem:$0x1EC00] =	vst v63  }
0x5f: {  	_ =	swait.ge [sflag:s18], $0x4000  }
0x60: {  	s25 =	simm.s32 $0x400;
	s24 =	simm.s32 $0x200;
	[sflag:s18] =	ssyncset.done $0x0  }
.LBB2_8:
0x61: {  	s26 =	sshra.s32 s24, $0x2  }
0x62: {  	[sflag:s18] =	ssyncadd.s32 $0xFFFFC000;
	s24 =	smov.u32 s25;
	s28 =	sadd.s32 $0x200, s25  }
0x63: {  	[tilespmem:s17], [sflag:$0x1] =	stream.indirect.gather [hbm4b:s4+s20], $0x80, s26, s20, $0xb8;
	[tilespmem:$0x1EC00] =	vst v63  }
0x64: {  	p2 =	sne.s32 s25, $0x5A00;
	_ =	swait.ge [sflag:s21], $0x4000  }
.Ltmp4:
0x65: {  	[sflag:s21] =	ssyncset.done $0x0;
	(pc) =	sbr.rel @p2 .LBB2_8-.Ltmp4, $4  }
0x66: {  	s25 =	sadd.s32 $0x3800, s26;
	[sflag:s21] =	ssyncadd.s32 $0xFFFFC000  }
0x67: {  	[spmem:s1] =	stream.indirect.scatter.add.f32 [tilespmem:s17], [sflag:$0x2], $0x80, s25, s20, $0xb8;
	[tilespmem:$0x1EC00] =	vst v63  }
0x68: {  	_ =	swait.ge [sflag:s18], $0x4000  }
0x69: {  	s25 =	smov.u32 s28;
	[sflag:s18] =	ssyncset.done $0x0  }
0x6a: {  	s24 =	sshra.s32 s24, $0x2;
	[sflag:s18] =	ssyncadd.s32 $0xFFFFC000  }
0x6b: {  	[tilespmem:s17], [sflag:$0x1] =	stream.indirect.gather [hbm4b:s4+s20], $0x80, s24, s20, $0xb8;
	[tilespmem:$0x1EC00] =	vst v63  }
0x6c: {  	_ =	swait.ge [sflag:s21], $0x4000  }
0x6d: {  	[sflag:s21] =	ssyncset.done $0x0  }
.Ltmp5:
0x6e: {  	s24 =	sadd.s32 $0x3800, s24;
	[sflag:s21] =	ssyncadd.s32 $0xFFFFC000;
	(pc) =	sbr.rel .LBB2_10-.Ltmp5, $4  }
0x6f: {  	[spmem:s1] =	stream.indirect.scatter.add.f32 [tilespmem:s17], [sflag:$0x2], $0x80, s24, s20, $0xb8;
	[tilespmem:$0x1EC00] =	vst v63  }
0x70: {  	_ =	swait.ge [sflag:s18], $0x4000  }
0x71: {  	[sflag:s18] =	ssyncset.done $0x0  }
0x72: {  	[sflag:s18] =	ssyncadd.s32 $0xFFFFC000  }
.LBB2_4:
0x73: {  	[tilespmem:s24], [sflag:$0x2] =	stream.linear.gather [hbm4b:s5+s24], $0x3800, $0x38;
	[tilespmem:$0x1EC00] =	vst v63  }
0x74: {  	_ =	swait.ge [sflag:s18], $0x3800  }
0x75: {  	[sflag:s18] =	ssyncset.done $0x0  }
0x76: {  	[sflag:s18] =	ssyncadd.s32 $0xFFFFC800  }
0x77: {  	[tilespmem:s19], [sflag:$0x2] =	stream.linear.gather [hbm4b:s6+s24], $0x3800, $0x38;
	[tilespmem:$0x1EC00] =	vst v63  }
0x78: {  	_ =	swait.ge [sflag:s18], $0x3800  }
0x79: {  	[sflag:s18] =	ssyncset.done $0x0  }
0x7a: {  	s30 =	simm.s32 $0x0;
	[sflag:s18] =	ssyncadd.s32 $0xFFFFC800  }
0x7b: {  	[tilespmem:s17], [sflag:$0x1] =	stream.indirect.gather [hbm4b:s4+s20], $0x80, s30, s20, $0xb8;
	[tilespmem:$0x1EC00] =	vst v63  }
0x7c: {  	_ =	swait.ge [sflag:s21], $0x4000  }
0x7d: {  	[sflag:s21] =	ssyncset.done $0x0  }
0x7e: {  	s31 =	simm.s32 $0x3800;
	[sflag:s21] =	ssyncadd.s32 $0xFFFFC000  }
0x7f: {  	[spmem:s1] =	stream.indirect.scatter.add.f32 [tilespmem:s17], [sflag:$0x2], $0x80, s31, s20, $0xb8;
	[tilespmem:$0x1EC00] =	vst v63  }
0x80: {  	_ =	swait.ge [sflag:s18], $0x4000  }
0x81: {  	s25 =	simm.s32 $0x400;
	s24 =	simm.s32 $0x200;
	[sflag:s18] =	ssyncset.done $0x0  }
.LBB2_5:
0x82: {  	s26 =	sshra.s32 s24, $0x2  }
0x83: {  	[sflag:s18] =	ssyncadd.s32 $0xFFFFC000;
	s24 =	smov.u32 s25;
	s28 =	sadd.s32 $0x200, s25  }
0x84: {  	[tilespmem:s17], [sflag:$0x1] =	stream.indirect.gather [hbm4b:s4+s20], $0x80, s26, s20, $0xb8;
	[tilespmem:$0x1EC00] =	vst v63  }
0x85: {  	p2 =	seq.s32 s25, $0xDE00;
	_ =	swait.ge [sflag:s21], $0x4000  }
.Ltmp6:
0x86: {  	[sflag:s21] =	ssyncset.done $0x0;
	(pc) =	sbr.rel @!p2 .LBB2_5-.Ltmp6, $4  }
0x87: {  	s25 =	sadd.s32 $0x3800, s26;
	[sflag:s21] =	ssyncadd.s32 $0xFFFFC000  }
0x88: {  	[spmem:s1] =	stream.indirect.scatter.add.f32 [tilespmem:s17], [sflag:$0x2], $0x80, s25, s20, $0xb8;
	[tilespmem:$0x1EC00] =	vst v63  }
0x89: {  	_ =	swait.ge [sflag:s18], $0x4000  }
0x8a: {  	s25 =	smov.u32 s28;
	[sflag:s18] =	ssyncset.done $0x0  }
.Ltmp7:
0x8b: {  	_ = 	snop;
	(pc) =	sbr.rel .LBB2_6-.Ltmp7, $1  }
0x8c: {  	_ =	sdelay $0x3  }
.LBB2_11:
0x8d: {  	_ =	sfence.sel $0x180000  }
0x8e: {  	[bflag:$0x0] =	sbarrier.arrive $0xFFFF  }
0x8f: {  	p0 =	sne.s32 s2, $0x0;
	_ =	strace $0x9000004A  }
0x90: {  	s0 =	sadd.s32 @!p0 $0x100000, s0;
	[bflag:$0x2] =	sbarrier.arrive $0xFFFF  }
0x91: {  	[sflag:s0] =	ssyncadd.tile.s32 @!p0 $0x1;
	_ =	shalt  }
.Lfunc_end2:
_tile_overlayer_lowered:
.L_overlay_start_2:
0x92: {  	(tag) =	ssettag $0x2  }
0x93: {  	s0 =	rddreg [dreg:$0x0];
	s2 =	stileid.u32  }
0x94: {  	s1 =	rddreg [dreg:$0x1];
	p0 =	sne.s32 s2, $0x0  }
0x95: {  	s3 =	rddreg [dreg:$0x2];
	[bflag:$0x3] =	sbarrier.arrive $0xFFFF;
	s2 =	simm.s32 @!p0 $0x1C02  }
0x96: {  	[timem:s3], [sflag:s2] =	dma.local @!p0 [hbm:s0], s1  }
0x97: {  	s0 =	simm.s32 @!p0 $0x2  }
0x98: {  	_ =	swait.ge @!p0 [sflag:s0], s1  }
0x99: {  	s1 =	ssub.s32 @!p0 $0x0, s1;
	[sflag:s0] =	ssyncset.done @!p0 $0x0  }
0x9a: {  	[sflag:s0] =	ssyncadd.s32 @!p0 s1  }
0x9b: {  	[bflag:$0x3] =	sbarrier.arrive $0xFFFF  }
0x9c: {  	_ =	shalt  }

// kernel: kernel.16.cloned.1.call-start
scs
__scs_entry_jumppad:
0x0: {  	(pc) =	sbr.rel $0x88, $3  }
0x1: {  	(tag) =	ssettag $0x0;
	lr =	simm.s32 $0x1  }
0x2: {  	[smem:$0x3F95] =	sst lr;
	_ =	strace $0xD0000000  }
0x3: {  	_ = 	snop  }
0x4: {  	_ = 	snop  }
0x5: {  	_ = 	snop  }
0x6: {  	_ = 	snop  }
0x7: {  	_ = 	snop  }
__scs_overlays_trampoline_lowered:
0x8: {  	[smem:$0x3FA4] =	sst s0  }
0x9: {  	[smem:$0x3FA5] =	sst s1  }
0xa: {  	[smem:$0x3FA6] =	sst s2  }
0xb: {  	[smem:$0x3FA7] =	sst s3  }
0xc: {  	[smem:$0x3FA8] =	sst s4  }
0xd: {  	[smem:$0x3FA9] =	sst s5  }
0xe: {  	[smem:$0x3FAA] =	sst s6  }
0xf: {  	[smem:$0x3FAB] =	sst s7  }
0x10: {  	[smem:$0x3FAC] =	sst s8  }
0x11: {  	[smem:$0x3FAD] =	sst s9;
	s0 =	simm.s32 @!p0 $0x0  }
0x12: {  	s1 =	sld [smem:$0x3F93];
	s0 =	simm.s32 @p0 $0x1  }
0x13: {  	[smem:$0x3FAE] =	sst s0;
	s0 =	simm.s32 @!p1 $0x0  }
0x14: {  	s2 =	sld [smem:$0x3F92];
	s0 =	simm.s32 @p1 $0x1  }
0x15: {  	[smem:$0x3FAF] =	sst s0;
	s0 =	simm.s32 @!p2 $0x0  }
0x16: {  	s3 =	sld [smem:$0x3FDB];
	s0 =	simm.s32 @p2 $0x1  }
0x17: {  	s4 =	simm.s32 $0x1BF5;
	[smem:$0x3FB1] =	sst s0  }
0x18: {  	s0 =	sld [smem:$0x3F94];
	_ =	swait.ge [sflag:s4], $0x0  }
0x19: {  	s7 =	sld [smem:$0x3F95]  }
0x1a: {  	s8 =	sadd.s32 $0xFFFFE003, lr  }
0x1b: {  	s9 =	sadd.s32 $0xFFFFFEF7, lr;
	s5 =	simm.s32 $0xFFFFFFFF;
	p2 =	slt.u32 s8, $0xFFFFF086  }
0x1c: {  	p1 =	slt.u32 s9, $0xF7A;
	s5 =	simm.s32 @!p2 $0x0  }
0x1d: {  	s5 =	simm.s32 @p1 $0x1;
	p0 =	seq.s32 s7, s2  }
0x1e: {  	s7 =	smul.u32 @!p0 $0xF7A, s2;
	p2 =	seq.s32 @!p0 s5, $0x0  }
0x1f: {  	s9 =	smul.u32 $0xF7A, s1;
	s8 =	simm.s32 @!p0 $0x1BF5;
	p2 =	por !p2, p0  }
0x20: {  	[sflag:s8] =	ssyncset.s32 @!p0 $0xFFFFF086;
	s6 =	sadd.s32 @!p0 s3, s7;
	s7 =	simm.s32 @!p0 $0x108  }
0x21: {  	s3 =	sadd.s32 s3, s9;
	s6 =	sadd.s32 @!p0 $0x88, s6;
	s7 =	simm.s32 @p2 $0x1082  }
0x22: {  	[simem:s7], [sflag:s8] =	dma.local @!p0 [hbm:s6], $0xF7A  }
0x23: {  	s9 =	sor.u32 $0xD0000000, s2;
	s6 =	simm.s32 $0x108;
	_ =	swait.ge @!p0 [sflag:s8], $0x0  }
0x24: {  	s3 =	sadd.s32 $0x88, s3;
	s6 =	simm.s32 @!p1 $0x1082;
	[sflag:s4] =	ssyncset.s32 $0xFFFFF086  }
0x25: {  	[simem:s6], [sflag:s4] =	dma.local [hbm:s3], $0xF7A  }
0x26: {  	[smem:$0x3F95] =	sst s1;
	(tag) =	ssettag s2;
	_ =	strace s9  }
0x27: {  	s1 =	sld [smem:$0x3FA5]  }
0x28: {  	s2 =	sld [smem:$0x3FA6]  }
0x29: {  	s4 =	sld [smem:$0x3FA8]  }
0x2a: {  	p0 =	seq.s32 s5, $0x0;
	s5 =	sld [smem:$0x3FA9]  }
0x2b: {  	s6 =	sld [smem:$0x3FAA]  }
0x2c: {  	s7 =	sld [smem:$0x3FAB]  }
0x2d: {  	s3 =	simm.s32 $0x108;
	s8 =	sld [smem:$0x3FAC]  }
0x2e: {  	s3 =	simm.s32 @!p0 $0x1082;
	s9 =	sld [smem:$0x3FAD]  }
0x2f: {  	lr =	sadd.s32 s0, s3;
	s0 =	sld [smem:$0x3FA4]  }
0x30: {  	s3 =	sld [smem:$0x3FA7]  }
0x31: {  	[smem:$0x3FB0] =	sst s10  }
0x32: {  	s10 =	sld [smem:$0x3FAE];
	_ =	sdelay $0x3  }
0x33: {  	p0 =	seq.s32 s10, $0x1;
	s10 =	sld [smem:$0x3FB0];
	_ =	sdelay $0x3  }
0x34: {  	[smem:$0x3FB0] =	sst s10  }
0x35: {  	s10 =	sld [smem:$0x3FAF];
	_ =	sdelay $0x3  }
0x36: {  	p1 =	seq.s32 s10, $0x1;
	s10 =	sld [smem:$0x3FB0];
	_ =	sdelay $0x3  }
0x37: {  	[smem:$0x3FB0] =	sst s10  }
0x38: {  	s10 =	sld [smem:$0x3FB1]  }
0x39: {  	_ = 	snop;
	(pc) =	sbr.ind lr, $3  }
0x3a: {  	_ = 	snop  }
0x3b: {  	_ = 	snop  }
0x3c: {  	p2 =	seq.s32 s10, $0x1;
	s10 =	sld [smem:$0x3FB0]  }
0x3d: {  	_ =	shalt  }
0x3e: {  	_ =	shalt  }
0x3f: {  	_ =	shalt  }
0x40: {  	_ =	shalt  }
0x41: {  	_ =	shalt  }
0x42: {  	_ =	shalt  }
0x43: {  	_ =	shalt  }
0x44: {  	_ =	shalt  }
0x45: {  	_ =	shalt  }
0x46: {  	_ =	shalt  }
0x47: {  	_ =	shalt  }
0x48: {  	_ =	shalt  }
0x49: {  	_ =	shalt  }
0x4a: {  	_ =	shalt  }
0x4b: {  	_ =	shalt  }
0x4c: {  	_ =	shalt  }
0x4d: {  	_ =	shalt  }
0x4e: {  	_ =	shalt  }
0x4f: {  	_ =	shalt  }
0x50: {  	_ =	shalt  }
0x51: {  	_ =	shalt  }
0x52: {  	_ =	shalt  }
0x53: {  	_ =	shalt  }
0x54: {  	_ =	shalt  }
0x55: {  	_ =	shalt  }
0x56: {  	_ =	shalt  }
0x57: {  	_ =	shalt  }
0x58: {  	_ =	shalt  }
0x59: {  	_ =	shalt  }
0x5a: {  	_ =	shalt  }
0x5b: {  	_ =	shalt  }
0x5c: {  	_ =	shalt  }
0x5d: {  	_ =	shalt  }
0x5e: {  	_ =	shalt  }
0x5f: {  	_ =	shalt  }
0x60: {  	_ =	shalt  }
0x61: {  	_ =	shalt  }
0x62: {  	_ =	shalt  }
0x63: {  	_ =	shalt  }
0x64: {  	_ =	shalt  }
0x65: {  	_ =	shalt  }
0x66: {  	_ =	shalt  }
0x67: {  	_ =	shalt  }
0x68: {  	_ =	shalt  }
0x69: {  	_ =	shalt  }
0x6a: {  	_ =	shalt  }
0x6b: {  	_ =	shalt  }
0x6c: {  	_ =	shalt  }
0x6d: {  	_ =	shalt  }
0x6e: {  	_ =	shalt  }
0x6f: {  	_ =	shalt  }
0x70: {  	_ =	shalt  }
0x71: {  	_ =	shalt  }
0x72: {  	_ =	shalt  }
0x73: {  	_ =	shalt  }
0x74: {  	_ =	shalt  }
0x75: {  	_ =	shalt  }
0x76: {  	_ =	shalt  }
0x77: {  	_ =	shalt  }
0x78: {  	_ =	shalt  }
0x79: {  	_ =	shalt  }
0x7a: {  	_ =	shalt  }
0x7b: {  	_ =	shalt  }
0x7c: {  	_ =	shalt  }
0x7d: {  	_ =	shalt  }
0x7e: {  	_ =	shalt  }
0x7f: {  	_ =	shalt  }
0x80: {  	_ =	shalt  }
0x81: {  	_ =	shalt  }
0x82: {  	_ =	shalt  }
0x83: {  	_ =	shalt  }
0x84: {  	_ =	shalt  }
0x85: {  	_ =	shalt  }
0x86: {  	_ =	shalt  }
0x87: {  	_ =	shalt  }
.Lfunc_end0:
.L_simem_size_0:
called_computation.2_lowered:
.L_overlay_start_0:
0x88: {  	s2 =	sld [smem:$0x3FD9]  }
0x89: {  	s3 =	sld [smem:$0x3FFE];
	_ =	sdelay $0x1  }
0x8a: {  	s1 =	srdreg.scid  }
0x8b: {  	s0 =	sand.u32 $0x1, s1  }
0x8c: {  	s17 =	sshll.u32 s0, $0xA;
	s2 =	sadd.s32 s3, s2  }
0x8d: {  	s2 =	sadd.s32 s2, s17  }
0x8e: {  	[smem:$0x3FBC] =	sst s2  }
0x8f: {  	_ = 	snop  }
0x90: {  	s2 =	sld [smem:$0x3FD0];
	(tm) =	ssettm $0x1  }
0x91: {  	s18 =	sld [smem:$0x3FFB];
	_ =	sdelay $0x3  }
0x92: {  	_ =	strace s18  }
0x93: {  	s3 =	sld [smem:$0x3FFC];
	_ =	sdelay $0x3  }
0x94: {  	_ =	strace s3  }
0x95: {  	s3 =	sld [smem:$0x3FFD];
	_ =	sdelay $0x3  }
0x96: {  	_ =	strace s3  }
0x97: {  	_ =	strace $0x8FFFFFFF  }
0x98: {  	s19 =	sld [smem:$0x3FDB];
	_ =	sdelay $0x1  }
0x99: {  	s4 =	simm.s32 $_scs_section_size  }
0x9a: {  	s5 =	simm.s32 $_size__tile_overlayer_lowered;
	s6 =	simm.s32 $_tile_overlayer_lowered  }
0x9b: {  	s22 =	simm.s32 $0x1BFF;
	s21 =	sshll.u32 s6, $0x1;
	s3 =	sadd.s32 s4, s19  }
0x9c: {  	s7 =	simm.s32 $0x0;
	s20 =	sshll.u32 s5, $0x1;
	s5 =	sadd.s32 s21, s3  }
0x9d: {  	[timem:s7], [sflag:s22] =	dma.local [hbm:s5], s20  }
0x9e: {  	_ =	swait.ge [sflag:s22], s20  }
0x9f: {  	s4 =	ssub.s32 $0x0, s20;
	[sflag:s22] =	ssyncset.done $0x0  }
0xa0: {  	[sflag:s22] =	ssyncadd.s32 s4;
	_ =	sdelay $0x1  }
0xa1: {  	s23 =	simm.s32 $0x1B8B  }
0xa2: {  	_ =	swait.ge [sflag:s23], $0x1  }
0xa3: {  	[sflag:s23] =	ssyncset.done $0x0  }
0xa4: {  	s25 =	simm.s32 $0x1B8E;
	s24 =	sld [smem:$0x3FFE];
	[sflag:s23] =	ssyncadd.s32 $0xFFFFFFFF  }
0xa5: {  	s26 =	simm.s32 $execute0_lowered;
	[smem:$0x3FD2] =	sst s25  }
0xa6: {  	s5 =	sshll.u32 s26, $0x1;
	_ =	strace $0x8000004C;
	[dreg:$0x1] =	wrdreg $0xFFFFFFFF  }
0xa7: {  	s28 =	simm.s32 $_size_execute0_lowered;
	s3 =	sadd.s32 s3, s5;
	[dreg:$0x0] =	wrdreg $0x0  }
0xa8: {  	s5 =	sshll.u32 s28, $0x1;
	[dreg:$0x2] =	wrdreg s3  }
0xa9: {  	[dreg:$0x3] =	wrdreg s5  }
0xaa: {  	[dreg:$0x4] =	wrdreg $0xC0  }
0xab: {  	_ =	task [dreg:s7], $0x5FFFF  }
0xac: {  	[dreg:$0x1] =	wrdreg $0xFFFFFFFF  }
0xad: {  	[dreg:$0x0] =	wrdreg $0x60  }
0xae: {  	[dreg:$0x2] =	wrdreg s24  }
0xaf: {  	[dreg:$0x3] =	wrdreg s2  }
0xb0: {  	[dreg:$0x4] =	wrdreg $0xB0000  }
0xb1: {  	[dreg:$0x5] =	wrdreg $0x9  }
0xb2: {  	_ =	task.clear_ibuf [dreg:s7], $0x6FFFF;
	_ =	strace $0x9000004C  }
0xb3: {  	s29 =	simm.s32 $0x9;
	_ =	strace $0x8000004E  }
0xb4: {  	_ =	swait.ge [sflag:s29], $0x1  }
0xb5: {  	[sflag:s29] =	ssyncadd.s32 $0xFFFFFFFF  }
0xb6: {  	_ =	strace $0x9000004E  }
0xb7: {  	_ =	sfence  }
0xb8: {  	s30 =	sld [smem:$0x0];
	_ =	sdelay $0x2  }
0xb9: {  	s31 =	sshll.u32 s1, $0xD;
	s1 =	sshrl.u32 s1, $0x2  }
0xba: {  	s3 =	sand.u32 $0x4000, s31;
	s1 =	sadd.s32 s1, s30  }
0xbb: {  	s0 =	sor.u32 s3, s0;
	s1 =	sshll.u32 s1, $0x11  }
0xbc: {  	s0 =	sor.u32 s1, s0  }
0xbd: {  	s0 =	sadd.s32 $0x8F2B, s0  }
0xbe: {  	[sflag:s0] =	ssyncadd.remote.s32 $0x1  }
0xbf: {  	_ =	sfence.sel $0xFFFF  }
0xc0: {  	[dreg:$0x0] =	wrdreg $0xFFFFFFFF;
	(pc) =	sbr.abs _section_cstart, $3  }
0xc1: {  	[dreg:$0x1] =	wrdreg $0xFFFFFFFF  }
0xc2: {  	_ =	task.clear_ibuf [dreg:s7], $0x2FFFF;
	_ =	strace $0x9FFFFFFF  }
0xc3: {  	(tm) =	ssettm $0x7FFFFFFF  }
tec
execute0_lowered:
.L_overlay_start_1:
0x0: {  	(tag) =	ssettag $0x1  }
0x1: {  	s5 =	rddreg [dreg:$0x0]  }
0x2: {  	s8 =	rddreg [dreg:$0x1]  }
0x3: {  	s1 =	rddreg [dreg:$0x2]  }
0x4: {  	s0 =	rddreg [dreg:$0x3];
	s3 =	simm.s32 $0x0  }
0x5: {  	s4 =	srdreg.scid;
	s2 =	stileid.u32;
	s17 =	simm.s32 $0x7000  }
0x6: {  	s18 =	simm.s32 $0x2;
	s19 =	simm.s32 $0x3800;
	s20 =	simm.s32 $0x80  }
0x7: {  	s21 =	simm.s32 $0x1;
	[smem:$0x7FF] =	sst s3;
	s9 =	smul.u32 $0x700, s2  }
0x8: {  	s6 =	sand.u32 $0x1, s4;
	s4 =	sadd.s32 $0xD7E00, s5;
	s12 =	smul.u32 $0x1700, s2  }
0x9: {  	s10 =	sadd.s32 $0xAA00, s5;
	s13 =	sadd.s32 $0x62A00, s5;
	s26 =	smul.u32 $0x2700, s2  }
0xa: {  	s28 =	smul.u32 $0x4E000, s2;
	s31 =	sshll.u32 s2, $0xE;
	s22 =	sadd.s32 $0x124800, s1  }
0xb: {  	p1 =	seq.s32 s2, $0xF;
	_ =	strace $0x8000004D;
	s14 =	smul.u32 $0x27100, s6  }
0xc: {  	s7 =	ssub.s32 $0x2, s6;
	p0 =	seq.s32 s6, $0x1;
	s16 =	smul.u32 $0x138800, s6  }
0xd: {  	s22 =	sshrl.u32 @p1 s22, $0x3;
	s11 =	sshrl.u32 s7, $0x1;
	s25 =	sshrl.u32 s12, $0x3  }
0xe: {  	s5 =	sadd.s32 s10, s9;
	s6 =	sadd.s32 s8, s9;
	s11 =	ssub.s32 s7, s11  }
0xf: {  	s15 =	sadd.s32 $0x7000, s25;
	s29 =	sadd.s32 s26, s14;
	s30 =	sshrl.u32 s16, $0x3  }
.Ltmp0:
0x10: {  	s7 =	sadd.s32 s10, s15;
	s8 =	sadd.s32 s8, s15;
	(pc) =	sbr.rel .LBB2_1-.Ltmp0, $4  }
0x11: {  	s9 =	sadd.s32 s13, s29;
	s10 =	sshrl.u32 s28, $0x2;
	s12 =	sadd.s32 s13, s30  }
0x12: {  	s23 =	sadd.s32 s10, s1;
	s10 =	sadd.s32 $0x24900, s12;
	s12 =	sadd.s32 s31, s1  }
0x13: {  	s11 =	smax.u32 s11, $0x1;
	s13 =	sadd.s32 $0x40000, s12;
	s14 =	sadd.s32 $0x80000, s12  }
0x14: {  	v0 =	vimm.f32 $0.0e+00;
	s15 =	sadd.s32 $0xC0000, s12;
	s16 =	sadd.s32 $0x100000, s12;
	s23 =	sshrl.u32 @!p1 s23, $0x3  }
.LBB2_6:
0x15: {  	s24 =	sshra.s32 s24, $0x2;
	[sflag:s18] =	ssyncadd.s32 $0xFFFFC000  }
0x16: {  	[tilespmem:s17], [sflag:$0x1] =	stream.indirect.gather [hbm4b:s4+s20], $0x80, s24, s20, $0xb8;
	[tilespmem:$0x1EC00] =	vst v63  }
0x17: {  	_ =	swait.ge [sflag:s21], $0x4000  }
0x18: {  	[sflag:s21] =	ssyncset.done $0x0  }
0x19: {  	s24 =	sadd.s32 $0x3800, s24;
	[sflag:s21] =	ssyncadd.s32 $0xFFFFC000  }
0x1a: {  	[spmem:s1] =	stream.indirect.scatter.add.f32 [tilespmem:s17], [sflag:$0x2], $0x80, s24, s20, $0xb8;
	[tilespmem:$0x1EC00] =	vst v63  }
0x1b: {  	_ =	swait.ge [sflag:s18], $0x4000  }
0x1c: {  	[sflag:s18] =	ssyncset.done $0x0  }
0x1d: {  	[sflag:s18] =	ssyncadd.s32 $0xFFFFC000  }
.LBB2_10:
0x1e: {  	[bflag:$0x0] =	sbarrier.arrive $0xFFFF;
	s24 =	simm.s32 @p1 $0x1FC2  }
0x1f: {  	[hbm:s10], [sflag:s24] =	dma.local @p1 [spmem:s22], $0x2800  }
0x20: {  	s24 =	simm.s32 @p1 $0x2  }
0x21: {  	_ =	swait.ge @p1 [sflag:s24], $0x2800  }
0x22: {  	s25 =	sshll.u32 @!p1 s2, $0x6;
	s3 =	sadd.s32 $0x1, s3;
	[sflag:s24] =	ssyncset.done @p1 $0x0  }
0x23: {  	p2 =	sne.s32 s3, s11;
	[sflag:s24] =	ssyncadd.s32 @p1 $0xFFFFD800;
	s24 =	sor.u32 @!p1 $0x1C02, s25  }
0x24: {  	[hbm:s9], [sflag:s24] =	dma.local @!p1 [spmem:s23], $0x2700  }
.Ltmp1:
0x25: {  	_ = 	snop;
	(pc) =	sbr.rel @!p2 .LBB2_11-.Ltmp1, $4  }
0x26: {  	s24 =	simm.s32 @!p1 $0x2  }
0x27: {  	_ =	swait.ge @!p1 [sflag:s24], $0x2700  }
0x28: {  	[sflag:s24] =	ssyncset.done @!p1 $0x0  }
0x29: {  	[sflag:s24] =	ssyncadd.s32 @!p1 $0xFFFFD900  }
.LBB2_1:
0x2a: {  	[bflag:$0x0] =	sbarrier.arrive $0xFFFF;
	s24 =	simm.s32 $0x0;
	s25 =	simm.s32 $0x200  }
.LBB2_2:
0x2b: {  	p2 =	sne.s32 s25, $0xFE00;
	[tilespmem:s24+$0x7070] =	vst v0  }
0x2c: {  	[tilespmem:s24+$0x7000] =	vst v0  }
0x2d: {  	[tilespmem:s24+$0x7010] =	vst v0  }
.Ltmp2:
0x2e: {  	[tilespmem:s24+$0x7020] =	vst v0;
	(pc) =	sbr.rel @p2 .LBB2_2-.Ltmp2, $4  }
0x2f: {  	[tilespmem:s24+$0x7030] =	vst v0  }
0x30: {  	[tilespmem:s24+$0x7040] =	vst v0  }
0x31: {  	[tilespmem:s24+$0x7050] =	vst v0  }
0x32: {  	[tilespmem:s24+$0x7060] =	vst v0;
	s24 =	sshra.s32 s25, $0x2;
	s25 =	sadd.s32 $0x200, s25  }
0x33: {  	[tilespmem:s24+$0x7070] =	vst v0  }
0x34: {  	[tilespmem:s24+$0x7000] =	vst v0  }
0x35: {  	[tilespmem:s24+$0x7010] =	vst v0  }
0x36: {  	[tilespmem:s24+$0x7020] =	vst v0  }
0x37: {  	[tilespmem:s24+$0x7030] =	vst v0  }
0x38: {  	[tilespmem:s24+$0x7040] =	vst v0  }
0x39: {  	[tilespmem:s24+$0x7050] =	vst v0  }
0x3a: {  	[tilespmem:s24+$0x7060] =	vst v0  }
0x3b: {  	[spmem:s12] =	stream.linear.scatter [tilespmem:s17], [sflag:$0x2], $0x4000, $0x38;
	[tilespmem:$0x1EC00] =	vst v63  }
0x3c: {  	_ =	swait.ge [sflag:s18], $0x4000  }
0x3d: {  	[sflag:s18] =	ssyncset.done $0x0  }
0x3e: {  	[sflag:s18] =	ssyncadd.s32 $0xFFFFC000  }
0x3f: {  	[spmem:s13] =	stream.linear.scatter [tilespmem:s17], [sflag:$0x2], $0x4000, $0x38;
	[tilespmem:$0x1EC00] =	vst v63  }
0x40: {  	_ =	swait.ge [sflag:s18], $0x4000  }
0x41: {  	[sflag:s18] =	ssyncset.done $0x0  }
0x42: {  	[sflag:s18] =	ssyncadd.s32 $0xFFFFC000  }
0x43: {  	[spmem:s14] =	stream.linear.scatter [tilespmem:s17], [sflag:$0x2], $0x4000, $0x38;
	[tilespmem:$0x1EC00] =	vst v63  }
0x44: {  	_ =	swait.ge [sflag:s18], $0x4000  }
0x45: {  	[sflag:s18] =	ssyncset.done $0x0  }
0x46: {  	[sflag:s18] =	ssyncadd.s32 $0xFFFFC000  }
0x47: {  	[spmem:s15] =	stream.linear.scatter [tilespmem:s17], [sflag:$0x2], $0x4000, $0x38;
	[tilespmem:$0x1EC00] =	vst v63  }
0x48: {  	_ =	swait.ge [sflag:s18], $0x4000  }
0x49: {  	[sflag:s18] =	ssyncset.done $0x0  }
0x4a: {  	s24 =	simm.s32 @!p1 $0x7000;
	[sflag:s18] =	ssyncadd.s32 $0xFFFFC000  }
0x4b: {  	[spmem:s16] =	stream.linear.scatter @!p1 [tilespmem:s24], [sflag:$0x2], $0x4000, $0x38;
	[tilespmem:$0x1EC00] =	vst v63  }
0x4c: {  	s24 =	simm.s32 @!p1 $0x2  }
.Ltmp3:
0x4d: {  	_ =	swait.ge @!p1 [sflag:s24], $0x4000;
	(pc) =	sbr.rel @!p0 .LBB2_4-.Ltmp3, $4  }
0x4e: {  	[sflag:s24] =	ssyncset.done @!p1 $0x0  }
0x4f: {  	[sflag:s24] =	ssyncadd.s32 @!p1 $0xFFFFC000  }
0x50: {  	[bflag:$0x0] =	sbarrier.arrive $0xFFFF  }
0x51: {  	s24 =	simm.s32 $0x0  }
0x52: {  	[tilespmem:s24], [sflag:$0x2] =	stream.linear.gather [hbm4b:s7+s24], $0x1700, $0x38;
	[tilespmem:$0x1EC00] =	vst v63  }
0x53: {  	_ =	swait.ge [sflag:s18], $0x1700  }
0x54: {  	[sflag:s18] =	ssyncset.done $0x0  }
0x55: {  	[sflag:s18] =	ssyncadd.s32 $0xFFFFE900  }
0x56: {  	[tilespmem:s19], [sflag:$0x2] =	stream.linear.gather [hbm4b:s8+s24], $0x1700, $0x38;
	[tilespmem:$0x1EC00] =	vst v63  }
0x57: {  	_ =	swait.ge [sflag:s18], $0x1700  }
0x58: {  	[sflag:s18] =	ssyncset.done $0x0  }
0x59: {  	s30 =	simm.s32 $0x0;
	[sflag:s18] =	ssyncadd.s32 $0xFFFFE900  }
0x5a: {  	[tilespmem:s17], [sflag:$0x1] =	stream.indirect.gather [hbm4b:s4+s20], $0x80, s30, s20, $0xb8;
	[tilespmem:$0x1EC00] =	vst v63  }
0x5b: {  	_ =	swait.ge [sflag:s21], $0x4000  }
0x5c: {  	[sflag:s21] =	ssyncset.done $0x0  }
0x5d: {  	s31 =	simm.s32 $0x3800;
	[sflag:s21] =	ssyncadd.s32 $0xFFFFC000  }
0x5e: {  	[spmem:s1] =	stream.indirect.scatter.add.f32 [tilespmem:s17], [sflag:$0x2], $0x80, s31, s20, $0xb8;
	[tilespmem:$0x1EC00] =	vst v63  }
0x5f: {  	_ =	swait.ge [sflag:s18], $0x4000  }
0x60: {  	s25 =	simm.s32 $0x400;
	s24 =	simm.s32 $0x200;
	[sflag:s18] =	ssyncset.done $0x0  }
.LBB2_8:
0x61: {  	s26 =	sshra.s32 s24, $0x2  }
0x62: {  	[sflag:s18] =	ssyncadd.s32 $0xFFFFC000;
	s24 =	smov.u32 s25;
	s28 =	sadd.s32 $0x200, s25  }
0x63: {  	[tilespmem:s17], [sflag:$0x1] =	stream.indirect.gather [hbm4b:s4+s20], $0x80, s26, s20, $0xb8;
	[tilespmem:$0x1EC00] =	vst v63  }
0x64: {  	p2 =	sne.s32 s25, $0x5A00;
	_ =	swait.ge [sflag:s21], $0x4000  }
.Ltmp4:
0x65: {  	[sflag:s21] =	ssyncset.done $0x0;
	(pc) =	sbr.rel @p2 .LBB2_8-.Ltmp4, $4  }
0x66: {  	s25 =	sadd.s32 $0x3800, s26;
	[sflag:s21] =	ssyncadd.s32 $0xFFFFC000  }
0x67: {  	[spmem:s1] =	stream.indirect.scatter.add.f32 [tilespmem:s17], [sflag:$0x2], $0x80, s25, s20, $0xb8;
	[tilespmem:$0x1EC00] =	vst v63  }
0x68: {  	_ =	swait.ge [sflag:s18], $0x4000  }
0x69: {  	s25 =	smov.u32 s28;
	[sflag:s18] =	ssyncset.done $0x0  }
0x6a: {  	s24 =	sshra.s32 s24, $0x2;
	[sflag:s18] =	ssyncadd.s32 $0xFFFFC000  }
0x6b: {  	[tilespmem:s17], [sflag:$0x1] =	stream.indirect.gather [hbm4b:s4+s20], $0x80, s24, s20, $0xb8;
	[tilespmem:$0x1EC00] =	vst v63  }
0x6c: {  	_ =	swait.ge [sflag:s21], $0x4000  }
0x6d: {  	[sflag:s21] =	ssyncset.done $0x0  }
.Ltmp5:
0x6e: {  	s24 =	sadd.s32 $0x3800, s24;
	[sflag:s21] =	ssyncadd.s32 $0xFFFFC000;
	(pc) =	sbr.rel .LBB2_10-.Ltmp5, $4  }
0x6f: {  	[spmem:s1] =	stream.indirect.scatter.add.f32 [tilespmem:s17], [sflag:$0x2], $0x80, s24, s20, $0xb8;
	[tilespmem:$0x1EC00] =	vst v63  }
0x70: {  	_ =	swait.ge [sflag:s18], $0x4000  }
0x71: {  	[sflag:s18] =	ssyncset.done $0x0  }
0x72: {  	[sflag:s18] =	ssyncadd.s32 $0xFFFFC000  }
.LBB2_4:
0x73: {  	[tilespmem:s24], [sflag:$0x2] =	stream.linear.gather [hbm4b:s5+s24], $0x3800, $0x38;
	[tilespmem:$0x1EC00] =	vst v63  }
0x74: {  	_ =	swait.ge [sflag:s18], $0x3800  }
0x75: {  	[sflag:s18] =	ssyncset.done $0x0  }
0x76: {  	[sflag:s18] =	ssyncadd.s32 $0xFFFFC800  }
0x77: {  	[tilespmem:s19], [sflag:$0x2] =	stream.linear.gather [hbm4b:s6+s24], $0x3800, $0x38;
	[tilespmem:$0x1EC00] =	vst v63  }
0x78: {  	_ =	swait.ge [sflag:s18], $0x3800  }
0x79: {  	[sflag:s18] =	ssyncset.done $0x0  }
0x7a: {  	s30 =	simm.s32 $0x0;
	[sflag:s18] =	ssyncadd.s32 $0xFFFFC800  }
0x7b: {  	[tilespmem:s17], [sflag:$0x1] =	stream.indirect.gather [hbm4b:s4+s20], $0x80, s30, s20, $0xb8;
	[tilespmem:$0x1EC00] =	vst v63  }
0x7c: {  	_ =	swait.ge [sflag:s21], $0x4000  }
0x7d: {  	[sflag:s21] =	ssyncset.done $0x0  }
0x7e: {  	s31 =	simm.s32 $0x3800;
	[sflag:s21] =	ssyncadd.s32 $0xFFFFC000  }
0x7f: {  	[spmem:s1] =	stream.indirect.scatter.add.f32 [tilespmem:s17], [sflag:$0x2], $0x80, s31, s20, $0xb8;
	[tilespmem:$0x1EC00] =	vst v63  }
0x80: {  	_ =	swait.ge [sflag:s18], $0x4000  }
0x81: {  	s25 =	simm.s32 $0x400;
	s24 =	simm.s32 $0x200;
	[sflag:s18] =	ssyncset.done $0x0  }
.LBB2_5:
0x82: {  	s26 =	sshra.s32 s24, $0x2  }
0x83: {  	[sflag:s18] =	ssyncadd.s32 $0xFFFFC000;
	s24 =	smov.u32 s25;
	s28 =	sadd.s32 $0x200, s25  }
0x84: {  	[tilespmem:s17], [sflag:$0x1] =	stream.indirect.gather [hbm4b:s4+s20], $0x80, s26, s20, $0xb8;
	[tilespmem:$0x1EC00] =	vst v63  }
0x85: {  	p2 =	seq.s32 s25, $0xDE00;
	_ =	swait.ge [sflag:s21], $0x4000  }
.Ltmp6:
0x86: {  	[sflag:s21] =	ssyncset.done $0x0;
	(pc) =	sbr.rel @!p2 .LBB2_5-.Ltmp6, $4  }
0x87: {  	s25 =	sadd.s32 $0x3800, s26;
	[sflag:s21] =	ssyncadd.s32 $0xFFFFC000  }
0x88: {  	[spmem:s1] =	stream.indirect.scatter.add.f32 [tilespmem:s17], [sflag:$0x2], $0x80, s25, s20, $0xb8;
	[tilespmem:$0x1EC00] =	vst v63  }
0x89: {  	_ =	swait.ge [sflag:s18], $0x4000  }
0x8a: {  	s25 =	smov.u32 s28;
	[sflag:s18] =	ssyncset.done $0x0  }
.Ltmp7:
0x8b: {  	_ = 	snop;
	(pc) =	sbr.rel .LBB2_6-.Ltmp7, $1  }
0x8c: {  	_ =	sdelay $0x3  }
.LBB2_11:
0x8d: {  	_ =	sfence.sel $0x180000  }
0x8e: {  	[bflag:$0x0] =	sbarrier.arrive $0xFFFF  }
0x8f: {  	p0 =	sne.s32 s2, $0x0;
	_ =	strace $0x9000004D  }
0x90: {  	s0 =	sadd.s32 @!p0 $0x100000, s0;
	[bflag:$0x2] =	sbarrier.arrive $0xFFFF  }
0x91: {  	[sflag:s0] =	ssyncadd.tile.s32 @!p0 $0x1;
	_ =	shalt  }
.Lfunc_end2:
_tile_overlayer_lowered:
.L_overlay_start_2:
0x92: {  	(tag) =	ssettag $0x2  }
0x93: {  	s0 =	rddreg [dreg:$0x0];
	s2 =	stileid.u32  }
0x94: {  	s1 =	rddreg [dreg:$0x1];
	p0 =	sne.s32 s2, $0x0  }
0x95: {  	s3 =	rddreg [dreg:$0x2];
	[bflag:$0x3] =	sbarrier.arrive $0xFFFF;
	s2 =	simm.s32 @!p0 $0x1C02  }
0x96: {  	[timem:s3], [sflag:s2] =	dma.local @!p0 [hbm:s0], s1  }
0x97: {  	s0 =	simm.s32 @!p0 $0x2  }
0x98: {  	_ =	swait.ge @!p0 [sflag:s0], s1  }
0x99: {  	s1 =	ssub.s32 @!p0 $0x0, s1;
	[sflag:s0] =	ssyncset.done @!p0 $0x0  }
0x9a: {  	[sflag:s0] =	ssyncadd.s32 @!p0 s1  }
0x9b: {  	[bflag:$0x3] =	sbarrier.arrive $0xFFFF  }
0x9c: {  	_ =	shalt  }

// kernel: kernel.19.cloned.1.call-start
scs
__scs_entry_jumppad:
0x0: {  	(pc) =	sbr.rel $0x88, $3  }
0x1: {  	(tag) =	ssettag $0x0;
	lr =	simm.s32 $0x1  }
0x2: {  	[smem:$0x3F95] =	sst lr;
	_ =	strace $0xD0000000  }
0x3: {  	_ = 	snop  }
0x4: {  	_ = 	snop  }
0x5: {  	_ = 	snop  }
0x6: {  	_ = 	snop  }
0x7: {  	_ = 	snop  }
__scs_overlays_trampoline_lowered:
0x8: {  	[smem:$0x3FA4] =	sst s0  }
0x9: {  	[smem:$0x3FA5] =	sst s1  }
0xa: {  	[smem:$0x3FA6] =	sst s2  }
0xb: {  	[smem:$0x3FA7] =	sst s3  }
0xc: {  	[smem:$0x3FA8] =	sst s4  }
0xd: {  	[smem:$0x3FA9] =	sst s5  }
0xe: {  	[smem:$0x3FAA] =	sst s6  }
0xf: {  	[smem:$0x3FAB] =	sst s7  }
0x10: {  	[smem:$0x3FAC] =	sst s8  }
0x11: {  	[smem:$0x3FAD] =	sst s9;
	s0 =	simm.s32 @!p0 $0x0  }
0x12: {  	s1 =	sld [smem:$0x3F93];
	s0 =	simm.s32 @p0 $0x1  }
0x13: {  	[smem:$0x3FAE] =	sst s0;
	s0 =	simm.s32 @!p1 $0x0  }
0x14: {  	s2 =	sld [smem:$0x3F92];
	s0 =	simm.s32 @p1 $0x1  }
0x15: {  	[smem:$0x3FAF] =	sst s0;
	s0 =	simm.s32 @!p2 $0x0  }
0x16: {  	s3 =	sld [smem:$0x3FDB];
	s0 =	simm.s32 @p2 $0x1  }
0x17: {  	s4 =	simm.s32 $0x1BF5;
	[smem:$0x3FB1] =	sst s0  }
0x18: {  	s0 =	sld [smem:$0x3F94];
	_ =	swait.ge [sflag:s4], $0x0  }
0x19: {  	s7 =	sld [smem:$0x3F95]  }
0x1a: {  	s8 =	sadd.s32 $0xFFFFE003, lr  }
0x1b: {  	s9 =	sadd.s32 $0xFFFFFEF7, lr;
	s5 =	simm.s32 $0xFFFFFFFF;
	p2 =	slt.u32 s8, $0xFFFFF086  }
0x1c: {  	p1 =	slt.u32 s9, $0xF7A;
	s5 =	simm.s32 @!p2 $0x0  }
0x1d: {  	s5 =	simm.s32 @p1 $0x1;
	p0 =	seq.s32 s7, s2  }
0x1e: {  	s7 =	smul.u32 @!p0 $0xF7A, s2;
	p2 =	seq.s32 @!p0 s5, $0x0  }
0x1f: {  	s9 =	smul.u32 $0xF7A, s1;
	s8 =	simm.s32 @!p0 $0x1BF5;
	p2 =	por !p2, p0  }
0x20: {  	[sflag:s8] =	ssyncset.s32 @!p0 $0xFFFFF086;
	s6 =	sadd.s32 @!p0 s3, s7;
	s7 =	simm.s32 @!p0 $0x108  }
0x21: {  	s3 =	sadd.s32 s3, s9;
	s6 =	sadd.s32 @!p0 $0x88, s6;
	s7 =	simm.s32 @p2 $0x1082  }
0x22: {  	[simem:s7], [sflag:s8] =	dma.local @!p0 [hbm:s6], $0xF7A  }
0x23: {  	s9 =	sor.u32 $0xD0000000, s2;
	s6 =	simm.s32 $0x108;
	_ =	swait.ge @!p0 [sflag:s8], $0x0  }
0x24: {  	s3 =	sadd.s32 $0x88, s3;
	s6 =	simm.s32 @!p1 $0x1082;
	[sflag:s4] =	ssyncset.s32 $0xFFFFF086  }
0x25: {  	[simem:s6], [sflag:s4] =	dma.local [hbm:s3], $0xF7A  }
0x26: {  	[smem:$0x3F95] =	sst s1;
	(tag) =	ssettag s2;
	_ =	strace s9  }
0x27: {  	s1 =	sld [smem:$0x3FA5]  }
0x28: {  	s2 =	sld [smem:$0x3FA6]  }
0x29: {  	s4 =	sld [smem:$0x3FA8]  }
0x2a: {  	p0 =	seq.s32 s5, $0x0;
	s5 =	sld [smem:$0x3FA9]  }
0x2b: {  	s6 =	sld [smem:$0x3FAA]  }
0x2c: {  	s7 =	sld [smem:$0x3FAB]  }
0x2d: {  	s3 =	simm.s32 $0x108;
	s8 =	sld [smem:$0x3FAC]  }
0x2e: {  	s3 =	simm.s32 @!p0 $0x1082;
	s9 =	sld [smem:$0x3FAD]  }
0x2f: {  	lr =	sadd.s32 s0, s3;
	s0 =	sld [smem:$0x3FA4]  }
0x30: {  	s3 =	sld [smem:$0x3FA7]  }
0x31: {  	[smem:$0x3FB0] =	sst s10  }
0x32: {  	s10 =	sld [smem:$0x3FAE];
	_ =	sdelay $0x3  }
0x33: {  	p0 =	seq.s32 s10, $0x1;
	s10 =	sld [smem:$0x3FB0];
	_ =	sdelay $0x3  }
0x34: {  	[smem:$0x3FB0] =	sst s10  }
0x35: {  	s10 =	sld [smem:$0x3FAF];
	_ =	sdelay $0x3  }
0x36: {  	p1 =	seq.s32 s10, $0x1;
	s10 =	sld [smem:$0x3FB0];
	_ =	sdelay $0x3  }
0x37: {  	[smem:$0x3FB0] =	sst s10  }
0x38: {  	s10 =	sld [smem:$0x3FB1]  }
0x39: {  	_ = 	snop;
	(pc) =	sbr.ind lr, $3  }
0x3a: {  	_ = 	snop  }
0x3b: {  	_ = 	snop  }
0x3c: {  	p2 =	seq.s32 s10, $0x1;
	s10 =	sld [smem:$0x3FB0]  }
0x3d: {  	_ =	shalt  }
0x3e: {  	_ =	shalt  }
0x3f: {  	_ =	shalt  }
0x40: {  	_ =	shalt  }
0x41: {  	_ =	shalt  }
0x42: {  	_ =	shalt  }
0x43: {  	_ =	shalt  }
0x44: {  	_ =	shalt  }
0x45: {  	_ =	shalt  }
0x46: {  	_ =	shalt  }
0x47: {  	_ =	shalt  }
0x48: {  	_ =	shalt  }
0x49: {  	_ =	shalt  }
0x4a: {  	_ =	shalt  }
0x4b: {  	_ =	shalt  }
0x4c: {  	_ =	shalt  }
0x4d: {  	_ =	shalt  }
0x4e: {  	_ =	shalt  }
0x4f: {  	_ =	shalt  }
0x50: {  	_ =	shalt  }
0x51: {  	_ =	shalt  }
0x52: {  	_ =	shalt  }
0x53: {  	_ =	shalt  }
0x54: {  	_ =	shalt  }
0x55: {  	_ =	shalt  }
0x56: {  	_ =	shalt  }
0x57: {  	_ =	shalt  }
0x58: {  	_ =	shalt  }
0x59: {  	_ =	shalt  }
0x5a: {  	_ =	shalt  }
0x5b: {  	_ =	shalt  }
0x5c: {  	_ =	shalt  }
0x5d: {  	_ =	shalt  }
0x5e: {  	_ =	shalt  }
0x5f: {  	_ =	shalt  }
0x60: {  	_ =	shalt  }
0x61: {  	_ =	shalt  }
0x62: {  	_ =	shalt  }
0x63: {  	_ =	shalt  }
0x64: {  	_ =	shalt  }
0x65: {  	_ =	shalt  }
0x66: {  	_ =	shalt  }
0x67: {  	_ =	shalt  }
0x68: {  	_ =	shalt  }
0x69: {  	_ =	shalt  }
0x6a: {  	_ =	shalt  }
0x6b: {  	_ =	shalt  }
0x6c: {  	_ =	shalt  }
0x6d: {  	_ =	shalt  }
0x6e: {  	_ =	shalt  }
0x6f: {  	_ =	shalt  }
0x70: {  	_ =	shalt  }
0x71: {  	_ =	shalt  }
0x72: {  	_ =	shalt  }
0x73: {  	_ =	shalt  }
0x74: {  	_ =	shalt  }
0x75: {  	_ =	shalt  }
0x76: {  	_ =	shalt  }
0x77: {  	_ =	shalt  }
0x78: {  	_ =	shalt  }
0x79: {  	_ =	shalt  }
0x7a: {  	_ =	shalt  }
0x7b: {  	_ =	shalt  }
0x7c: {  	_ =	shalt  }
0x7d: {  	_ =	shalt  }
0x7e: {  	_ =	shalt  }
0x7f: {  	_ =	shalt  }
0x80: {  	_ =	shalt  }
0x81: {  	_ =	shalt  }
0x82: {  	_ =	shalt  }
0x83: {  	_ =	shalt  }
0x84: {  	_ =	shalt  }
0x85: {  	_ =	shalt  }
0x86: {  	_ =	shalt  }
0x87: {  	_ =	shalt  }
.Lfunc_end0:
.L_simem_size_0:
called_computation.3_lowered:
.L_overlay_start_0:
0x88: {  	s2 =	sld [smem:$0x3FD9]  }
0x89: {  	s3 =	sld [smem:$0x3FFE];
	_ =	sdelay $0x1  }
0x8a: {  	s1 =	srdreg.scid  }
0x8b: {  	s0 =	sand.u32 $0x1, s1  }
0x8c: {  	s17 =	sshll.u32 s0, $0xA;
	s2 =	sadd.s32 s3, s2  }
0x8d: {  	s2 =	sadd.s32 s2, s17  }
0x8e: {  	[smem:$0x3FBC] =	sst s2  }
0x8f: {  	_ = 	snop  }
0x90: {  	s2 =	sld [smem:$0x3FD0];
	(tm) =	ssettm $0x1  }
0x91: {  	s18 =	sld [smem:$0x3FFB];
	_ =	sdelay $0x3  }
0x92: {  	_ =	strace s18  }
0x93: {  	s3 =	sld [smem:$0x3FFC];
	_ =	sdelay $0x3  }
0x94: {  	_ =	strace s3  }
0x95: {  	s3 =	sld [smem:$0x3FFD];
	_ =	sdelay $0x3  }
0x96: {  	_ =	strace s3  }
0x97: {  	_ =	strace $0x8FFFFFFF  }
0x98: {  	s19 =	sld [smem:$0x3FDB];
	_ =	sdelay $0x1  }
0x99: {  	s4 =	simm.s32 $_scs_section_size  }
0x9a: {  	s5 =	simm.s32 $_size__tile_overlayer_lowered;
	s6 =	simm.s32 $_tile_overlayer_lowered  }
0x9b: {  	s22 =	simm.s32 $0x1BFF;
	s21 =	sshll.u32 s6, $0x1;
	s3 =	sadd.s32 s4, s19  }
0x9c: {  	s7 =	simm.s32 $0x0;
	s20 =	sshll.u32 s5, $0x1;
	s5 =	sadd.s32 s21, s3  }
0x9d: {  	[timem:s7], [sflag:s22] =	dma.local [hbm:s5], s20  }
0x9e: {  	_ =	swait.ge [sflag:s22], s20  }
0x9f: {  	s4 =	ssub.s32 $0x0, s20;
	[sflag:s22] =	ssyncset.done $0x0  }
0xa0: {  	[sflag:s22] =	ssyncadd.s32 s4;
	_ =	sdelay $0x1  }
0xa1: {  	s23 =	simm.s32 $0x1B8B  }
0xa2: {  	_ =	swait.ge [sflag:s23], $0x1  }
0xa3: {  	[sflag:s23] =	ssyncset.done $0x0  }
0xa4: {  	s25 =	simm.s32 $0x1B8E;
	s24 =	sld [smem:$0x3FFE];
	[sflag:s23] =	ssyncadd.s32 $0xFFFFFFFF  }
0xa5: {  	s26 =	simm.s32 $execute0_lowered;
	[smem:$0x3FD2] =	sst s25  }
0xa6: {  	s5 =	sshll.u32 s26, $0x1;
	_ =	strace $0x8000004F;
	[dreg:$0x1] =	wrdreg $0xFFFFFFFF  }
0xa7: {  	s28 =	simm.s32 $_size_execute0_lowered;
	s3 =	sadd.s32 s3, s5;
	[dreg:$0x0] =	wrdreg $0x0  }
0xa8: {  	s5 =	sshll.u32 s28, $0x1;
	[dreg:$0x2] =	wrdreg s3  }
0xa9: {  	[dreg:$0x3] =	wrdreg s5  }
0xaa: {  	[dreg:$0x4] =	wrdreg $0xC0  }
0xab: {  	_ =	task [dreg:s7], $0x5FFFF  }
0xac: {  	[dreg:$0x1] =	wrdreg $0xFFFFFFFF  }
0xad: {  	[dreg:$0x0] =	wrdreg $0x60  }
0xae: {  	[dreg:$0x2] =	wrdreg s24  }
0xaf: {  	[dreg:$0x3] =	wrdreg s2  }
0xb0: {  	[dreg:$0x4] =	wrdreg $0x8A000  }
0xb1: {  	[dreg:$0x5] =	wrdreg $0x9  }
0xb2: {  	_ =	task.clear_ibuf [dreg:s7], $0x6FFFF;
	_ =	strace $0x9000004F  }
0xb3: {  	s29 =	simm.s32 $0x9;
	_ =	strace $0x80000051  }
0xb4: {  	_ =	swait.ge [sflag:s29], $0x1  }
0xb5: {  	[sflag:s29] =	ssyncadd.s32 $0xFFFFFFFF  }
0xb6: {  	_ =	strace $0x90000051  }
0xb7: {  	_ =	sfence  }
0xb8: {  	s30 =	sld [smem:$0x0];
	_ =	sdelay $0x2  }
0xb9: {  	s31 =	sshll.u32 s1, $0xD;
	s1 =	sshrl.u32 s1, $0x2  }
0xba: {  	s3 =	sand.u32 $0x4000, s31;
	s1 =	sadd.s32 s1, s30  }
0xbb: {  	s0 =	sor.u32 s3, s0;
	s1 =	sshll.u32 s1, $0x11  }
0xbc: {  	s0 =	sor.u32 s1, s0  }
0xbd: {  	s0 =	sadd.s32 $0x8F2B, s0  }
0xbe: {  	[sflag:s0] =	ssyncadd.remote.s32 $0x1  }
0xbf: {  	_ =	sfence.sel $0xFFFF  }
0xc0: {  	[dreg:$0x0] =	wrdreg $0xFFFFFFFF;
	(pc) =	sbr.abs _section_cstart, $3  }
0xc1: {  	[dreg:$0x1] =	wrdreg $0xFFFFFFFF  }
0xc2: {  	_ =	task.clear_ibuf [dreg:s7], $0x2FFFF;
	_ =	strace $0x9FFFFFFF  }
0xc3: {  	(tm) =	ssettm $0x7FFFFFFF  }
tec
execute0_lowered:
.L_overlay_start_1:
0x0: {  	(tag) =	ssettag $0x1  }
0x1: {  	s5 =	rddreg [dreg:$0x0]  }
0x2: {  	s8 =	rddreg [dreg:$0x1]  }
0x3: {  	s1 =	rddreg [dreg:$0x2]  }
0x4: {  	s0 =	rddreg [dreg:$0x3];
	s3 =	simm.s32 $0x0  }
0x5: {  	s4 =	srdreg.scid;
	s2 =	stileid.u32;
	s17 =	simm.s32 $0x6A00  }
0x6: {  	s18 =	simm.s32 $0x2;
	s19 =	simm.s32 $0x3500;
	s20 =	simm.s32 $0x80  }
0x7: {  	s21 =	simm.s32 $0x1;
	[smem:$0x7FF] =	sst s3;
	s9 =	smul.u32 $0x6A0, s2  }
0x8: {  	s6 =	sand.u32 $0x1, s4;
	s4 =	sadd.s32 $0x62A00, s5;
	s12 =	smul.u32 $0x1A00, s2  }
0x9: {  	s10 =	sadd.s32 $0xAA00, s5;
	s13 =	sadd.s32 $0x76400, s5;
	s26 =	smul.u32 $0x1380, s2  }
0xa: {  	s28 =	smul.u32 $0x27000, s2;
	s31 =	sshll.u32 s2, $0xD;
	s22 =	sadd.s32 $0x92400, s1  }
0xb: {  	p1 =	seq.s32 s2, $0xF;
	_ =	strace $0x80000050;
	s14 =	smul.u32 $0x13880, s6  }
0xc: {  	s7 =	ssub.s32 $0x2, s6;
	p0 =	seq.s32 s6, $0x1;
	s16 =	smul.u32 $0x9C400, s6  }
0xd: {  	s22 =	sshrl.u32 @p1 s22, $0x3;
	s11 =	sshrl.u32 s7, $0x1;
	s25 =	sshrl.u32 s12, $0x3  }
0xe: {  	s5 =	sadd.s32 s10, s9;
	s6 =	sadd.s32 s8, s9;
	s11 =	ssub.s32 s7, s11  }
0xf: {  	s15 =	sadd.s32 $0x6A00, s25;
	s29 =	sadd.s32 s26, s14;
	s30 =	sshrl.u32 s16, $0x3  }
.Ltmp0:
0x10: {  	s7 =	sadd.s32 s10, s15;
	s8 =	sadd.s32 s8, s15;
	(pc) =	sbr.rel .LBB2_1-.Ltmp0, $4  }
0x11: {  	s9 =	sadd.s32 s13, s29;
	s10 =	sshrl.u32 s28, $0x2;
	s12 =	sadd.s32 s13, s30  }
0x12: {  	s23 =	sadd.s32 s10, s1;
	s10 =	sadd.s32 $0x12480, s12;
	s12 =	sadd.s32 s31, s1  }
0x13: {  	s11 =	smax.u32 s11, $0x1;
	s13 =	sadd.s32 $0x20000, s12;
	s14 =	sadd.s32 $0x40000, s12  }
0x14: {  	v0 =	vimm.f32 $0.0e+00;
	s15 =	sadd.s32 $0x60000, s12;
	s16 =	sadd.s32 $0x80000, s12;
	s23 =	sshrl.u32 @!p1 s23, $0x3  }
.LBB2_6:
0x15: {  	s24 =	sshra.s32 s24, $0x2;
	[sflag:s18] =	ssyncadd.s32 $0xFFFFE000  }
0x16: {  	[tilespmem:s17], [sflag:$0x1] =	stream.indirect.gather [hbm4b:s4+s20], $0x40, s24, s20, $0xb8;
	[tilespmem:$0x12800] =	vst v63  }
0x17: {  	_ =	swait.ge [sflag:s21], $0x2000  }
0x18: {  	[sflag:s21] =	ssyncset.done $0x0  }
0x19: {  	s24 =	sadd.s32 $0x3500, s24;
	[sflag:s21] =	ssyncadd.s32 $0xFFFFE000  }
0x1a: {  	[spmem:s1] =	stream.indirect.scatter.add.f32 [tilespmem:s17], [sflag:$0x2], $0x40, s24, s20, $0xb8;
	[tilespmem:$0x12800] =	vst v63  }
0x1b: {  	_ =	swait.ge [sflag:s18], $0x2000  }
0x1c: {  	[sflag:s18] =	ssyncset.done $0x0  }
0x1d: {  	[sflag:s18] =	ssyncadd.s32 $0xFFFFE000  }
.LBB2_10:
0x1e: {  	[bflag:$0x0] =	sbarrier.arrive $0xFFFF;
	s24 =	simm.s32 @p1 $0x1FC2  }
0x1f: {  	[hbm:s10], [sflag:s24] =	dma.local @p1 [spmem:s22], $0x1400  }
0x20: {  	s24 =	simm.s32 @p1 $0x2  }
0x21: {  	_ =	swait.ge @p1 [sflag:s24], $0x1400  }
0x22: {  	s25 =	sshll.u32 @!p1 s2, $0x6;
	s3 =	sadd.s32 $0x1, s3;
	[sflag:s24] =	ssyncset.done @p1 $0x0  }
0x23: {  	p2 =	sne.s32 s3, s11;
	[sflag:s24] =	ssyncadd.s32 @p1 $0xFFFFEC00;
	s24 =	sor.u32 @!p1 $0x1C02, s25  }
0x24: {  	[hbm:s9], [sflag:s24] =	dma.local @!p1 [spmem:s23], $0x1380  }
.Ltmp1:
0x25: {  	_ = 	snop;
	(pc) =	sbr.rel @!p2 .LBB2_11-.Ltmp1, $4  }
0x26: {  	s24 =	simm.s32 @!p1 $0x2  }
0x27: {  	_ =	swait.ge @!p1 [sflag:s24], $0x1380  }
0x28: {  	[sflag:s24] =	ssyncset.done @!p1 $0x0  }
0x29: {  	[sflag:s24] =	ssyncadd.s32 @!p1 $0xFFFFEC80  }
.LBB2_1:
0x2a: {  	[bflag:$0x0] =	sbarrier.arrive $0xFFFF;
	s25 =	simm.s32 $0x100;
	s24 =	simm.s32 $0x0  }
.LBB2_2:
0x2b: {  	p2 =	sne.s32 s25, $0x7F00;
	[tilespmem:s24+$0x6A30] =	vst v0;
	s26 =	smov.u32 s25;
	s25 =	sadd.s32 $0x100, s25  }
.Ltmp2:
0x2c: {  	[tilespmem:s24+$0x6A20] =	vst v0;
	(pc) =	sbr.rel @p2 .LBB2_2-.Ltmp2, $3  }
0x2d: {  	[tilespmem:s24+$0x6A00] =	vst v0  }
0x2e: {  	[tilespmem:s24+$0x6A10] =	vst v0;
	_ =	sdelay $0x1  }
0x2f: {  	s24 =	sshra.s32 s26, $0x2  }
0x30: {  	[tilespmem:s24+$0x6A30] =	vst v0  }
0x31: {  	[tilespmem:s24+$0x6A20] =	vst v0  }
0x32: {  	[tilespmem:s24+$0x6A00] =	vst v0  }
0x33: {  	[tilespmem:s24+$0x6A10] =	vst v0  }
0x34: {  	[spmem:s12] =	stream.linear.scatter [tilespmem:s17], [sflag:$0x2], $0x2000, $0x38;
	[tilespmem:$0x12800] =	vst v63  }
0x35: {  	_ =	swait.ge [sflag:s18], $0x2000  }
0x36: {  	[sflag:s18] =	ssyncset.done $0x0  }
0x37: {  	[sflag:s18] =	ssyncadd.s32 $0xFFFFE000  }
0x38: {  	[spmem:s13] =	stream.linear.scatter [tilespmem:s17], [sflag:$0x2], $0x2000, $0x38;
	[tilespmem:$0x12800] =	vst v63  }
0x39: {  	_ =	swait.ge [sflag:s18], $0x2000  }
0x3a: {  	[sflag:s18] =	ssyncset.done $0x0  }
0x3b: {  	[sflag:s18] =	ssyncadd.s32 $0xFFFFE000  }
0x3c: {  	[spmem:s14] =	stream.linear.scatter [tilespmem:s17], [sflag:$0x2], $0x2000, $0x38;
	[tilespmem:$0x12800] =	vst v63  }
0x3d: {  	_ =	swait.ge [sflag:s18], $0x2000  }
0x3e: {  	[sflag:s18] =	ssyncset.done $0x0  }
0x3f: {  	[sflag:s18] =	ssyncadd.s32 $0xFFFFE000  }
0x40: {  	[spmem:s15] =	stream.linear.scatter [tilespmem:s17], [sflag:$0x2], $0x2000, $0x38;
	[tilespmem:$0x12800] =	vst v63  }
0x41: {  	_ =	swait.ge [sflag:s18], $0x2000  }
0x42: {  	[sflag:s18] =	ssyncset.done $0x0  }
0x43: {  	s24 =	simm.s32 @!p1 $0x6A00;
	[sflag:s18] =	ssyncadd.s32 $0xFFFFE000  }
0x44: {  	[spmem:s16] =	stream.linear.scatter @!p1 [tilespmem:s24], [sflag:$0x2], $0x2000, $0x38;
	[tilespmem:$0x12800] =	vst v63  }
0x45: {  	s24 =	simm.s32 @!p1 $0x2  }
.Ltmp3:
0x46: {  	_ =	swait.ge @!p1 [sflag:s24], $0x2000;
	(pc) =	sbr.rel @!p0 .LBB2_4-.Ltmp3, $4  }
0x47: {  	[sflag:s24] =	ssyncset.done @!p1 $0x0  }
0x48: {  	[sflag:s24] =	ssyncadd.s32 @!p1 $0xFFFFE000  }
0x49: {  	[bflag:$0x0] =	sbarrier.arrive $0xFFFF  }
0x4a: {  	s24 =	simm.s32 $0x0  }
0x4b: {  	[tilespmem:s24], [sflag:$0x2] =	stream.linear.gather [hbm4b:s7+s24], $0x1A00, $0x38;
	[tilespmem:$0x12800] =	vst v63  }
0x4c: {  	_ =	swait.ge [sflag:s18], $0x1A00  }
0x4d: {  	[sflag:s18] =	ssyncset.done $0x0  }
0x4e: {  	[sflag:s18] =	ssyncadd.s32 $0xFFFFE600  }
0x4f: {  	[tilespmem:s19], [sflag:$0x2] =	stream.linear.gather [hbm4b:s8+s24], $0x1A00, $0x38;
	[tilespmem:$0x12800] =	vst v63  }
0x50: {  	_ =	swait.ge [sflag:s18], $0x1A00  }
0x51: {  	[sflag:s18] =	ssyncset.done $0x0  }
0x52: {  	s30 =	simm.s32 $0x0;
	[sflag:s18] =	ssyncadd.s32 $0xFFFFE600  }
0x53: {  	[tilespmem:s17], [sflag:$0x1] =	stream.indirect.gather [hbm4b:s4+s20], $0x40, s30, s20, $0xb8;
	[tilespmem:$0x12800] =	vst v63  }
0x54: {  	_ =	swait.ge [sflag:s21], $0x2000  }
0x55: {  	[sflag:s21] =	ssyncset.done $0x0  }
0x56: {  	s31 =	simm.s32 $0x3500;
	[sflag:s21] =	ssyncadd.s32 $0xFFFFE000  }
0x57: {  	[spmem:s1] =	stream.indirect.scatter.add.f32 [tilespmem:s17], [sflag:$0x2], $0x40, s31, s20, $0xb8;
	[tilespmem:$0x12800] =	vst v63  }
0x58: {  	_ =	swait.ge [sflag:s18], $0x2000  }
0x59: {  	s25 =	simm.s32 $0x400;
	s24 =	simm.s32 $0x200;
	[sflag:s18] =	ssyncset.done $0x0  }
.LBB2_8:
0x5a: {  	s26 =	sshra.s32 s24, $0x2  }
0x5b: {  	[sflag:s18] =	ssyncadd.s32 $0xFFFFE000;
	s24 =	smov.u32 s25;
	s28 =	sadd.s32 $0x200, s25  }
0x5c: {  	[tilespmem:s17], [sflag:$0x1] =	stream.indirect.gather [hbm4b:s4+s20], $0x40, s26, s20, $0xb8;
	[tilespmem:$0x12800] =	vst v63  }
0x5d: {  	p2 =	sne.s32 s25, $0x6600;
	_ =	swait.ge [sflag:s21], $0x2000  }
.Ltmp4:
0x5e: {  	[sflag:s21] =	ssyncset.done $0x0;
	(pc) =	sbr.rel @p2 .LBB2_8-.Ltmp4, $4  }
0x5f: {  	s25 =	sadd.s32 $0x3500, s26;
	[sflag:s21] =	ssyncadd.s32 $0xFFFFE000  }
0x60: {  	[spmem:s1] =	stream.indirect.scatter.add.f32 [tilespmem:s17], [sflag:$0x2], $0x40, s25, s20, $0xb8;
	[tilespmem:$0x12800] =	vst v63  }
0x61: {  	_ =	swait.ge [sflag:s18], $0x2000  }
0x62: {  	s25 =	smov.u32 s28;
	[sflag:s18] =	ssyncset.done $0x0  }
0x63: {  	s24 =	sshra.s32 s24, $0x2;
	[sflag:s18] =	ssyncadd.s32 $0xFFFFE000  }
0x64: {  	[tilespmem:s17], [sflag:$0x1] =	stream.indirect.gather [hbm4b:s4+s20], $0x40, s24, s20, $0xb8;
	[tilespmem:$0x12800] =	vst v63  }
0x65: {  	_ =	swait.ge [sflag:s21], $0x2000  }
0x66: {  	[sflag:s21] =	ssyncset.done $0x0  }
.Ltmp5:
0x67: {  	s24 =	sadd.s32 $0x3500, s24;
	[sflag:s21] =	ssyncadd.s32 $0xFFFFE000;
	(pc) =	sbr.rel .LBB2_10-.Ltmp5, $4  }
0x68: {  	[spmem:s1] =	stream.indirect.scatter.add.f32 [tilespmem:s17], [sflag:$0x2], $0x40, s24, s20, $0xb8;
	[tilespmem:$0x12800] =	vst v63  }
0x69: {  	_ =	swait.ge [sflag:s18], $0x2000  }
0x6a: {  	[sflag:s18] =	ssyncset.done $0x0  }
0x6b: {  	[sflag:s18] =	ssyncadd.s32 $0xFFFFE000  }
.LBB2_4:
0x6c: {  	[tilespmem:s24], [sflag:$0x2] =	stream.linear.gather [hbm4b:s5+s24], $0x3500, $0x38;
	[tilespmem:$0x12800] =	vst v63  }
0x6d: {  	_ =	swait.ge [sflag:s18], $0x3500  }
0x6e: {  	[sflag:s18] =	ssyncset.done $0x0  }
0x6f: {  	[sflag:s18] =	ssyncadd.s32 $0xFFFFCB00  }
0x70: {  	[tilespmem:s19], [sflag:$0x2] =	stream.linear.gather [hbm4b:s6+s24], $0x3500, $0x38;
	[tilespmem:$0x12800] =	vst v63  }
0x71: {  	_ =	swait.ge [sflag:s18], $0x3500  }
0x72: {  	[sflag:s18] =	ssyncset.done $0x0  }
0x73: {  	s30 =	simm.s32 $0x0;
	[sflag:s18] =	ssyncadd.s32 $0xFFFFCB00  }
0x74: {  	[tilespmem:s17], [sflag:$0x1] =	stream.indirect.gather [hbm4b:s4+s20], $0x40, s30, s20, $0xb8;
	[tilespmem:$0x12800] =	vst v63  }
0x75: {  	_ =	swait.ge [sflag:s21], $0x2000  }
0x76: {  	[sflag:s21] =	ssyncset.done $0x0  }
0x77: {  	s31 =	simm.s32 $0x3500;
	[sflag:s21] =	ssyncadd.s32 $0xFFFFE000  }
0x78: {  	[spmem:s1] =	stream.indirect.scatter.add.f32 [tilespmem:s17], [sflag:$0x2], $0x40, s31, s20, $0xb8;
	[tilespmem:$0x12800] =	vst v63  }
0x79: {  	_ =	swait.ge [sflag:s18], $0x2000  }
0x7a: {  	s25 =	simm.s32 $0x400;
	s24 =	simm.s32 $0x200;
	[sflag:s18] =	ssyncset.done $0x0  }
.LBB2_5:
0x7b: {  	s26 =	sshra.s32 s24, $0x2  }
0x7c: {  	[sflag:s18] =	ssyncadd.s32 $0xFFFFE000;
	s24 =	smov.u32 s25;
	s28 =	sadd.s32 $0x200, s25  }
0x7d: {  	[tilespmem:s17], [sflag:$0x1] =	stream.indirect.gather [hbm4b:s4+s20], $0x40, s26, s20, $0xb8;
	[tilespmem:$0x12800] =	vst v63  }
0x7e: {  	p2 =	seq.s32 s25, $0xD200;
	_ =	swait.ge [sflag:s21], $0x2000  }
.Ltmp6:
0x7f: {  	[sflag:s21] =	ssyncset.done $0x0;
	(pc) =	sbr.rel @!p2 .LBB2_5-.Ltmp6, $4  }
0x80: {  	s25 =	sadd.s32 $0x3500, s26;
	[sflag:s21] =	ssyncadd.s32 $0xFFFFE000  }
0x81: {  	[spmem:s1] =	stream.indirect.scatter.add.f32 [tilespmem:s17], [sflag:$0x2], $0x40, s25, s20, $0xb8;
	[tilespmem:$0x12800] =	vst v63  }
0x82: {  	_ =	swait.ge [sflag:s18], $0x2000  }
0x83: {  	s25 =	smov.u32 s28;
	[sflag:s18] =	ssyncset.done $0x0  }
.Ltmp7:
0x84: {  	_ = 	snop;
	(pc) =	sbr.rel .LBB2_6-.Ltmp7, $1  }
0x85: {  	_ =	sdelay $0x3  }
.LBB2_11:
0x86: {  	_ =	sfence.sel $0x180000  }
0x87: {  	[bflag:$0x0] =	sbarrier.arrive $0xFFFF  }
0x88: {  	p0 =	sne.s32 s2, $0x0;
	_ =	strace $0x90000050  }
0x89: {  	s0 =	sadd.s32 @!p0 $0x100000, s0;
	[bflag:$0x2] =	sbarrier.arrive $0xFFFF  }
0x8a: {  	[sflag:s0] =	ssyncadd.tile.s32 @!p0 $0x1;
	_ =	shalt  }
.Lfunc_end2:
_tile_overlayer_lowered:
.L_overlay_start_2:
0x8b: {  	(tag) =	ssettag $0x2  }
0x8c: {  	s0 =	rddreg [dreg:$0x0];
	s2 =	stileid.u32  }
0x8d: {  	s1 =	rddreg [dreg:$0x1];
	p0 =	sne.s32 s2, $0x0  }
0x8e: {  	s3 =	rddreg [dreg:$0x2];
	[bflag:$0x3] =	sbarrier.arrive $0xFFFF;
	s2 =	simm.s32 @!p0 $0x1C02  }
0x8f: {  	[timem:s3], [sflag:s2] =	dma.local @!p0 [hbm:s0], s1  }
0x90: {  	s0 =	simm.s32 @!p0 $0x2  }
0x91: {  	_ =	swait.ge @!p0 [sflag:s0], s1  }
0x92: {  	s1 =	ssub.s32 @!p0 $0x0, s1;
	[sflag:s0] =	ssyncset.done @!p0 $0x0  }
0x93: {  	[sflag:s0] =	ssyncadd.s32 @!p0 s1  }
0x94: {  	[bflag:$0x3] =	sbarrier.arrive $0xFFFF  }
0x95: {  	_ =	shalt  }

</sc_bundles>
